<compile_context>
chip_gen: v7x
topology: tpu7x:2x2x1
jax: 0.10.2.dev20260603
libtpu: 0.0.44.dev20260713+nightly
codegen_flags: <defaults>
</compile_context>

<pallas_src>
import functools

import jax
import jax.numpy as jnp
from jax import lax
from jax.experimental import pallas as pl
from jax.experimental.pallas import tpu as pltpu
from jax.experimental.pallas import tpu_sc as plsc

N = 10000
NP = 10240
E = 320000
NC, NS, L = 2, 16, 16
B = 128
D = 128
EP = 323584
CH_FEAT = EP // NS
CH_EDGE = EP // (NC * NS)
NB_FEAT = CH_FEAT // B
NB_EDGE = CH_EDGE // B
HALF = NP // NC
PTN = HALF // NS
RPT = NP // NS // B

_f32 = jnp.float32
_i32 = jnp.int32


def _mesh():
    return plsc.VectorSubcoreMesh(
        core_axis_name="c", subcore_axis_name="s", num_cores=NC, num_subcores=NS
    )


def _rsqrt16(v):
    i = lax.bitcast_convert_type(v, _i32)
    i = jnp.int32(0x5F3759DF) - lax.shift_right_arithmetic(i, 1)
    y = lax.bitcast_convert_type(i, _f32)
    for _ in range(4):
        y = y * (1.5 - 0.5 * v * y * y)
    return y


@functools.partial(
    pl.kernel,
    out_type=(
        jax.ShapeDtypeStruct((NP,), _f32),
        jax.ShapeDtypeStruct((NP, 16), _f32),
    ),
    mesh=_mesh(),
    compiler_params=pltpu.CompilerParams(needs_layout_passes=False),
    scratch_types=[
        pltpu.VMEM((B,), _i32),
        pltpu.VMEM((B,), _f32),
        pltpu.VMEM((NP,), _f32),
        pltpu.VMEM((PTN,), _f32),
        pltpu.VMEM((PTN,), _f32),
        pltpu.VMEM((PTN,), _f32),
        pltpu.VMEM((PTN, 16), _f32),
        pltpu.VMEM_SHARED((NS * NP,), _f32),
    ],
)
def _deg_dinv(dst_hbm, ew_hbm, dinv_hbm, d2_hbm,
              didx, ewv, dacc, tmpv, degv, dinvv, d2v, shp):
    c = lax.axis_index("c")
    s = lax.axis_index("s")

    def _z(j, _):
        dacc[pl.ds(j * L, L)] = jnp.zeros((L,), _f32)
        return 0

    lax.fori_loop(0, NP // L, _z, 0)

    def _body(b, _):
        base = s * CH_FEAT + b * B
        pltpu.sync_copy(dst_hbm.at[pl.ds(base, B)], didx)
        pltpu.sync_copy(ew_hbm.at[pl.ds(base, B)], ewv)

        def _sc(j, _):
            sl = pl.ds(j * L, L)
            plsc.addupdate_scatter(dacc, [didx[sl]], ewv[sl])
            return 0

        lax.fori_loop(0, B // L, _sc, 0)
        return 0

    lax.fori_loop(0, NB_FEAT, _body, 0)
    pltpu.sync_copy(dacc, shp.at[pl.ds(s * NP, NP)])
    plsc.subcore_barrier()

    gbase = c * HALF + s * PTN

    def _zz(j, _):
        degv[pl.ds(j * L, L)] = jnp.zeros((L,), _f32)
        return 0

    lax.fori_loop(0, PTN // L, _zz, 0)
    for r in range(NS):
        pltpu.sync_copy(shp.at[pl.ds(r * NP + gbase, PTN)], tmpv)

        def _acc(j, _):
            sl = pl.ds(j * L, L)
            degv[sl] = degv[sl] + tmpv[sl]
            return 0

        lax.fori_loop(0, PTN // L, _acc, 0)

    def _dinv(j, _):
        v = degv[pl.ds(j * L, L)] + 1.0
        dinvv[pl.ds(j * L, L)] = _rsqrt16(v)
        return 0

    lax.fori_loop(0, PTN // L, _dinv, 0)

    def _splat(i, _):
        y = plsc.load_gather(dinvv, [jnp.broadcast_to(i, (L,))])
        d2v[i] = y * y
        return 0

    lax.fori_loop(0, PTN, _splat, 0)
    pltpu.sync_copy(dinvv, dinv_hbm.at[pl.ds(gbase, PTN)])
    pltpu.sync_copy(d2v, d2_hbm.at[pl.ds(gbase, PTN)])


@functools.partial(
    pl.kernel,
    out_type=jax.ShapeDtypeStruct((EP,), _f32),
    mesh=_mesh(),
    compiler_params=pltpu.CompilerParams(needs_layout_passes=False),
    scratch_types=[
        pltpu.VMEM((NP,), _f32),
        pltpu.VMEM((B,), _i32),
        pltpu.VMEM((B,), _i32),
        pltpu.VMEM((B,), _f32),
        pltpu.VMEM((B,), _f32),
    ],
)
def _norm(src_hbm, dst_hbm, ew_hbm, dinv_hbm, norm_hbm, dv, sidx, didx, ewv, nmv):
    c = lax.axis_index("c")
    s = lax.axis_index("s")
    wid = s * NC + c
    pltpu.sync_copy(dinv_hbm, dv)
    base0 = wid * CH_EDGE

    def _body(b, _):
        base = base0 + b * B
        pltpu.sync_copy(src_hbm.at[pl.ds(base, B)], sidx)
        pltpu.sync_copy(dst_hbm.at[pl.ds(base, B)], didx)
        pltpu.sync_copy(ew_hbm.at[pl.ds(base, B)], ewv)

        def _g(j, _):
            sl = pl.ds(j * L, L)
            nm = plsc.load_gather(dv, [sidx[sl]]) * ewv[sl] * plsc.load_gather(dv, [didx[sl]])
            nmv[sl] = nm
            return 0

        lax.fori_loop(0, B // L, _g, 0)
        pltpu.sync_copy(nmv, norm_hbm.at[pl.ds(base, B)])
        return 0

    lax.fori_loop(0, NB_EDGE, _body, 0)


def _make_agg(feat_split):
    nvr = D // L
    nb = NB_FEAT if feat_split else NB_EDGE

    @functools.partial(
        pl.kernel,
        out_type=jax.ShapeDtypeStruct((NC, NP, D), _f32),
        mesh=_mesh(),
        compiler_params=pltpu.CompilerParams(needs_layout_passes=False),
        scratch_types=[
            pltpu.VMEM((B,), _i32),
            pltpu.VMEM((B,), _i32),
            pltpu.VMEM((B,), _i32),
            pltpu.VMEM((B,), _f32),
            pltpu.VMEM((B, D), _f32),
            pltpu.VMEM_SHARED((NP, D), _f32),
            pltpu.SemaphoreType.DMA,
        ],
    )
    def _agg(tbl_hbm, src_hbm, dst_hbm, nrm_hbm, out_hbm,
             sidx, sidx2, didx, nrm, rows, acc, sem):
        c = lax.axis_index("c")
        s = lax.axis_index("s")

        def _z(i, _):
            for k in range(nvr):
                rows[i, pl.ds(k * L, L)] = jnp.zeros((L,), _f32)
            return 0

        lax.fori_loop(0, B, _z, 0)
        for r in range(RPT):
            pltpu.sync_copy(rows, acc.at[pl.ds((s * RPT + r) * B, B)])
        plsc.subcore_barrier()

        if feat_split:
            base0 = s * CH_FEAT
            off = c * NP
        else:
            base0 = (s * NC + c) * CH_EDGE
            off = 0

        def _body(b, _):
            base = base0 + b * B
            pltpu.sync_copy(src_hbm.at[pl.ds(base, B)], sidx)
            pltpu.sync_copy(dst_hbm.at[pl.ds(base, B)], didx)
            pltpu.sync_copy(nrm_hbm.at[pl.ds(base, B)], nrm)

            def _shift(j, _):
                sl = pl.ds(j * L, L)
                sidx2[sl] = sidx[sl] + off
                return 0

            lax.fori_loop(0, B // L, _shift, 0)
            pltpu.async_copy(tbl_hbm.at[sidx2], rows, sem).wait()

            def _scale(i, _):
                n = plsc.load_gather(nrm, [jnp.broadcast_to(i, (L,))])
                for k in range(nvr):
                    sl = pl.ds(k * L, L)
                    rows[i, sl] = rows[i, sl] * n
                return 0

            lax.fori_loop(0, B, _scale, 0)
            pltpu.sync_copy(rows, acc.at[didx], add=True)
            return 0

        lax.fori_loop(0, nb, _body, 0)
        plsc.subcore_barrier()

        def _wb(r, _):
            rb = (s * RPT + r) * B
            pltpu.sync_copy(acc.at[pl.ds(rb, B)], rows)
            pltpu.sync_copy(rows, out_hbm.at[c, pl.ds(rb, B)])
            return 0

        lax.fori_loop(0, RPT, _wb, 0)

    return _agg


_agg_edge = _make_agg(False)
_agg_feat = _make_agg(True)


_BN = 512
_G = NP // _BN


def _mlp1_body(alo, ahi, xr, d2r, w1r, b1r, w2r, outr):
    a = alo[0] + ahi[0]
    z = a + d2r[:, 0:1] * xr[...]
    h1 = jnp.maximum(jnp.dot(z, w1r[...], preferred_element_type=_f32) + b1r[...], 0.0)
    g = jnp.dot(h1, w2r[...], preferred_element_type=_f32)
    outr[0] = g[:, :128]
    outr[1] = g[:, 128:]


_mlp1 = pl.pallas_call(
    _mlp1_body,
    grid=(_G,),
    in_specs=[
        pl.BlockSpec((1, _BN, 128), lambda i: (0, i, 0)),
        pl.BlockSpec((1, _BN, 128), lambda i: (1, i, 0)),
        pl.BlockSpec((_BN, 128), lambda i: (i, 0)),
        pl.BlockSpec((_BN, 16), lambda i: (i, 0)),
        pl.BlockSpec((128, 512), lambda i: (0, 0)),
        pl.BlockSpec((1, 512), lambda i: (0, 0)),
        pl.BlockSpec((512, 256), lambda i: (0, 0)),
    ],
    out_specs=pl.BlockSpec((NC, _BN, 128), lambda i: (0, i, 0)),
    out_shape=jax.ShapeDtypeStruct((NC, NP, 128), _f32),
)


def _mlp2_body(alo, ahi, glo, ghi, d2r, b2r, wl1r, bl1r, wl2r, bl2r, wl3r, bl3r, outr):
    a = jnp.concatenate([alo[0], ahi[0]], axis=1)
    g = jnp.concatenate([glo[0], ghi[0]], axis=1)
    h = jnp.maximum(a + d2r[:, 0:1] * g + b2r[...], 0.0)
    h = jnp.maximum(jnp.dot(h, wl1r[...], preferred_element_type=_f32) + bl1r[...], 0.0)
    h = jnp.maximum(jnp.dot(h, wl2r[...], preferred_element_type=_f32) + bl2r[...], 0.0)
    lg = jnp.dot(h, wl3r[...], preferred_element_type=_f32) + bl3r[...]
    m = jnp.max(lg, axis=1, keepdims=True)
    e = jnp.exp(lg - m)
    outr[...] = e / jnp.sum(e, axis=1, keepdims=True)


_mlp2 = pl.pallas_call(
    _mlp2_body,
    grid=(_G,),
    in_specs=[
        pl.BlockSpec((1, _BN, 128), lambda i: (0, i, 0)),
        pl.BlockSpec((1, _BN, 128), lambda i: (1, i, 0)),
        pl.BlockSpec((1, _BN, 128), lambda i: (0, i, 0)),
        pl.BlockSpec((1, _BN, 128), lambda i: (1, i, 0)),
        pl.BlockSpec((_BN, 16), lambda i: (i, 0)),
        pl.BlockSpec((1, 256), lambda i: (0, 0)),
        pl.BlockSpec((256, 128), lambda i: (0, 0)),
        pl.BlockSpec((1, 128), lambda i: (0, 0)),
        pl.BlockSpec((128, 64), lambda i: (0, 0)),
        pl.BlockSpec((1, 64), lambda i: (0, 0)),
        pl.BlockSpec((64, 128), lambda i: (0, 0)),
        pl.BlockSpec((1, 128), lambda i: (0, 0)),
    ],
    out_specs=pl.BlockSpec((_BN, 128), lambda i: (i, 0)),
    out_shape=jax.ShapeDtypeStruct((NP, 128), _f32),
)


def kernel(x, edge_index, edge_weight, W1, b1, W2, b2, Wl1, bl1, Wl2, bl2, Wl3, bl3):
    xp = jnp.pad(x, ((0, NP - N), (0, 0)))
    srcp = jnp.pad(edge_index[0], (0, EP - E))
    dstp = jnp.pad(edge_index[1], (0, EP - E))
    ewp = jnp.pad(edge_weight, (0, EP - E))

    dinv, d2 = _deg_dinv(dstp, ewp)
    normp = _norm(srcp, dstp, ewp, dinv)

    agg1 = _agg_edge(xp, srcp, dstp, normp)

    g1s = _mlp1(agg1, agg1, xp, d2, W1, b1.reshape(1, -1), W2)

    agg2 = _agg_feat(g1s.reshape(NC * NP, D), srcp, dstp, normp)

    wl3p = jnp.pad(Wl3, ((0, 0), (0, 128 - Wl3.shape[1])))
    bl3p = jnp.concatenate(
        [bl3, jnp.full((128 - bl3.shape[0],), -1e30, _f32)]
    ).reshape(1, -1)
    probs = _mlp2(
        agg2, agg2, g1s, g1s, d2, b2.reshape(1, -1),
        Wl1, bl1.reshape(1, -1), Wl2, bl2.reshape(1, -1), wl3p, bl3p,
    )
    return probs[:N, : Wl3.shape[1]]

# --- scband reference (transcript-rebuilt; emitter-appended) ---
"""Pipeline reference for scband-gcn-31963146617086 (READ-ONLY COPY).

The authoritative reference and input builder live on the scoring server;
editing this copy changes nothing except your own understanding.
"""

import jax, jax.numpy as jnp
import numpy as np

N = 10000
E = 320000
D_IN = 128
NUM_CLASSES = 40


def setup_inputs(seed: int = 0) -> dict:
    key = jax.random.key(seed)
    ks = jax.random.split(key, 16)
    x = jax.random.normal(ks[0], (N, D_IN), dtype=jnp.float32)
    edge_index = jax.random.randint(ks[1], (2, E), 0, N, dtype=jnp.int32)
    edge_weight = jax.random.uniform(ks[2], (E,), dtype=jnp.float32)

    def lin_init(k, fan_in, fan_out):
        k1, k2 = jax.random.split(k)
        bound = 1.0 / np.sqrt(fan_in)
        W = jax.random.uniform(k1, (fan_in, fan_out), jnp.float32, -bound, bound)
        b = jax.random.uniform(k2, (fan_out,), jnp.float32, -bound, bound)
        return W, b

    W1, b1 = lin_init(ks[3], D_IN, 512)
    W2, b2 = lin_init(ks[4], 512, 256)
    Wl1, bl1 = lin_init(ks[5], 256, 128)
    Wl2, bl2 = lin_init(ks[6], 128, 64)
    Wl3, bl3 = lin_init(ks[7], 64, NUM_CLASSES)
    return {
        "x": x, "edge_index": edge_index, "edge_weight": edge_weight,
        "W1": W1, "b1": b1, "W2": W2, "b2": b2,
        "Wl1": Wl1, "bl1": bl1, "Wl2": Wl2, "bl2": bl2,
        "Wl3": Wl3, "bl3": bl3,
    }


def _gcn_conv(x, edge_index, edge_weight, W, b):
    n = x.shape[0]
    src = edge_index[0]
    dst = edge_index[1]
    loop = jnp.arange(n, dtype=src.dtype)
    src = jnp.concatenate([src, loop])
    dst = jnp.concatenate([dst, loop])
    ew = jnp.concatenate([edge_weight, jnp.ones((n,), edge_weight.dtype)])
    deg = jax.ops.segment_sum(ew, dst, num_segments=n)
    dinv = jnp.where(deg > 0, jax.lax.rsqrt(jnp.maximum(deg, 1e-12)), 0.0)
    norm = dinv[src] * ew * dinv[dst]
    h = x @ W
    msg = h[src] * norm[:, None]
    out = jax.ops.segment_sum(msg, dst, num_segments=n)
    return out + b


def reference(x, edge_index, edge_weight, W1, b1, W2, b2, Wl1, bl1, Wl2, bl2, Wl3, bl3):
    h = _gcn_conv(x, edge_index, edge_weight, W1, b1)
    h = jax.nn.relu(h)
    # dropout is identity in eval / deterministic reference
    h = _gcn_conv(h, edge_index, edge_weight, W2, b2)
    h = jax.nn.relu(h)
    h = jax.nn.relu(h @ Wl1 + bl1)
    h = jax.nn.relu(h @ Wl2 + bl2)
    h = h @ Wl3 + bl3
    return jax.nn.softmax(h, axis=1)

if __name__ == "__main__":
    import jax
    _d = setup_inputs()
    print(jax.jit(kernel)(*tuple(_d.values())))

</pallas_src>

<mosaic_0001>
#map = affine_map<(d0, d1) -> (0)>
#map1 = affine_map<(d0, d1) -> (0, 0)>
module attributes {stable_mosaic.version = 14 : i64} {
  func.func @_deg_dinv(%arg0: i32, %arg1: i32, %arg2: memref<323584xi32, #tpu.memory_space<hbm>>, %arg3: memref<323584xf32, #tpu.memory_space<hbm>>, %arg4: memref<10240xf32, #tpu.memory_space<hbm>>, %arg5: memref<10240x16xf32, #tpu.memory_space<hbm>>, %arg6: memref<128xi32, #tpu.memory_space<vmem>>, %arg7: memref<128xf32, #tpu.memory_space<vmem>>, %arg8: memref<10240xf32, #tpu.memory_space<vmem>>, %arg9: memref<320xf32, #tpu.memory_space<vmem>>, %arg10: memref<320xf32, #tpu.memory_space<vmem>>, %arg11: memref<320xf32, #tpu.memory_space<vmem>>, %arg12: memref<320x16xf32, #tpu.memory_space<vmem>>, %arg13: memref<163840xf32, #tpu.memory_space<vmem_shared>>) attributes {dimension_semantics = [#tpu.dimension_semantics<core_parallel>, #tpu.dimension_semantics<subcore_parallel>], iteration_bounds = array<i64: 2, 16>, scalar_prefetch = 0 : i64, scratch_operands = 8 : i64, tpu.core_type = #tpu.core_type<sc_vector_subcore>, window_params = [{transform_indices = #map}, {transform_indices = #map}, {transform_indices = #map}, {transform_indices = #map1}]} {
    %scan3A = arith.constant 0 : i32
    %scan3A_0 = arith.constant 0 : i32
    %scan3A_1 = arith.constant 640 : i32
    %scan3A_2 = arith.addi %scan3A_0, %scan3A_1 : i32
    %scan3A_3 = arith.constant 1 : i32
    %scan3A_4 = scf.for %scan3A_183 = %scan3A_0 to %scan3A_2 step %scan3A_3 iter_args(%scan3A_184 = %scan3A) -> (i32)  : i32 {
      %broadcast_in_dim3A = arith.constant 0.000000e+00 : f32
      %broadcast_in_dim3A_185 = vector.broadcast %broadcast_in_dim3A : f32 to vector<16xf32>
      %mul3A_186 = arith.constant 16 : i32
      %mul3A_187 = arith.muli %scan3A_183, %mul3A_186 : i32
      %swap3A = arith.index_cast %mul3A_187 : i32 to index
      %swap3A_188 = tpu.vector_load %arg8[%swap3A] {strides = array<i32>} : memref<10240xf32, #tpu.memory_space<vmem>>, vector<16xf32>,
      tpu.vector_store %arg8[%swap3A], %broadcast_in_dim3A_185 {strides = array<i32>} : memref<10240xf32, #tpu.memory_space<vmem>>, vector<16xf32>,
      %scan3A_189 = arith.constant 0 : i32
      scf.yield %scan3A_189 : i32
    }
    %scan3A_5 = arith.constant 640 : i32
    %scan3A_6 = arith.constant 0 : i32
    %scan3A_7 = arith.constant 0 : i32
    %scan3A_8 = arith.constant 158 : i32
    %scan3A_9 = arith.addi %scan3A_7, %scan3A_8 : i32
    %scan3A_10 = arith.constant 1 : i32
    %scan3A_11 = scf.for %scan3A_183 = %scan3A_7 to %scan3A_9 step %scan3A_10 iter_args(%scan3A_184 = %scan3A_6) -> (i32)  : i32 {
      %mul3A_185 = arith.constant 20224 : i32
      %mul3A_186 = arith.muli %arg1, %mul3A_185 : i32
      %mul3A_187 = arith.constant 128 : i32
      %mul3A_188 = arith.muli %scan3A_183, %mul3A_187 : i32
      %add3A_189 = arith.addi %mul3A_186, %mul3A_188 : i32
      "tpu.region"() ({
        %run_scoped3A = tpu.sem_alloc : memref<!tpu.dma_semaphore, #tpu.memory_space<semaphore_mem>>
        %dma_start3A = tpu.memref_slice %arg2[%add3A_189] : memref<323584xi32, #tpu.memory_space<hbm>> -> memref<128xi32, #tpu.memory_space<hbm>>
        %dma_start3A_198 = tpu.memref_slice %arg2[%add3A_189] : memref<323584xi32, #tpu.memory_space<hbm>> -> memref<128xi32, #tpu.memory_space<hbm>>
        tpu.enqueue_dma source(%dma_start3A_198 : memref<128xi32, #tpu.memory_space<hbm>>) target(%arg6 : memref<128xi32, #tpu.memory_space<vmem>>) target_semaphore(%run_scoped3A : memref<!tpu.dma_semaphore, #tpu.memory_space<semaphore_mem>>)
        %dma_wait3A = tpu.memref_slice %arg2[%add3A_189] : memref<323584xi32, #tpu.memory_space<hbm>> -> memref<128xi32, #tpu.memory_space<hbm>>
        %dma_wait3A_199 = tpu.memref_slice %arg2[%add3A_189] : memref<323584xi32, #tpu.memory_space<hbm>> -> memref<128xi32, #tpu.memory_space<hbm>>
        tpu.wait_dma2 semaphore(%run_scoped3A : memref<!tpu.dma_semaphore, #tpu.memory_space<semaphore_mem>>) src(%dma_wait3A_199 : memref<128xi32, #tpu.memory_space<hbm>>) dst(%arg6 : memref<128xi32, #tpu.memory_space<vmem>>)
        tpu.yield
      }) : () -> ()
      "tpu.region"() ({
        %run_scoped3A = tpu.sem_alloc : memref<!tpu.dma_semaphore, #tpu.memory_space<semaphore_mem>>
        %dma_start3A = tpu.memref_slice %arg3[%add3A_189] : memref<323584xf32, #tpu.memory_space<hbm>> -> memref<128xf32, #tpu.memory_space<hbm>>
        %dma_start3A_198 = tpu.memref_slice %arg3[%add3A_189] : memref<323584xf32, #tpu.memory_space<hbm>> -> memref<128xf32, #tpu.memory_space<hbm>>
        tpu.enqueue_dma source(%dma_start3A_198 : memref<128xf32, #tpu.memory_space<hbm>>) target(%arg7 : memref<128xf32, #tpu.memory_space<vmem>>) target_semaphore(%run_scoped3A : memref<!tpu.dma_semaphore, #tpu.memory_space<semaphore_mem>>)
        %dma_wait3A = tpu.memref_slice %arg3[%add3A_189] : memref<323584xf32, #tpu.memory_space<hbm>> -> memref<128xf32, #tpu.memory_space<hbm>>
        %dma_wait3A_199 = tpu.memref_slice %arg3[%add3A_189] : memref<323584xf32, #tpu.memory_space<hbm>> -> memref<128xf32, #tpu.memory_space<hbm>>
        tpu.wait_dma2 semaphore(%run_scoped3A : memref<!tpu.dma_semaphore, #tpu.memory_space<semaphore_mem>>) src(%dma_wait3A_199 : memref<128xf32, #tpu.memory_space<hbm>>) dst(%arg7 : memref<128xf32, #tpu.memory_space<vmem>>)
        tpu.yield
      }) : () -> ()
      %scan3A_190 = arith.constant 0 : i32
      %scan3A_191 = arith.constant 0 : i32
      %scan3A_192 = arith.constant 8 : i32
      %scan3A_193 = arith.addi %scan3A_191, %scan3A_192 : i32
      %scan3A_194 = arith.constant 1 : i32
      %scan3A_195 = scf.for %scan3A_198 = %scan3A_191 to %scan3A_193 step %scan3A_194 iter_args(%scan3A_199 = %scan3A_190) -> (i32)  : i32 {
        %mul3A_200 = arith.constant 16 : i32
        %mul3A_201 = arith.muli %scan3A_198, %mul3A_200 : i32
        %get3A = arith.index_cast %mul3A_201 : i32 to index
        %get3A_202 = tpu.vector_load %arg6[%get3A] {strides = array<i32>} : memref<128xi32, #tpu.memory_space<vmem>>, vector<16xi32>,
        %get3A_203 = arith.index_cast %mul3A_201 : i32 to index
        %get3A_204 = tpu.vector_load %arg7[%get3A_203] {strides = array<i32>} : memref<128xf32, #tpu.memory_space<vmem>>, vector<16xf32>,
        tpu.vector_store_idx %arg8[%get3A_202], %get3A_204 {add = true} : memref<10240xf32, #tpu.memory_space<vmem>>[vector<16xi32>], vector<16xf32>,
        %scan3A_205 = arith.constant 0 : i32
        scf.yield %scan3A_205 : i32
      }
      %scan3A_196 = arith.constant 8 : i32
      %scan3A_197 = arith.constant 0 : i32
      scf.yield %scan3A_197 : i32
    }
    %scan3A_12 = arith.constant 158 : i32
    %mul3A = arith.constant 10240 : i32
    %mul3A_13 = arith.muli %arg1, %mul3A : i32
    "tpu.region"() ({
      %run_scoped3A = tpu.sem_alloc : memref<!tpu.dma_semaphore, #tpu.memory_space<semaphore_mem>>
      %dma_start3A = tpu.memref_slice %arg13[%mul3A_13] : memref<163840xf32, #tpu.memory_space<vmem_shared>> -> memref<10240xf32, #tpu.memory_space<vmem_shared>>
      %dma_start3A_183 = tpu.memref_slice %arg13[%mul3A_13] : memref<163840xf32, #tpu.memory_space<vmem_shared>> -> memref<10240xf32, #tpu.memory_space<vmem_shared>>
      tpu.enqueue_dma source(%arg8 : memref<10240xf32, #tpu.memory_space<vmem>>) target(%dma_start3A_183 : memref<10240xf32, #tpu.memory_space<vmem_shared>>) target_semaphore(%run_scoped3A : memref<!tpu.dma_semaphore, #tpu.memory_space<semaphore_mem>>)
      %dma_wait3A = tpu.memref_slice %arg13[%mul3A_13] : memref<163840xf32, #tpu.memory_space<vmem_shared>> -> memref<10240xf32, #tpu.memory_space<vmem_shared>>
      %dma_wait3A_184 = tpu.memref_slice %arg13[%mul3A_13] : memref<163840xf32, #tpu.memory_space<vmem_shared>> -> memref<10240xf32, #tpu.memory_space<vmem_shared>>
      tpu.wait_dma2 semaphore(%run_scoped3A : memref<!tpu.dma_semaphore, #tpu.memory_space<semaphore_mem>>) src(%arg8 : memref<10240xf32, #tpu.memory_space<vmem>>) dst(%dma_wait3A_184 : memref<10240xf32, #tpu.memory_space<vmem_shared>>)
      tpu.yield
    }) : () -> ()
    %barrier3A = arith.constant 0 : index
    tpu.barrier barrier_id(%barrier3A)
    %mul3A_14 = arith.constant 5120 : i32
    %mul3A_15 = arith.muli %arg0, %mul3A_14 : i32
    %mul3A_16 = arith.constant 320 : i32
    %mul3A_17 = arith.muli %arg1, %mul3A_16 : i32
    %add3A = arith.addi %mul3A_15, %mul3A_17 : i32
    %scan3A_18 = arith.constant 0 : i32
    %scan3A_19 = arith.constant 0 : i32
    %scan3A_20 = arith.constant 20 : i32
    %scan3A_21 = arith.addi %scan3A_19, %scan3A_20 : i32
    %scan3A_22 = arith.constant 1 : i32
    %scan3A_23 = scf.for %scan3A_183 = %scan3A_19 to %scan3A_21 step %scan3A_22 iter_args(%scan3A_184 = %scan3A_18) -> (i32)  : i32 {
      %broadcast_in_dim3A = arith.constant 0.000000e+00 : f32
      %broadcast_in_dim3A_185 = vector.broadcast %broadcast_in_dim3A : f32 to vector<16xf32>
      %mul3A_186 = arith.constant 16 : i32
      %mul3A_187 = arith.muli %scan3A_183, %mul3A_186 : i32
      %swap3A = arith.index_cast %mul3A_187 : i32 to index
      %swap3A_188 = tpu.vector_load %arg10[%swap3A] {strides = array<i32>} : memref<320xf32, #tpu.memory_space<vmem>>, vector<16xf32>,
      tpu.vector_store %arg10[%swap3A], %broadcast_in_dim3A_185 {strides = array<i32>} : memref<320xf32, #tpu.memory_space<vmem>>, vector<16xf32>,
      %scan3A_189 = arith.constant 0 : i32
      scf.yield %scan3A_189 : i32
    }
    %scan3A_24 = arith.constant 20 : i32
    %add3A_25 = arith.constant 0 : i32
    %add3A_26 = arith.addi %add3A_25, %add3A : i32
    "tpu.region"() ({
      %run_scoped3A = tpu.sem_alloc : memref<!tpu.dma_semaphore, #tpu.memory_space<semaphore_mem>>
      %dma_start3A = tpu.memref_slice %arg13[%add3A_26] : memref<163840xf32, #tpu.memory_space<vmem_shared>> -> memref<320xf32, #tpu.memory_space<vmem_shared>>
      %dma_start3A_183 = tpu.memref_slice %arg13[%add3A_26] : memref<163840xf32, #tpu.memory_space<vmem_shared>> -> memref<320xf32, #tpu.memory_space<vmem_shared>>
      tpu.enqueue_dma source(%dma_start3A_183 : memref<320xf32, #tpu.memory_space<vmem_shared>>) target(%arg9 : memref<320xf32, #tpu.memory_space<vmem>>) target_semaphore(%run_scoped3A : memref<!tpu.dma_semaphore, #tpu.memory_space<semaphore_mem>>)
      %dma_wait3A = tpu.memref_slice %arg13[%add3A_26] : memref<163840xf32, #tpu.memory_space<vmem_shared>> -> memref<320xf32, #tpu.memory_space<vmem_shared>>
      %dma_wait3A_184 = tpu.memref_slice %arg13[%add3A_26] : memref<163840xf32, #tpu.memory_space<vmem_shared>> -> memref<320xf32, #tpu.memory_space<vmem_shared>>
      tpu.wait_dma2 semaphore(%run_scoped3A : memref<!tpu.dma_semaphore, #tpu.memory_space<semaphore_mem>>) src(%dma_wait3A_184 : memref<320xf32, #tpu.memory_space<vmem_shared>>) dst(%arg9 : memref<320xf32, #tpu.memory_space<vmem>>)
      tpu.yield
    }) : () -> ()
    %scan3A_27 = arith.constant 0 : i32
    %scan3A_28 = arith.constant 0 : i32
    %scan3A_29 = arith.constant 20 : i32
    %scan3A_30 = arith.addi %scan3A_28, %scan3A_29 : i32
    %scan3A_31 = arith.constant 1 : i32
    %scan3A_32 = scf.for %scan3A_183 = %scan3A_28 to %scan3A_30 step %scan3A_31 iter_args(%scan3A_184 = %scan3A_27) -> (i32)  : i32 {
      %mul3A_185 = arith.constant 16 : i32
      %mul3A_186 = arith.muli %scan3A_183, %mul3A_185 : i32
      %get3A = arith.index_cast %mul3A_186 : i32 to index
      %get3A_187 = tpu.vector_load %arg10[%get3A] {strides = array<i32>} : memref<320xf32, #tpu.memory_space<vmem>>, vector<16xf32>,
      %get3A_188 = arith.index_cast %mul3A_186 : i32 to index
      %get3A_189 = tpu.vector_load %arg9[%get3A_188] {strides = array<i32>} : memref<320xf32, #tpu.memory_space<vmem>>, vector<16xf32>,
      %add3A_190 = arith.addf %get3A_187, %get3A_189 : vector<16xf32>
      %swap3A = arith.index_cast %mul3A_186 : i32 to index
      %swap3A_191 = tpu.vector_load %arg10[%swap3A] {strides = array<i32>} : memref<320xf32, #tpu.memory_space<vmem>>, vector<16xf32>,
      tpu.vector_store %arg10[%swap3A], %add3A_190 {strides = array<i32>} : memref<320xf32, #tpu.memory_space<vmem>>, vector<16xf32>,
      %scan3A_192 = arith.constant 0 : i32
      scf.yield %scan3A_192 : i32
    }
    %scan3A_33 = arith.constant 20 : i32
    %add3A_34 = arith.constant 10240 : i32
    %add3A_35 = arith.addi %add3A_34, %add3A : i32
    "tpu.region"() ({
      %run_scoped3A = tpu.sem_alloc : memref<!tpu.dma_semaphore, #tpu.memory_space<semaphore_mem>>
      %dma_start3A = tpu.memref_slice %arg13[%add3A_35] : memref<163840xf32, #tpu.memory_space<vmem_shared>> -> memref<320xf32, #tpu.memory_space<vmem_shared>>
      %dma_start3A_183 = tpu.memref_slice %arg13[%add3A_35] : memref<163840xf32, #tpu.memory_space<vmem_shared>> -> memref<320xf32, #tpu.memory_space<vmem_shared>>
      tpu.enqueue_dma source(%dma_start3A_183 : memref<320xf32, #tpu.memory_space<vmem_shared>>) target(%arg9 : memref<320xf32, #tpu.memory_space<vmem>>) target_semaphore(%run_scoped3A : memref<!tpu.dma_semaphore, #tpu.memory_space<semaphore_mem>>)
      %dma_wait3A = tpu.memref_slice %arg13[%add3A_35] : memref<163840xf32, #tpu.memory_space<vmem_shared>> -> memref<320xf32, #tpu.memory_space<vmem_shared>>
      %dma_wait3A_184 = tpu.memref_slice %arg13[%add3A_35] : memref<163840xf32, #tpu.memory_space<vmem_shared>> -> memref<320xf32, #tpu.memory_space<vmem_shared>>
      tpu.wait_dma2 semaphore(%run_scoped3A : memref<!tpu.dma_semaphore, #tpu.memory_space<semaphore_mem>>) src(%dma_wait3A_184 : memref<320xf32, #tpu.memory_space<vmem_shared>>) dst(%arg9 : memref<320xf32, #tpu.memory_space<vmem>>)
      tpu.yield
    }) : () -> ()
    %scan3A_36 = arith.constant 0 : i32
    %scan3A_37 = arith.constant 0 : i32
    %scan3A_38 = arith.constant 20 : i32
    %scan3A_39 = arith.addi %scan3A_37, %scan3A_38 : i32
    %scan3A_40 = arith.constant 1 : i32
    %scan3A_41 = scf.for %scan3A_183 = %scan3A_37 to %scan3A_39 step %scan3A_40 iter_args(%scan3A_184 = %scan3A_36) -> (i32)  : i32 {
      %mul3A_185 = arith.constant 16 : i32
      %mul3A_186 = arith.muli %scan3A_183, %mul3A_185 : i32
      %get3A = arith.index_cast %mul3A_186 : i32 to index
      %get3A_187 = tpu.vector_load %arg10[%get3A] {strides = array<i32>} : memref<320xf32, #tpu.memory_space<vmem>>, vector<16xf32>,
      %get3A_188 = arith.index_cast %mul3A_186 : i32 to index
      %get3A_189 = tpu.vector_load %arg9[%get3A_188] {strides = array<i32>} : memref<320xf32, #tpu.memory_space<vmem>>, vector<16xf32>,
      %add3A_190 = arith.addf %get3A_187, %get3A_189 : vector<16xf32>
      %swap3A = arith.index_cast %mul3A_186 : i32 to index
      %swap3A_191 = tpu.vector_load %arg10[%swap3A] {strides = array<i32>} : memref<320xf32, #tpu.memory_space<vmem>>, vector<16xf32>,
      tpu.vector_store %arg10[%swap3A], %add3A_190 {strides = array<i32>} : memref<320xf32, #tpu.memory_space<vmem>>, vector<16xf32>,
      %scan3A_192 = arith.constant 0 : i32
      scf.yield %scan3A_192 : i32
    }
    %scan3A_42 = arith.constant 20 : i32
    %add3A_43 = arith.constant 20480 : i32
    %add3A_44 = arith.addi %add3A_43, %add3A : i32
    "tpu.region"() ({
      %run_scoped3A = tpu.sem_alloc : memref<!tpu.dma_semaphore, #tpu.memory_space<semaphore_mem>>
      %dma_start3A = tpu.memref_slice %arg13[%add3A_44] : memref<163840xf32, #tpu.memory_space<vmem_shared>> -> memref<320xf32, #tpu.memory_space<vmem_shared>>
      %dma_start3A_183 = tpu.memref_slice %arg13[%add3A_44] : memref<163840xf32, #tpu.memory_space<vmem_shared>> -> memref<320xf32, #tpu.memory_space<vmem_shared>>
      tpu.enqueue_dma source(%dma_start3A_183 : memref<320xf32, #tpu.memory_space<vmem_shared>>) target(%arg9 : memref<320xf32, #tpu.memory_space<vmem>>) target_semaphore(%run_scoped3A : memref<!tpu.dma_semaphore, #tpu.memory_space<semaphore_mem>>)
      %dma_wait3A = tpu.memref_slice %arg13[%add3A_44] : memref<163840xf32, #tpu.memory_space<vmem_shared>> -> memref<320xf32, #tpu.memory_space<vmem_shared>>
      %dma_wait3A_184 = tpu.memref_slice %arg13[%add3A_44] : memref<163840xf32, #tpu.memory_space<vmem_shared>> -> memref<320xf32, #tpu.memory_space<vmem_shared>>
      tpu.wait_dma2 semaphore(%run_scoped3A : memref<!tpu.dma_semaphore, #tpu.memory_space<semaphore_mem>>) src(%dma_wait3A_184 : memref<320xf32, #tpu.memory_space<vmem_shared>>) dst(%arg9 : memref<320xf32, #tpu.memory_space<vmem>>)
      tpu.yield
    }) : () -> ()
    %scan3A_45 = arith.constant 0 : i32
    %scan3A_46 = arith.constant 0 : i32
    %scan3A_47 = arith.constant 20 : i32
    %scan3A_48 = arith.addi %scan3A_46, %scan3A_47 : i32
    %scan3A_49 = arith.constant 1 : i32
    %scan3A_50 = scf.for %scan3A_183 = %scan3A_46 to %scan3A_48 step %scan3A_49 iter_args(%scan3A_184 = %scan3A_45) -> (i32)  : i32 {
      %mul3A_185 = arith.constant 16 : i32
      %mul3A_186 = arith.muli %scan3A_183, %mul3A_185 : i32
      %get3A = arith.index_cast %mul3A_186 : i32 to index
      %get3A_187 = tpu.vector_load %arg10[%get3A] {strides = array<i32>} : memref<320xf32, #tpu.memory_space<vmem>>, vector<16xf32>,
      %get3A_188 = arith.index_cast %mul3A_186 : i32 to index
      %get3A_189 = tpu.vector_load %arg9[%get3A_188] {strides = array<i32>} : memref<320xf32, #tpu.memory_space<vmem>>, vector<16xf32>,
      %add3A_190 = arith.addf %get3A_187, %get3A_189 : vector<16xf32>
      %swap3A = arith.index_cast %mul3A_186 : i32 to index
      %swap3A_191 = tpu.vector_load %arg10[%swap3A] {strides = array<i32>} : memref<320xf32, #tpu.memory_space<vmem>>, vector<16xf32>,
      tpu.vector_store %arg10[%swap3A], %add3A_190 {strides = array<i32>} : memref<320xf32, #tpu.memory_space<vmem>>, vector<16xf32>,
      %scan3A_192 = arith.constant 0 : i32
      scf.yield %scan3A_192 : i32
    }
    %scan3A_51 = arith.constant 20 : i32
    %add3A_52 = arith.constant 30720 : i32
    %add3A_53 = arith.addi %add3A_52, %add3A : i32
    "tpu.region"() ({
      %run_scoped3A = tpu.sem_alloc : memref<!tpu.dma_semaphore, #tpu.memory_space<semaphore_mem>>
      %dma_start3A = tpu.memref_slice %arg13[%add3A_53] : memref<163840xf32, #tpu.memory_space<vmem_shared>> -> memref<320xf32, #tpu.memory_space<vmem_shared>>
      %dma_start3A_183 = tpu.memref_slice %arg13[%add3A_53] : memref<163840xf32, #tpu.memory_space<vmem_shared>> -> memref<320xf32, #tpu.memory_space<vmem_shared>>
      tpu.enqueue_dma source(%dma_start3A_183 : memref<320xf32, #tpu.memory_space<vmem_shared>>) target(%arg9 : memref<320xf32, #tpu.memory_space<vmem>>) target_semaphore(%run_scoped3A : memref<!tpu.dma_semaphore, #tpu.memory_space<semaphore_mem>>)
      %dma_wait3A = tpu.memref_slice %arg13[%add3A_53] : memref<163840xf32, #tpu.memory_space<vmem_shared>> -> memref<320xf32, #tpu.memory_space<vmem_shared>>
      %dma_wait3A_184 = tpu.memref_slice %arg13[%add3A_53] : memref<163840xf32, #tpu.memory_space<vmem_shared>> -> memref<320xf32, #tpu.memory_space<vmem_shared>>
      tpu.wait_dma2 semaphore(%run_scoped3A : memref<!tpu.dma_semaphore, #tpu.memory_space<semaphore_mem>>) src(%dma_wait3A_184 : memref<320xf32, #tpu.memory_space<vmem_shared>>) dst(%arg9 : memref<320xf32, #tpu.memory_space<vmem>>)
      tpu.yield
    }) : () -> ()
    %scan3A_54 = arith.constant 0 : i32
    %scan3A_55 = arith.constant 0 : i32
    %scan3A_56 = arith.constant 20 : i32
    %scan3A_57 = arith.addi %scan3A_55, %scan3A_56 : i32
    %scan3A_58 = arith.constant 1 : i32
    %scan3A_59 = scf.for %scan3A_183 = %scan3A_55 to %scan3A_57 step %scan3A_58 iter_args(%scan3A_184 = %scan3A_54) -> (i32)  : i32 {
      %mul3A_185 = arith.constant 16 : i32
      %mul3A_186 = arith.muli %scan3A_183, %mul3A_185 : i32
      %get3A = arith.index_cast %mul3A_186 : i32 to index
      %get3A_187 = tpu.vector_load %arg10[%get3A] {strides = array<i32>} : memref<320xf32, #tpu.memory_space<vmem>>, vector<16xf32>,
      %get3A_188 = arith.index_cast %mul3A_186 : i32 to index
      %get3A_189 = tpu.vector_load %arg9[%get3A_188] {strides = array<i32>} : memref<320xf32, #tpu.memory_space<vmem>>, vector<16xf32>,
      %add3A_190 = arith.addf %get3A_187, %get3A_189 : vector<16xf32>
      %swap3A = arith.index_cast %mul3A_186 : i32 to index
      %swap3A_191 = tpu.vector_load %arg10[%swap3A] {strides = array<i32>} : memref<320xf32, #tpu.memory_space<vmem>>, vector<16xf32>,
      tpu.vector_store %arg10[%swap3A], %add3A_190 {strides = array<i32>} : memref<320xf32, #tpu.memory_space<vmem>>, vector<16xf32>,
      %scan3A_192 = arith.constant 0 : i32
      scf.yield %scan3A_192 : i32
    }
    %scan3A_60 = arith.constant 20 : i32
    %add3A_61 = arith.constant 40960 : i32
    %add3A_62 = arith.addi %add3A_61, %add3A : i32
    "tpu.region"() ({
      %run_scoped3A = tpu.sem_alloc : memref<!tpu.dma_semaphore, #tpu.memory_space<semaphore_mem>>
      %dma_start3A = tpu.memref_slice %arg13[%add3A_62] : memref<163840xf32, #tpu.memory_space<vmem_shared>> -> memref<320xf32, #tpu.memory_space<vmem_shared>>
      %dma_start3A_183 = tpu.memref_slice %arg13[%add3A_62] : memref<163840xf32, #tpu.memory_space<vmem_shared>> -> memref<320xf32, #tpu.memory_space<vmem_shared>>
      tpu.enqueue_dma source(%dma_start3A_183 : memref<320xf32, #tpu.memory_space<vmem_shared>>) target(%arg9 : memref<320xf32, #tpu.memory_space<vmem>>) target_semaphore(%run_scoped3A : memref<!tpu.dma_semaphore, #tpu.memory_space<semaphore_mem>>)
      %dma_wait3A = tpu.memref_slice %arg13[%add3A_62] : memref<163840xf32, #tpu.memory_space<vmem_shared>> -> memref<320xf32, #tpu.memory_space<vmem_shared>>
      %dma_wait3A_184 = tpu.memref_slice %arg13[%add3A_62] : memref<163840xf32, #tpu.memory_space<vmem_shared>> -> memref<320xf32, #tpu.memory_space<vmem_shared>>
      tpu.wait_dma2 semaphore(%run_scoped3A : memref<!tpu.dma_semaphore, #tpu.memory_space<semaphore_mem>>) src(%dma_wait3A_184 : memref<320xf32, #tpu.memory_space<vmem_shared>>) dst(%arg9 : memref<320xf32, #tpu.memory_space<vmem>>)
      tpu.yield
    }) : () -> ()
    %scan3A_63 = arith.constant 0 : i32
    %scan3A_64 = arith.constant 0 : i32
    %scan3A_65 = arith.constant 20 : i32
    %scan3A_66 = arith.addi %scan3A_64, %scan3A_65 : i32
    %scan3A_67 = arith.constant 1 : i32
    %scan3A_68 = scf.for %scan3A_183 = %scan3A_64 to %scan3A_66 step %scan3A_67 iter_args(%scan3A_184 = %scan3A_63) -> (i32)  : i32 {
      %mul3A_185 = arith.constant 16 : i32
      %mul3A_186 = arith.muli %scan3A_183, %mul3A_185 : i32
      %get3A = arith.index_cast %mul3A_186 : i32 to index
      %get3A_187 = tpu.vector_load %arg10[%get3A] {strides = array<i32>} : memref<320xf32, #tpu.memory_space<vmem>>, vector<16xf32>,
      %get3A_188 = arith.index_cast %mul3A_186 : i32 to index
      %get3A_189 = tpu.vector_load %arg9[%get3A_188] {strides = array<i32>} : memref<320xf32, #tpu.memory_space<vmem>>, vector<16xf32>,
      %add3A_190 = arith.addf %get3A_187, %get3A_189 : vector<16xf32>
      %swap3A = arith.index_cast %mul3A_186 : i32 to index
      %swap3A_191 = tpu.vector_load %arg10[%swap3A] {strides = array<i32>} : memref<320xf32, #tpu.memory_space<vmem>>, vector<16xf32>,
      tpu.vector_store %arg10[%swap3A], %add3A_190 {strides = array<i32>} : memref<320xf32, #tpu.memory_space<vmem>>, vector<16xf32>,
      %scan3A_192 = arith.constant 0 : i32
      scf.yield %scan3A_192 : i32
    }
    %scan3A_69 = arith.constant 20 : i32
    %add3A_70 = arith.constant 51200 : i32
    %add3A_71 = arith.addi %add3A_70, %add3A : i32
    "tpu.region"() ({
      %run_scoped3A = tpu.sem_alloc : memref<!tpu.dma_semaphore, #tpu.memory_space<semaphore_mem>>
      %dma_start3A = tpu.memref_slice %arg13[%add3A_71] : memref<163840xf32, #tpu.memory_space<vmem_shared>> -> memref<320xf32, #tpu.memory_space<vmem_shared>>
      %dma_start3A_183 = tpu.memref_slice %arg13[%add3A_71] : memref<163840xf32, #tpu.memory_space<vmem_shared>> -> memref<320xf32, #tpu.memory_space<vmem_shared>>
      tpu.enqueue_dma source(%dma_start3A_183 : memref<320xf32, #tpu.memory_space<vmem_shared>>) target(%arg9 : memref<320xf32, #tpu.memory_space<vmem>>) target_semaphore(%run_scoped3A : memref<!tpu.dma_semaphore, #tpu.memory_space<semaphore_mem>>)
      %dma_wait3A = tpu.memref_slice %arg13[%add3A_71] : memref<163840xf32, #tpu.memory_space<vmem_shared>> -> memref<320xf32, #tpu.memory_space<vmem_shared>>
      %dma_wait3A_184 = tpu.memref_slice %arg13[%add3A_71] : memref<163840xf32, #tpu.memory_space<vmem_shared>> -> memref<320xf32, #tpu.memory_space<vmem_shared>>
      tpu.wait_dma2 semaphore(%run_scoped3A : memref<!tpu.dma_semaphore, #tpu.memory_space<semaphore_mem>>) src(%dma_wait3A_184 : memref<320xf32, #tpu.memory_space<vmem_shared>>) dst(%arg9 : memref<320xf32, #tpu.memory_space<vmem>>)
      tpu.yield
    }) : () -> ()
    %scan3A_72 = arith.constant 0 : i32
    %scan3A_73 = arith.constant 0 : i32
    %scan3A_74 = arith.constant 20 : i32
    %scan3A_75 = arith.addi %scan3A_73, %scan3A_74 : i32
    %scan3A_76 = arith.constant 1 : i32
    %scan3A_77 = scf.for %scan3A_183 = %scan3A_73 to %scan3A_75 step %scan3A_76 iter_args(%scan3A_184 = %scan3A_72) -> (i32)  : i32 {
      %mul3A_185 = arith.constant 16 : i32
      %mul3A_186 = arith.muli %scan3A_183, %mul3A_185 : i32
      %get3A = arith.index_cast %mul3A_186 : i32 to index
      %get3A_187 = tpu.vector_load %arg10[%get3A] {strides = array<i32>} : memref<320xf32, #tpu.memory_space<vmem>>, vector<16xf32>,
      %get3A_188 = arith.index_cast %mul3A_186 : i32 to index
      %get3A_189 = tpu.vector_load %arg9[%get3A_188] {strides = array<i32>} : memref<320xf32, #tpu.memory_space<vmem>>, vector<16xf32>,
      %add3A_190 = arith.addf %get3A_187, %get3A_189 : vector<16xf32>
      %swap3A = arith.index_cast %mul3A_186 : i32 to index
      %swap3A_191 = tpu.vector_load %arg10[%swap3A] {strides = array<i32>} : memref<320xf32, #tpu.memory_space<vmem>>, vector<16xf32>,
      tpu.vector_store %arg10[%swap3A], %add3A_190 {strides = array<i32>} : memref<320xf32, #tpu.memory_space<vmem>>, vector<16xf32>,
      %scan3A_192 = arith.constant 0 : i32
      scf.yield %scan3A_192 : i32
    }
    %scan3A_78 = arith.constant 20 : i32
    %add3A_79 = arith.constant 61440 : i32
    %add3A_80 = arith.addi %add3A_79, %add3A : i32
    "tpu.region"() ({
      %run_scoped3A = tpu.sem_alloc : memref<!tpu.dma_semaphore, #tpu.memory_space<semaphore_mem>>
      %dma_start3A = tpu.memref_slice %arg13[%add3A_80] : memref<163840xf32, #tpu.memory_space<vmem_shared>> -> memref<320xf32, #tpu.memory_space<vmem_shared>>
      %dma_start3A_183 = tpu.memref_slice %arg13[%add3A_80] : memref<163840xf32, #tpu.memory_space<vmem_shared>> -> memref<320xf32, #tpu.memory_space<vmem_shared>>
      tpu.enqueue_dma source(%dma_start3A_183 : memref<320xf32, #tpu.memory_space<vmem_shared>>) target(%arg9 : memref<320xf32, #tpu.memory_space<vmem>>) target_semaphore(%run_scoped3A : memref<!tpu.dma_semaphore, #tpu.memory_space<semaphore_mem>>)
      %dma_wait3A = tpu.memref_slice %arg13[%add3A_80] : memref<163840xf32, #tpu.memory_space<vmem_shared>> -> memref<320xf32, #tpu.memory_space<vmem_shared>>
      %dma_wait3A_184 = tpu.memref_slice %arg13[%add3A_80] : memref<163840xf32, #tpu.memory_space<vmem_shared>> -> memref<320xf32, #tpu.memory_space<vmem_shared>>
      tpu.wait_dma2 semaphore(%run_scoped3A : memref<!tpu.dma_semaphore, #tpu.memory_space<semaphore_mem>>) src(%dma_wait3A_184 : memref<320xf32, #tpu.memory_space<vmem_shared>>) dst(%arg9 : memref<320xf32, #tpu.memory_space<vmem>>)
      tpu.yield
    }) : () -> ()
    %scan3A_81 = arith.constant 0 : i32
    %scan3A_82 = arith.constant 0 : i32
    %scan3A_83 = arith.constant 20 : i32
    %scan3A_84 = arith.addi %scan3A_82, %scan3A_83 : i32
    %scan3A_85 = arith.constant 1 : i32
    %scan3A_86 = scf.for %scan3A_183 = %scan3A_82 to %scan3A_84 step %scan3A_85 iter_args(%scan3A_184 = %scan3A_81) -> (i32)  : i32 {
      %mul3A_185 = arith.constant 16 : i32
      %mul3A_186 = arith.muli %scan3A_183, %mul3A_185 : i32
      %get3A = arith.index_cast %mul3A_186 : i32 to index
      %get3A_187 = tpu.vector_load %arg10[%get3A] {strides = array<i32>} : memref<320xf32, #tpu.memory_space<vmem>>, vector<16xf32>,
      %get3A_188 = arith.index_cast %mul3A_186 : i32 to index
      %get3A_189 = tpu.vector_load %arg9[%get3A_188] {strides = array<i32>} : memref<320xf32, #tpu.memory_space<vmem>>, vector<16xf32>,
      %add3A_190 = arith.addf %get3A_187, %get3A_189 : vector<16xf32>
      %swap3A = arith.index_cast %mul3A_186 : i32 to index
      %swap3A_191 = tpu.vector_load %arg10[%swap3A] {strides = array<i32>} : memref<320xf32, #tpu.memory_space<vmem>>, vector<16xf32>,
      tpu.vector_store %arg10[%swap3A], %add3A_190 {strides = array<i32>} : memref<320xf32, #tpu.memory_space<vmem>>, vector<16xf32>,
      %scan3A_192 = arith.constant 0 : i32
      scf.yield %scan3A_192 : i32
    }
    %scan3A_87 = arith.constant 20 : i32
    %add3A_88 = arith.constant 71680 : i32
    %add3A_89 = arith.addi %add3A_88, %add3A : i32
    "tpu.region"() ({
      %run_scoped3A = tpu.sem_alloc : memref<!tpu.dma_semaphore, #tpu.memory_space<semaphore_mem>>
      %dma_start3A = tpu.memref_slice %arg13[%add3A_89] : memref<163840xf32, #tpu.memory_space<vmem_shared>> -> memref<320xf32, #tpu.memory_space<vmem_shared>>
      %dma_start3A_183 = tpu.memref_slice %arg13[%add3A_89] : memref<163840xf32, #tpu.memory_space<vmem_shared>> -> memref<320xf32, #tpu.memory_space<vmem_shared>>
      tpu.enqueue_dma source(%dma_start3A_183 : memref<320xf32, #tpu.memory_space<vmem_shared>>) target(%arg9 : memref<320xf32, #tpu.memory_space<vmem>>) target_semaphore(%run_scoped3A : memref<!tpu.dma_semaphore, #tpu.memory_space<semaphore_mem>>)
      %dma_wait3A = tpu.memref_slice %arg13[%add3A_89] : memref<163840xf32, #tpu.memory_space<vmem_shared>> -> memref<320xf32, #tpu.memory_space<vmem_shared>>
      %dma_wait3A_184 = tpu.memref_slice %arg13[%add3A_89] : memref<163840xf32, #tpu.memory_space<vmem_shared>> -> memref<320xf32, #tpu.memory_space<vmem_shared>>
      tpu.wait_dma2 semaphore(%run_scoped3A : memref<!tpu.dma_semaphore, #tpu.memory_space<semaphore_mem>>) src(%dma_wait3A_184 : memref<320xf32, #tpu.memory_space<vmem_shared>>) dst(%arg9 : memref<320xf32, #tpu.memory_space<vmem>>)
      tpu.yield
    }) : () -> ()
    %scan3A_90 = arith.constant 0 : i32
    %scan3A_91 = arith.constant 0 : i32
    %scan3A_92 = arith.constant 20 : i32
    %scan3A_93 = arith.addi %scan3A_91, %scan3A_92 : i32
    %scan3A_94 = arith.constant 1 : i32
    %scan3A_95 = scf.for %scan3A_183 = %scan3A_91 to %scan3A_93 step %scan3A_94 iter_args(%scan3A_184 = %scan3A_90) -> (i32)  : i32 {
      %mul3A_185 = arith.constant 16 : i32
      %mul3A_186 = arith.muli %scan3A_183, %mul3A_185 : i32
      %get3A = arith.index_cast %mul3A_186 : i32 to index
      %get3A_187 = tpu.vector_load %arg10[%get3A] {strides = array<i32>} : memref<320xf32, #tpu.memory_space<vmem>>, vector<16xf32>,
      %get3A_188 = arith.index_cast %mul3A_186 : i32 to index
      %get3A_189 = tpu.vector_load %arg9[%get3A_188] {strides = array<i32>} : memref<320xf32, #tpu.memory_space<vmem>>, vector<16xf32>,
      %add3A_190 = arith.addf %get3A_187, %get3A_189 : vector<16xf32>
      %swap3A = arith.index_cast %mul3A_186 : i32 to index
      %swap3A_191 = tpu.vector_load %arg10[%swap3A] {strides = array<i32>} : memref<320xf32, #tpu.memory_space<vmem>>, vector<16xf32>,
      tpu.vector_store %arg10[%swap3A], %add3A_190 {strides = array<i32>} : memref<320xf32, #tpu.memory_space<vmem>>, vector<16xf32>,
      %scan3A_192 = arith.constant 0 : i32
      scf.yield %scan3A_192 : i32
    }
    %scan3A_96 = arith.constant 20 : i32
    %add3A_97 = arith.constant 81920 : i32
    %add3A_98 = arith.addi %add3A_97, %add3A : i32
    "tpu.region"() ({
      %run_scoped3A = tpu.sem_alloc : memref<!tpu.dma_semaphore, #tpu.memory_space<semaphore_mem>>
      %dma_start3A = tpu.memref_slice %arg13[%add3A_98] : memref<163840xf32, #tpu.memory_space<vmem_shared>> -> memref<320xf32, #tpu.memory_space<vmem_shared>>
      %dma_start3A_183 = tpu.memref_slice %arg13[%add3A_98] : memref<163840xf32, #tpu.memory_space<vmem_shared>> -> memref<320xf32, #tpu.memory_space<vmem_shared>>
      tpu.enqueue_dma source(%dma_start3A_183 : memref<320xf32, #tpu.memory_space<vmem_shared>>) target(%arg9 : memref<320xf32, #tpu.memory_space<vmem>>) target_semaphore(%run_scoped3A : memref<!tpu.dma_semaphore, #tpu.memory_space<semaphore_mem>>)
      %dma_wait3A = tpu.memref_slice %arg13[%add3A_98] : memref<163840xf32, #tpu.memory_space<vmem_shared>> -> memref<320xf32, #tpu.memory_space<vmem_shared>>
      %dma_wait3A_184 = tpu.memref_slice %arg13[%add3A_98] : memref<163840xf32, #tpu.memory_space<vmem_shared>> -> memref<320xf32, #tpu.memory_space<vmem_shared>>
      tpu.wait_dma2 semaphore(%run_scoped3A : memref<!tpu.dma_semaphore, #tpu.memory_space<semaphore_mem>>) src(%dma_wait3A_184 : memref<320xf32, #tpu.memory_space<vmem_shared>>) dst(%arg9 : memref<320xf32, #tpu.memory_space<vmem>>)
      tpu.yield
    }) : () -> ()
    %scan3A_99 = arith.constant 0 : i32
    %scan3A_100 = arith.constant 0 : i32
    %scan3A_101 = arith.constant 20 : i32
    %scan3A_102 = arith.addi %scan3A_100, %scan3A_101 : i32
    %scan3A_103 = arith.constant 1 : i32
    %scan3A_104 = scf.for %scan3A_183 = %scan3A_100 to %scan3A_102 step %scan3A_103 iter_args(%scan3A_184 = %scan3A_99) -> (i32)  : i32 {
      %mul3A_185 = arith.constant 16 : i32
      %mul3A_186 = arith.muli %scan3A_183, %mul3A_185 : i32
      %get3A = arith.index_cast %mul3A_186 : i32 to index
      %get3A_187 = tpu.vector_load %arg10[%get3A] {strides = array<i32>} : memref<320xf32, #tpu.memory_space<vmem>>, vector<16xf32>,
      %get3A_188 = arith.index_cast %mul3A_186 : i32 to index
      %get3A_189 = tpu.vector_load %arg9[%get3A_188] {strides = array<i32>} : memref<320xf32, #tpu.memory_space<vmem>>, vector<16xf32>,
      %add3A_190 = arith.addf %get3A_187, %get3A_189 : vector<16xf32>
      %swap3A = arith.index_cast %mul3A_186 : i32 to index
      %swap3A_191 = tpu.vector_load %arg10[%swap3A] {strides = array<i32>} : memref<320xf32, #tpu.memory_space<vmem>>, vector<16xf32>,
      tpu.vector_store %arg10[%swap3A], %add3A_190 {strides = array<i32>} : memref<320xf32, #tpu.memory_space<vmem>>, vector<16xf32>,
      %scan3A_192 = arith.constant 0 : i32
      scf.yield %scan3A_192 : i32
    }
    %scan3A_105 = arith.constant 20 : i32
    %add3A_106 = arith.constant 92160 : i32
    %add3A_107 = arith.addi %add3A_106, %add3A : i32
    "tpu.region"() ({
      %run_scoped3A = tpu.sem_alloc : memref<!tpu.dma_semaphore, #tpu.memory_space<semaphore_mem>>
      %dma_start3A = tpu.memref_slice %arg13[%add3A_107] : memref<163840xf32, #tpu.memory_space<vmem_shared>> -> memref<320xf32, #tpu.memory_space<vmem_shared>>
      %dma_start3A_183 = tpu.memref_slice %arg13[%add3A_107] : memref<163840xf32, #tpu.memory_space<vmem_shared>> -> memref<320xf32, #tpu.memory_space<vmem_shared>>
      tpu.enqueue_dma source(%dma_start3A_183 : memref<320xf32, #tpu.memory_space<vmem_shared>>) target(%arg9 : memref<320xf32, #tpu.memory_space<vmem>>) target_semaphore(%run_scoped3A : memref<!tpu.dma_semaphore, #tpu.memory_space<semaphore_mem>>)
      %dma_wait3A = tpu.memref_slice %arg13[%add3A_107] : memref<163840xf32, #tpu.memory_space<vmem_shared>> -> memref<320xf32, #tpu.memory_space<vmem_shared>>
      %dma_wait3A_184 = tpu.memref_slice %arg13[%add3A_107] : memref<163840xf32, #tpu.memory_space<vmem_shared>> -> memref<320xf32, #tpu.memory_space<vmem_shared>>
      tpu.wait_dma2 semaphore(%run_scoped3A : memref<!tpu.dma_semaphore, #tpu.memory_space<semaphore_mem>>) src(%dma_wait3A_184 : memref<320xf32, #tpu.memory_space<vmem_shared>>) dst(%arg9 : memref<320xf32, #tpu.memory_space<vmem>>)
      tpu.yield
    }) : () -> ()
    %scan3A_108 = arith.constant 0 : i32
    %scan3A_109 = arith.constant 0 : i32
    %scan3A_110 = arith.constant 20 : i32
    %scan3A_111 = arith.addi %scan3A_109, %scan3A_110 : i32
    %scan3A_112 = arith.constant 1 : i32
    %scan3A_113 = scf.for %scan3A_183 = %scan3A_109 to %scan3A_111 step %scan3A_112 iter_args(%scan3A_184 = %scan3A_108) -> (i32)  : i32 {
      %mul3A_185 = arith.constant 16 : i32
      %mul3A_186 = arith.muli %scan3A_183, %mul3A_185 : i32
      %get3A = arith.index_cast %mul3A_186 : i32 to index
      %get3A_187 = tpu.vector_load %arg10[%get3A] {strides = array<i32>} : memref<320xf32, #tpu.memory_space<vmem>>, vector<16xf32>,
      %get3A_188 = arith.index_cast %mul3A_186 : i32 to index
      %get3A_189 = tpu.vector_load %arg9[%get3A_188] {strides = array<i32>} : memref<320xf32, #tpu.memory_space<vmem>>, vector<16xf32>,
      %add3A_190 = arith.addf %get3A_187, %get3A_189 : vector<16xf32>
      %swap3A = arith.index_cast %mul3A_186 : i32 to index
      %swap3A_191 = tpu.vector_load %arg10[%swap3A] {strides = array<i32>} : memref<320xf32, #tpu.memory_space<vmem>>, vector<16xf32>,
      tpu.vector_store %arg10[%swap3A], %add3A_190 {strides = array<i32>} : memref<320xf32, #tpu.memory_space<vmem>>, vector<16xf32>,
      %scan3A_192 = arith.constant 0 : i32
      scf.yield %scan3A_192 : i32
    }
    %scan3A_114 = arith.constant 20 : i32
    %add3A_115 = arith.constant 102400 : i32
    %add3A_116 = arith.addi %add3A_115, %add3A : i32
    "tpu.region"() ({
      %run_scoped3A = tpu.sem_alloc : memref<!tpu.dma_semaphore, #tpu.memory_space<semaphore_mem>>
      %dma_start3A = tpu.memref_slice %arg13[%add3A_116] : memref<163840xf32, #tpu.memory_space<vmem_shared>> -> memref<320xf32, #tpu.memory_space<vmem_shared>>
      %dma_start3A_183 = tpu.memref_slice %arg13[%add3A_116] : memref<163840xf32, #tpu.memory_space<vmem_shared>> -> memref<320xf32, #tpu.memory_space<vmem_shared>>
      tpu.enqueue_dma source(%dma_start3A_183 : memref<320xf32, #tpu.memory_space<vmem_shared>>) target(%arg9 : memref<320xf32, #tpu.memory_space<vmem>>) target_semaphore(%run_scoped3A : memref<!tpu.dma_semaphore, #tpu.memory_space<semaphore_mem>>)
      %dma_wait3A = tpu.memref_slice %arg13[%add3A_116] : memref<163840xf32, #tpu.memory_space<vmem_shared>> -> memref<320xf32, #tpu.memory_space<vmem_shared>>
      %dma_wait3A_184 = tpu.memref_slice %arg13[%add3A_116] : memref<163840xf32, #tpu.memory_space<vmem_shared>> -> memref<320xf32, #tpu.memory_space<vmem_shared>>
      tpu.wait_dma2 semaphore(%run_scoped3A : memref<!tpu.dma_semaphore, #tpu.memory_space<semaphore_mem>>) src(%dma_wait3A_184 : memref<320xf32, #tpu.memory_space<vmem_shared>>) dst(%arg9 : memref<320xf32, #tpu.memory_space<vmem>>)
      tpu.yield
    }) : () -> ()
    %scan3A_117 = arith.constant 0 : i32
    %scan3A_118 = arith.constant 0 : i32
    %scan3A_119 = arith.constant 20 : i32
    %scan3A_120 = arith.addi %scan3A_118, %scan3A_119 : i32
    %scan3A_121 = arith.constant 1 : i32
    %scan3A_122 = scf.for %scan3A_183 = %scan3A_118 to %scan3A_120 step %scan3A_121 iter_args(%scan3A_184 = %scan3A_117) -> (i32)  : i32 {
      %mul3A_185 = arith.constant 16 : i32
      %mul3A_186 = arith.muli %scan3A_183, %mul3A_185 : i32
      %get3A = arith.index_cast %mul3A_186 : i32 to index
      %get3A_187 = tpu.vector_load %arg10[%get3A] {strides = array<i32>} : memref<320xf32, #tpu.memory_space<vmem>>, vector<16xf32>,
      %get3A_188 = arith.index_cast %mul3A_186 : i32 to index
      %get3A_189 = tpu.vector_load %arg9[%get3A_188] {strides = array<i32>} : memref<320xf32, #tpu.memory_space<vmem>>, vector<16xf32>,
      %add3A_190 = arith.addf %get3A_187, %get3A_189 : vector<16xf32>
      %swap3A = arith.index_cast %mul3A_186 : i32 to index
      %swap3A_191 = tpu.vector_load %arg10[%swap3A] {strides = array<i32>} : memref<320xf32, #tpu.memory_space<vmem>>, vector<16xf32>,
      tpu.vector_store %arg10[%swap3A], %add3A_190 {strides = array<i32>} : memref<320xf32, #tpu.memory_space<vmem>>, vector<16xf32>,
      %scan3A_192 = arith.constant 0 : i32
      scf.yield %scan3A_192 : i32
    }
    %scan3A_123 = arith.constant 20 : i32
    %add3A_124 = arith.constant 112640 : i32
    %add3A_125 = arith.addi %add3A_124, %add3A : i32
    "tpu.region"() ({
      %run_scoped3A = tpu.sem_alloc : memref<!tpu.dma_semaphore, #tpu.memory_space<semaphore_mem>>
      %dma_start3A = tpu.memref_slice %arg13[%add3A_125] : memref<163840xf32, #tpu.memory_space<vmem_shared>> -> memref<320xf32, #tpu.memory_space<vmem_shared>>
      %dma_start3A_183 = tpu.memref_slice %arg13[%add3A_125] : memref<163840xf32, #tpu.memory_space<vmem_shared>> -> memref<320xf32, #tpu.memory_space<vmem_shared>>
      tpu.enqueue_dma source(%dma_start3A_183 : memref<320xf32, #tpu.memory_space<vmem_shared>>) target(%arg9 : memref<320xf32, #tpu.memory_space<vmem>>) target_semaphore(%run_scoped3A : memref<!tpu.dma_semaphore, #tpu.memory_space<semaphore_mem>>)
      %dma_wait3A = tpu.memref_slice %arg13[%add3A_125] : memref<163840xf32, #tpu.memory_space<vmem_shared>> -> memref<320xf32, #tpu.memory_space<vmem_shared>>
      %dma_wait3A_184 = tpu.memref_slice %arg13[%add3A_125] : memref<163840xf32, #tpu.memory_space<vmem_shared>> -> memref<320xf32, #tpu.memory_space<vmem_shared>>
      tpu.wait_dma2 semaphore(%run_scoped3A : memref<!tpu.dma_semaphore, #tpu.memory_space<semaphore_mem>>) src(%dma_wait3A_184 : memref<320xf32, #tpu.memory_space<vmem_shared>>) dst(%arg9 : memref<320xf32, #tpu.memory_space<vmem>>)
      tpu.yield
    }) : () -> ()
    %scan3A_126 = arith.constant 0 : i32
    %scan3A_127 = arith.constant 0 : i32
    %scan3A_128 = arith.constant 20 : i32
    %scan3A_129 = arith.addi %scan3A_127, %scan3A_128 : i32
    %scan3A_130 = arith.constant 1 : i32
    %scan3A_131 = scf.for %scan3A_183 = %scan3A_127 to %scan3A_129 step %scan3A_130 iter_args(%scan3A_184 = %scan3A_126) -> (i32)  : i32 {
      %mul3A_185 = arith.constant 16 : i32
      %mul3A_186 = arith.muli %scan3A_183, %mul3A_185 : i32
      %get3A = arith.index_cast %mul3A_186 : i32 to index
      %get3A_187 = tpu.vector_load %arg10[%get3A] {strides = array<i32>} : memref<320xf32, #tpu.memory_space<vmem>>, vector<16xf32>,
      %get3A_188 = arith.index_cast %mul3A_186 : i32 to index
      %get3A_189 = tpu.vector_load %arg9[%get3A_188] {strides = array<i32>} : memref<320xf32, #tpu.memory_space<vmem>>, vector<16xf32>,
      %add3A_190 = arith.addf %get3A_187, %get3A_189 : vector<16xf32>
      %swap3A = arith.index_cast %mul3A_186 : i32 to index
      %swap3A_191 = tpu.vector_load %arg10[%swap3A] {strides = array<i32>} : memref<320xf32, #tpu.memory_space<vmem>>, vector<16xf32>,
      tpu.vector_store %arg10[%swap3A], %add3A_190 {strides = array<i32>} : memref<320xf32, #tpu.memory_space<vmem>>, vector<16xf32>,
      %scan3A_192 = arith.constant 0 : i32
      scf.yield %scan3A_192 : i32
    }
    %scan3A_132 = arith.constant 20 : i32
    %add3A_133 = arith.constant 122880 : i32
    %add3A_134 = arith.addi %add3A_133, %add3A : i32
    "tpu.region"() ({
      %run_scoped3A = tpu.sem_alloc : memref<!tpu.dma_semaphore, #tpu.memory_space<semaphore_mem>>
      %dma_start3A = tpu.memref_slice %arg13[%add3A_134] : memref<163840xf32, #tpu.memory_space<vmem_shared>> -> memref<320xf32, #tpu.memory_space<vmem_shared>>
      %dma_start3A_183 = tpu.memref_slice %arg13[%add3A_134] : memref<163840xf32, #tpu.memory_space<vmem_shared>> -> memref<320xf32, #tpu.memory_space<vmem_shared>>
      tpu.enqueue_dma source(%dma_start3A_183 : memref<320xf32, #tpu.memory_space<vmem_shared>>) target(%arg9 : memref<320xf32, #tpu.memory_space<vmem>>) target_semaphore(%run_scoped3A : memref<!tpu.dma_semaphore, #tpu.memory_space<semaphore_mem>>)
      %dma_wait3A = tpu.memref_slice %arg13[%add3A_134] : memref<163840xf32, #tpu.memory_space<vmem_shared>> -> memref<320xf32, #tpu.memory_space<vmem_shared>>
      %dma_wait3A_184 = tpu.memref_slice %arg13[%add3A_134] : memref<163840xf32, #tpu.memory_space<vmem_shared>> -> memref<320xf32, #tpu.memory_space<vmem_shared>>
      tpu.wait_dma2 semaphore(%run_scoped3A : memref<!tpu.dma_semaphore, #tpu.memory_space<semaphore_mem>>) src(%dma_wait3A_184 : memref<320xf32, #tpu.memory_space<vmem_shared>>) dst(%arg9 : memref<320xf32, #tpu.memory_space<vmem>>)
      tpu.yield
    }) : () -> ()
    %scan3A_135 = arith.constant 0 : i32
    %scan3A_136 = arith.constant 0 : i32
    %scan3A_137 = arith.constant 20 : i32
    %scan3A_138 = arith.addi %scan3A_136, %scan3A_137 : i32
    %scan3A_139 = arith.constant 1 : i32
    %scan3A_140 = scf.for %scan3A_183 = %scan3A_136 to %scan3A_138 step %scan3A_139 iter_args(%scan3A_184 = %scan3A_135) -> (i32)  : i32 {
      %mul3A_185 = arith.constant 16 : i32
      %mul3A_186 = arith.muli %scan3A_183, %mul3A_185 : i32
      %get3A = arith.index_cast %mul3A_186 : i32 to index
      %get3A_187 = tpu.vector_load %arg10[%get3A] {strides = array<i32>} : memref<320xf32, #tpu.memory_space<vmem>>, vector<16xf32>,
      %get3A_188 = arith.index_cast %mul3A_186 : i32 to index
      %get3A_189 = tpu.vector_load %arg9[%get3A_188] {strides = array<i32>} : memref<320xf32, #tpu.memory_space<vmem>>, vector<16xf32>,
      %add3A_190 = arith.addf %get3A_187, %get3A_189 : vector<16xf32>
      %swap3A = arith.index_cast %mul3A_186 : i32 to index
      %swap3A_191 = tpu.vector_load %arg10[%swap3A] {strides = array<i32>} : memref<320xf32, #tpu.memory_space<vmem>>, vector<16xf32>,
      tpu.vector_store %arg10[%swap3A], %add3A_190 {strides = array<i32>} : memref<320xf32, #tpu.memory_space<vmem>>, vector<16xf32>,
      %scan3A_192 = arith.constant 0 : i32
      scf.yield %scan3A_192 : i32
    }
    %scan3A_141 = arith.constant 20 : i32
    %add3A_142 = arith.constant 133120 : i32
    %add3A_143 = arith.addi %add3A_142, %add3A : i32
    "tpu.region"() ({
      %run_scoped3A = tpu.sem_alloc : memref<!tpu.dma_semaphore, #tpu.memory_space<semaphore_mem>>
      %dma_start3A = tpu.memref_slice %arg13[%add3A_143] : memref<163840xf32, #tpu.memory_space<vmem_shared>> -> memref<320xf32, #tpu.memory_space<vmem_shared>>
      %dma_start3A_183 = tpu.memref_slice %arg13[%add3A_143] : memref<163840xf32, #tpu.memory_space<vmem_shared>> -> memref<320xf32, #tpu.memory_space<vmem_shared>>
      tpu.enqueue_dma source(%dma_start3A_183 : memref<320xf32, #tpu.memory_space<vmem_shared>>) target(%arg9 : memref<320xf32, #tpu.memory_space<vmem>>) target_semaphore(%run_scoped3A : memref<!tpu.dma_semaphore, #tpu.memory_space<semaphore_mem>>)
      %dma_wait3A = tpu.memref_slice %arg13[%add3A_143] : memref<163840xf32, #tpu.memory_space<vmem_shared>> -> memref<320xf32, #tpu.memory_space<vmem_shared>>
      %dma_wait3A_184 = tpu.memref_slice %arg13[%add3A_143] : memref<163840xf32, #tpu.memory_space<vmem_shared>> -> memref<320xf32, #tpu.memory_space<vmem_shared>>
      tpu.wait_dma2 semaphore(%run_scoped3A : memref<!tpu.dma_semaphore, #tpu.memory_space<semaphore_mem>>) src(%dma_wait3A_184 : memref<320xf32, #tpu.memory_space<vmem_shared>>) dst(%arg9 : memref<320xf32, #tpu.memory_space<vmem>>)
      tpu.yield
    }) : () -> ()
    %scan3A_144 = arith.constant 0 : i32
    %scan3A_145 = arith.constant 0 : i32
    %scan3A_146 = arith.constant 20 : i32
    %scan3A_147 = arith.addi %scan3A_145, %scan3A_146 : i32
    %scan3A_148 = arith.constant 1 : i32
    %scan3A_149 = scf.for %scan3A_183 = %scan3A_145 to %scan3A_147 step %scan3A_148 iter_args(%scan3A_184 = %scan3A_144) -> (i32)  : i32 {
      %mul3A_185 = arith.constant 16 : i32
      %mul3A_186 = arith.muli %scan3A_183, %mul3A_185 : i32
      %get3A = arith.index_cast %mul3A_186 : i32 to index
      %get3A_187 = tpu.vector_load %arg10[%get3A] {strides = array<i32>} : memref<320xf32, #tpu.memory_space<vmem>>, vector<16xf32>,
      %get3A_188 = arith.index_cast %mul3A_186 : i32 to index
      %get3A_189 = tpu.vector_load %arg9[%get3A_188] {strides = array<i32>} : memref<320xf32, #tpu.memory_space<vmem>>, vector<16xf32>,
      %add3A_190 = arith.addf %get3A_187, %get3A_189 : vector<16xf32>
      %swap3A = arith.index_cast %mul3A_186 : i32 to index
      %swap3A_191 = tpu.vector_load %arg10[%swap3A] {strides = array<i32>} : memref<320xf32, #tpu.memory_space<vmem>>, vector<16xf32>,
      tpu.vector_store %arg10[%swap3A], %add3A_190 {strides = array<i32>} : memref<320xf32, #tpu.memory_space<vmem>>, vector<16xf32>,
      %scan3A_192 = arith.constant 0 : i32
      scf.yield %scan3A_192 : i32
    }
    %scan3A_150 = arith.constant 20 : i32
    %add3A_151 = arith.constant 143360 : i32
    %add3A_152 = arith.addi %add3A_151, %add3A : i32
    "tpu.region"() ({
      %run_scoped3A = tpu.sem_alloc : memref<!tpu.dma_semaphore, #tpu.memory_space<semaphore_mem>>
      %dma_start3A = tpu.memref_slice %arg13[%add3A_152] : memref<163840xf32, #tpu.memory_space<vmem_shared>> -> memref<320xf32, #tpu.memory_space<vmem_shared>>
      %dma_start3A_183 = tpu.memref_slice %arg13[%add3A_152] : memref<163840xf32, #tpu.memory_space<vmem_shared>> -> memref<320xf32, #tpu.memory_space<vmem_shared>>
      tpu.enqueue_dma source(%dma_start3A_183 : memref<320xf32, #tpu.memory_space<vmem_shared>>) target(%arg9 : memref<320xf32, #tpu.memory_space<vmem>>) target_semaphore(%run_scoped3A : memref<!tpu.dma_semaphore, #tpu.memory_space<semaphore_mem>>)
      %dma_wait3A = tpu.memref_slice %arg13[%add3A_152] : memref<163840xf32, #tpu.memory_space<vmem_shared>> -> memref<320xf32, #tpu.memory_space<vmem_shared>>
      %dma_wait3A_184 = tpu.memref_slice %arg13[%add3A_152] : memref<163840xf32, #tpu.memory_space<vmem_shared>> -> memref<320xf32, #tpu.memory_space<vmem_shared>>
      tpu.wait_dma2 semaphore(%run_scoped3A : memref<!tpu.dma_semaphore, #tpu.memory_space<semaphore_mem>>) src(%dma_wait3A_184 : memref<320xf32, #tpu.memory_space<vmem_shared>>) dst(%arg9 : memref<320xf32, #tpu.memory_space<vmem>>)
      tpu.yield
    }) : () -> ()
    %scan3A_153 = arith.constant 0 : i32
    %scan3A_154 = arith.constant 0 : i32
    %scan3A_155 = arith.constant 20 : i32
    %scan3A_156 = arith.addi %scan3A_154, %scan3A_155 : i32
    %scan3A_157 = arith.constant 1 : i32
    %scan3A_158 = scf.for %scan3A_183 = %scan3A_154 to %scan3A_156 step %scan3A_157 iter_args(%scan3A_184 = %scan3A_153) -> (i32)  : i32 {
      %mul3A_185 = arith.constant 16 : i32
      %mul3A_186 = arith.muli %scan3A_183, %mul3A_185 : i32
      %get3A = arith.index_cast %mul3A_186 : i32 to index
      %get3A_187 = tpu.vector_load %arg10[%get3A] {strides = array<i32>} : memref<320xf32, #tpu.memory_space<vmem>>, vector<16xf32>,
      %get3A_188 = arith.index_cast %mul3A_186 : i32 to index
      %get3A_189 = tpu.vector_load %arg9[%get3A_188] {strides = array<i32>} : memref<320xf32, #tpu.memory_space<vmem>>, vector<16xf32>,
      %add3A_190 = arith.addf %get3A_187, %get3A_189 : vector<16xf32>
      %swap3A = arith.index_cast %mul3A_186 : i32 to index
      %swap3A_191 = tpu.vector_load %arg10[%swap3A] {strides = array<i32>} : memref<320xf32, #tpu.memory_space<vmem>>, vector<16xf32>,
      tpu.vector_store %arg10[%swap3A], %add3A_190 {strides = array<i32>} : memref<320xf32, #tpu.memory_space<vmem>>, vector<16xf32>,
      %scan3A_192 = arith.constant 0 : i32
      scf.yield %scan3A_192 : i32
    }
    %scan3A_159 = arith.constant 20 : i32
    %add3A_160 = arith.constant 153600 : i32
    %add3A_161 = arith.addi %add3A_160, %add3A : i32
    "tpu.region"() ({
      %run_scoped3A = tpu.sem_alloc : memref<!tpu.dma_semaphore, #tpu.memory_space<semaphore_mem>>
      %dma_start3A = tpu.memref_slice %arg13[%add3A_161] : memref<163840xf32, #tpu.memory_space<vmem_shared>> -> memref<320xf32, #tpu.memory_space<vmem_shared>>
      %dma_start3A_183 = tpu.memref_slice %arg13[%add3A_161] : memref<163840xf32, #tpu.memory_space<vmem_shared>> -> memref<320xf32, #tpu.memory_space<vmem_shared>>
      tpu.enqueue_dma source(%dma_start3A_183 : memref<320xf32, #tpu.memory_space<vmem_shared>>) target(%arg9 : memref<320xf32, #tpu.memory_space<vmem>>) target_semaphore(%run_scoped3A : memref<!tpu.dma_semaphore, #tpu.memory_space<semaphore_mem>>)
      %dma_wait3A = tpu.memref_slice %arg13[%add3A_161] : memref<163840xf32, #tpu.memory_space<vmem_shared>> -> memref<320xf32, #tpu.memory_space<vmem_shared>>
      %dma_wait3A_184 = tpu.memref_slice %arg13[%add3A_161] : memref<163840xf32, #tpu.memory_space<vmem_shared>> -> memref<320xf32, #tpu.memory_space<vmem_shared>>
      tpu.wait_dma2 semaphore(%run_scoped3A : memref<!tpu.dma_semaphore, #tpu.memory_space<semaphore_mem>>) src(%dma_wait3A_184 : memref<320xf32, #tpu.memory_space<vmem_shared>>) dst(%arg9 : memref<320xf32, #tpu.memory_space<vmem>>)
      tpu.yield
    }) : () -> ()
    %scan3A_162 = arith.constant 0 : i32
    %scan3A_163 = arith.constant 0 : i32
    %scan3A_164 = arith.constant 20 : i32
    %scan3A_165 = arith.addi %scan3A_163, %scan3A_164 : i32
    %scan3A_166 = arith.constant 1 : i32
    %scan3A_167 = scf.for %scan3A_183 = %scan3A_163 to %scan3A_165 step %scan3A_166 iter_args(%scan3A_184 = %scan3A_162) -> (i32)  : i32 {
      %mul3A_185 = arith.constant 16 : i32
      %mul3A_186 = arith.muli %scan3A_183, %mul3A_185 : i32
      %get3A = arith.index_cast %mul3A_186 : i32 to index
      %get3A_187 = tpu.vector_load %arg10[%get3A] {strides = array<i32>} : memref<320xf32, #tpu.memory_space<vmem>>, vector<16xf32>,
      %get3A_188 = arith.index_cast %mul3A_186 : i32 to index
      %get3A_189 = tpu.vector_load %arg9[%get3A_188] {strides = array<i32>} : memref<320xf32, #tpu.memory_space<vmem>>, vector<16xf32>,
      %add3A_190 = arith.addf %get3A_187, %get3A_189 : vector<16xf32>
      %swap3A = arith.index_cast %mul3A_186 : i32 to index
      %swap3A_191 = tpu.vector_load %arg10[%swap3A] {strides = array<i32>} : memref<320xf32, #tpu.memory_space<vmem>>, vector<16xf32>,
      tpu.vector_store %arg10[%swap3A], %add3A_190 {strides = array<i32>} : memref<320xf32, #tpu.memory_space<vmem>>, vector<16xf32>,
      %scan3A_192 = arith.constant 0 : i32
      scf.yield %scan3A_192 : i32
    }
    %scan3A_168 = arith.constant 20 : i32
    %scan3A_169 = arith.constant 0 : i32
    %scan3A_170 = arith.constant 0 : i32
    %scan3A_171 = arith.constant 20 : i32
    %scan3A_172 = arith.addi %scan3A_170, %scan3A_171 : i32
    %scan3A_173 = arith.constant 1 : i32
    %scan3A_174 = scf.for %scan3A_183 = %scan3A_170 to %scan3A_172 step %scan3A_173 iter_args(%scan3A_184 = %scan3A_169) -> (i32)  : i32 {
      %mul3A_185 = arith.constant 16 : i32
      %mul3A_186 = arith.muli %scan3A_183, %mul3A_185 : i32
      %get3A = arith.index_cast %mul3A_186 : i32 to index
      %get3A_187 = tpu.vector_load %arg10[%get3A] {strides = array<i32>} : memref<320xf32, #tpu.memory_space<vmem>>, vector<16xf32>,
      %add3A_188 = arith.constant 1.000000e+00 : f32
      %add3A_189 = vector.broadcast %add3A_188 : f32 to vector<16xf32>
      %add3A_190 = arith.addf %get3A_187, %add3A_189 : vector<16xf32>
      %bitcast_convert_type3A = tpu.bitcast %add3A_190 : vector<16xf32> -> vector<16xi32>
      %shift_right_arithmetic3A = arith.constant 1 : i32
      %shift_right_arithmetic3A_191 = vector.broadcast %shift_right_arithmetic3A : i32 to vector<16xi32>
      %shift_right_arithmetic3A_192 = arith.shrsi %bitcast_convert_type3A, %shift_right_arithmetic3A_191 : vector<16xi32>
      %sub3A = arith.constant 1597463007 : i32
      %sub3A_193 = vector.broadcast %sub3A : i32 to vector<16xi32>
      %sub3A_194 = arith.subi %sub3A_193, %shift_right_arithmetic3A_192 : vector<16xi32>
      %bitcast_convert_type3A_195 = tpu.bitcast %sub3A_194 : vector<16xi32> -> vector<16xf32>
      %mul3A_196 = arith.constant 5.000000e-01 : f32
      %mul3A_197 = vector.broadcast %mul3A_196 : f32 to vector<16xf32>
      %mul3A_198 = arith.mulf %mul3A_197, %add3A_190 : vector<16xf32>
      %mul3A_199 = arith.mulf %mul3A_198, %bitcast_convert_type3A_195 : vector<16xf32>
      %mul3A_200 = arith.mulf %mul3A_199, %bitcast_convert_type3A_195 : vector<16xf32>
      %sub3A_201 = arith.constant 1.500000e+00 : f32
      %sub3A_202 = vector.broadcast %sub3A_201 : f32 to vector<16xf32>
      %sub3A_203 = arith.subf %sub3A_202, %mul3A_200 : vector<16xf32>
      %mul3A_204 = arith.mulf %bitcast_convert_type3A_195, %sub3A_203 : vector<16xf32>
      %mul3A_205 = arith.constant 5.000000e-01 : f32
      %mul3A_206 = vector.broadcast %mul3A_205 : f32 to vector<16xf32>
      %mul3A_207 = arith.mulf %mul3A_206, %add3A_190 : vector<16xf32>
      %mul3A_208 = arith.mulf %mul3A_207, %mul3A_204 : vector<16xf32>
      %mul3A_209 = arith.mulf %mul3A_208, %mul3A_204 : vector<16xf32>
      %sub3A_210 = arith.constant 1.500000e+00 : f32
      %sub3A_211 = vector.broadcast %sub3A_210 : f32 to vector<16xf32>
      %sub3A_212 = arith.subf %sub3A_211, %mul3A_209 : vector<16xf32>
      %mul3A_213 = arith.mulf %mul3A_204, %sub3A_212 : vector<16xf32>
      %mul3A_214 = arith.constant 5.000000e-01 : f32
      %mul3A_215 = vector.broadcast %mul3A_214 : f32 to vector<16xf32>
      %mul3A_216 = arith.mulf %mul3A_215, %add3A_190 : vector<16xf32>
      %mul3A_217 = arith.mulf %mul3A_216, %mul3A_213 : vector<16xf32>
      %mul3A_218 = arith.mulf %mul3A_217, %mul3A_213 : vector<16xf32>
      %sub3A_219 = arith.constant 1.500000e+00 : f32
      %sub3A_220 = vector.broadcast %sub3A_219 : f32 to vector<16xf32>
      %sub3A_221 = arith.subf %sub3A_220, %mul3A_218 : vector<16xf32>
      %mul3A_222 = arith.mulf %mul3A_213, %sub3A_221 : vector<16xf32>
      %mul3A_223 = arith.constant 5.000000e-01 : f32
      %mul3A_224 = vector.broadcast %mul3A_223 : f32 to vector<16xf32>
      %mul3A_225 = arith.mulf %mul3A_224, %add3A_190 : vector<16xf32>
      %mul3A_226 = arith.mulf %mul3A_225, %mul3A_222 : vector<16xf32>
      %mul3A_227 = arith.mulf %mul3A_226, %mul3A_222 : vector<16xf32>
      %sub3A_228 = arith.constant 1.500000e+00 : f32
      %sub3A_229 = vector.broadcast %sub3A_228 : f32 to vector<16xf32>
      %sub3A_230 = arith.subf %sub3A_229, %mul3A_227 : vector<16xf32>
      %mul3A_231 = arith.mulf %mul3A_222, %sub3A_230 : vector<16xf32>
      %mul3A_232 = arith.constant 16 : i32
      %mul3A_233 = arith.muli %scan3A_183, %mul3A_232 : i32
      %swap3A = arith.index_cast %mul3A_233 : i32 to index
      %swap3A_234 = tpu.vector_load %arg11[%swap3A] {strides = array<i32>} : memref<320xf32, #tpu.memory_space<vmem>>, vector<16xf32>,
      tpu.vector_store %arg11[%swap3A], %mul3A_231 {strides = array<i32>} : memref<320xf32, #tpu.memory_space<vmem>>, vector<16xf32>,
      %scan3A_235 = arith.constant 0 : i32
      scf.yield %scan3A_235 : i32
    }
    %scan3A_175 = arith.constant 20 : i32
    %scan3A_176 = arith.constant 0 : i32
    %scan3A_177 = arith.constant 0 : i32
    %scan3A_178 = arith.constant 320 : i32
    %scan3A_179 = arith.addi %scan3A_177, %scan3A_178 : i32
    %scan3A_180 = arith.constant 1 : i32
    %scan3A_181 = scf.for %scan3A_183 = %scan3A_177 to %scan3A_179 step %scan3A_180 iter_args(%scan3A_184 = %scan3A_176) -> (i32)  : i32 {
      %broadcast_in_dim3A = vector.broadcast %scan3A_183 : i32 to vector<16xi32>
      %gather3A = tpu.vector_load_idx %arg11[%broadcast_in_dim3A] : memref<320xf32, #tpu.memory_space<vmem>>[vector<16xi32>], vector<16xf32>,
      %mul3A_185 = arith.mulf %gather3A, %gather3A : vector<16xf32>
      %swap3A = arith.index_cast %scan3A_183 : i32 to index
      %swap3A_186 = arith.constant 0 : index
      %swap3A_187 = tpu.vector_load %arg12[%swap3A, %swap3A_186] {strides = array<i32>} : memref<320x16xf32, #tpu.memory_space<vmem>>, vector<16xf32>,
      tpu.vector_store %arg12[%swap3A, %swap3A_186], %mul3A_185 {strides = array<i32>} : memref<320x16xf32, #tpu.memory_space<vmem>>, vector<16xf32>,
      %scan3A_188 = arith.constant 0 : i32
      scf.yield %scan3A_188 : i32
    }
    %scan3A_182 = arith.constant 320 : i32
    "tpu.region"() ({
      %run_scoped3A = tpu.sem_alloc : memref<!tpu.dma_semaphore, #tpu.memory_space<semaphore_mem>>
      %dma_start3A = tpu.memref_slice %arg4[%add3A] : memref<10240xf32, #tpu.memory_space<hbm>> -> memref<320xf32, #tpu.memory_space<hbm>>
      %dma_start3A_183 = tpu.memref_slice %arg4[%add3A] : memref<10240xf32, #tpu.memory_space<hbm>> -> memref<320xf32, #tpu.memory_space<hbm>>
      tpu.enqueue_dma source(%arg11 : memref<320xf32, #tpu.memory_space<vmem>>) target(%dma_start3A_183 : memref<320xf32, #tpu.memory_space<hbm>>) target_semaphore(%run_scoped3A : memref<!tpu.dma_semaphore, #tpu.memory_space<semaphore_mem>>)
      %dma_wait3A = tpu.memref_slice %arg4[%add3A] : memref<10240xf32, #tpu.memory_space<hbm>> -> memref<320xf32, #tpu.memory_space<hbm>>
      %dma_wait3A_184 = tpu.memref_slice %arg4[%add3A] : memref<10240xf32, #tpu.memory_space<hbm>> -> memref<320xf32, #tpu.memory_space<hbm>>
      tpu.wait_dma2 semaphore(%run_scoped3A : memref<!tpu.dma_semaphore, #tpu.memory_space<semaphore_mem>>) src(%arg11 : memref<320xf32, #tpu.memory_space<vmem>>) dst(%dma_wait3A_184 : memref<320xf32, #tpu.memory_space<hbm>>)
      tpu.yield
    }) : () -> ()
    "tpu.region"() ({
      %run_scoped3A = tpu.sem_alloc : memref<!tpu.dma_semaphore, #tpu.memory_space<semaphore_mem>>
      %dma_start3A = arith.constant 0 : i32
      %dma_start3A_183 = tpu.memref_slice %arg5[%add3A, %dma_start3A] : memref<10240x16xf32, #tpu.memory_space<hbm>> -> memref<320x16xf32, #tpu.memory_space<hbm>>
      %dma_start3A_184 = arith.constant 0 : i32
      %dma_start3A_185 = tpu.memref_slice %arg5[%add3A, %dma_start3A_184] : memref<10240x16xf32, #tpu.memory_space<hbm>> -> memref<320x16xf32, #tpu.memory_space<hbm>>
      tpu.enqueue_dma source(%arg12 : memref<320x16xf32, #tpu.memory_space<vmem>>) target(%dma_start3A_185 : memref<320x16xf32, #tpu.memory_space<hbm>>) target_semaphore(%run_scoped3A : memref<!tpu.dma_semaphore, #tpu.memory_space<semaphore_mem>>)
      %dma_wait3A = arith.constant 0 : i32
      %dma_wait3A_186 = tpu.memref_slice %arg5[%add3A, %dma_wait3A] : memref<10240x16xf32, #tpu.memory_space<hbm>> -> memref<320x16xf32, #tpu.memory_space<hbm>>
      %dma_wait3A_187 = arith.constant 0 : i32
      %dma_wait3A_188 = tpu.memref_slice %arg5[%add3A, %dma_wait3A_187] : memref<10240x16xf32, #tpu.memory_space<hbm>> -> memref<320x16xf32, #tpu.memory_space<hbm>>
      tpu.wait_dma2 semaphore(%run_scoped3A : memref<!tpu.dma_semaphore, #tpu.memory_space<semaphore_mem>>) src(%arg12 : memref<320x16xf32, #tpu.memory_space<vmem>>) dst(%dma_wait3A_188 : memref<320x16xf32, #tpu.memory_space<hbm>>)
      tpu.yield
    }) : () -> ()
    return
  }
}

#map = affine_map<(d0, d1) -> (0, 0)>
#map1 = affine_map<(d0, d1) -> (0)>
#map2 = affine_map<(d0, d1) -> (0, 0, 0)>
module attributes {stable_mosaic.version = 14 : i64} {
  func.func @_agg(%arg0: i32, %arg1: i32, %arg2: memref<10240x128xf32, #tpu.memory_space<hbm>>, %arg3: memref<323584xi32, #tpu.memory_space<hbm>>, %arg4: memref<323584xi32, #tpu.memory_space<hbm>>, %arg5: memref<323584xf32, #tpu.memory_space<hbm>>, %arg6: memref<2x10240x128xf32, #tpu.memory_space<hbm>>, %arg7: memref<128xi32, #tpu.memory_space<vmem>>, %arg8: memref<128xi32, #tpu.memory_space<vmem>>, %arg9: memref<128xi32, #tpu.memory_space<vmem>>, %arg10: memref<128xf32, #tpu.memory_space<vmem>>, %arg11: memref<128x128xf32, #tpu.memory_space<vmem>>, %arg12: memref<10240x128xf32, #tpu.memory_space<vmem_shared>>, %arg13: memref<!tpu.dma_semaphore, #tpu.memory_space<semaphore_mem>>) attributes {dimension_semantics = [#tpu.dimension_semantics<core_parallel>, #tpu.dimension_semantics<subcore_parallel>], iteration_bounds = array<i64: 2, 16>, scalar_prefetch = 0 : i64, scratch_operands = 7 : i64, tpu.core_type = #tpu.core_type<sc_vector_subcore>, window_params = [{transform_indices = #map}, {transform_indices = #map1}, {transform_indices = #map1}, {transform_indices = #map1}, {transform_indices = #map2}]} {
    %scan3A = arith.constant 0 : i32
    %scan3A_0 = arith.constant 0 : i32
    %scan3A_1 = arith.constant 128 : i32
    %scan3A_2 = arith.addi %scan3A_0, %scan3A_1 : i32
    %scan3A_3 = arith.constant 1 : i32
    %scan3A_4 = scf.for %scan3A_54 = %scan3A_0 to %scan3A_2 step %scan3A_3 iter_args(%scan3A_55 = %scan3A) -> (i32)  : i32 {
      %broadcast_in_dim3A = arith.constant 0.000000e+00 : f32
      %broadcast_in_dim3A_56 = vector.broadcast %broadcast_in_dim3A : f32 to vector<16xf32>
      %swap3A = arith.index_cast %scan3A_54 : i32 to index
      %swap3A_57 = arith.constant 0 : index
      %swap3A_58 = tpu.vector_load %arg11[%swap3A, %swap3A_57] {strides = array<i32>} : memref<128x128xf32, #tpu.memory_space<vmem>>, vector<16xf32>,
      tpu.vector_store %arg11[%swap3A, %swap3A_57], %broadcast_in_dim3A_56 {strides = array<i32>} : memref<128x128xf32, #tpu.memory_space<vmem>>, vector<16xf32>,
      %broadcast_in_dim3A_59 = arith.constant 0.000000e+00 : f32
      %broadcast_in_dim3A_60 = vector.broadcast %broadcast_in_dim3A_59 : f32 to vector<16xf32>
      %swap3A_61 = arith.index_cast %scan3A_54 : i32 to index
      %swap3A_62 = arith.constant 16 : index
      %swap3A_63 = tpu.vector_load %arg11[%swap3A_61, %swap3A_62] {strides = array<i32>} : memref<128x128xf32, #tpu.memory_space<vmem>>, vector<16xf32>,
      tpu.vector_store %arg11[%swap3A_61, %swap3A_62], %broadcast_in_dim3A_60 {strides = array<i32>} : memref<128x128xf32, #tpu.memory_space<vmem>>, vector<16xf32>,
      %broadcast_in_dim3A_64 = arith.constant 0.000000e+00 : f32
      %broadcast_in_dim3A_65 = vector.broadcast %broadcast_in_dim3A_64 : f32 to vector<16xf32>
      %swap3A_66 = arith.index_cast %scan3A_54 : i32 to index
      %swap3A_67 = arith.constant 32 : index
      %swap3A_68 = tpu.vector_load %arg11[%swap3A_66, %swap3A_67] {strides = array<i32>} : memref<128x128xf32, #tpu.memory_space<vmem>>, vector<16xf32>,
      tpu.vector_store %arg11[%swap3A_66, %swap3A_67], %broadcast_in_dim3A_65 {strides = array<i32>} : memref<128x128xf32, #tpu.memory_space<vmem>>, vector<16xf32>,
      %broadcast_in_dim3A_69 = arith.constant 0.000000e+00 : f32
      %broadcast_in_dim3A_70 = vector.broadcast %broadcast_in_dim3A_69 : f32 to vector<16xf32>
      %swap3A_71 = arith.index_cast %scan3A_54 : i32 to index
      %swap3A_72 = arith.constant 48 : index
      %swap3A_73 = tpu.vector_load %arg11[%swap3A_71, %swap3A_72] {strides = array<i32>} : memref<128x128xf32, #tpu.memory_space<vmem>>, vector<16xf32>,
      tpu.vector_store %arg11[%swap3A_71, %swap3A_72], %broadcast_in_dim3A_70 {strides = array<i32>} : memref<128x128xf32, #tpu.memory_space<vmem>>, vector<16xf32>,
      %broadcast_in_dim3A_74 = arith.constant 0.000000e+00 : f32
      %broadcast_in_dim3A_75 = vector.broadcast %broadcast_in_dim3A_74 : f32 to vector<16xf32>
      %swap3A_76 = arith.index_cast %scan3A_54 : i32 to index
      %swap3A_77 = arith.constant 64 : index
      %swap3A_78 = tpu.vector_load %arg11[%swap3A_76, %swap3A_77] {strides = array<i32>} : memref<128x128xf32, #tpu.memory_space<vmem>>, vector<16xf32>,
      tpu.vector_store %arg11[%swap3A_76, %swap3A_77], %broadcast_in_dim3A_75 {strides = array<i32>} : memref<128x128xf32, #tpu.memory_space<vmem>>, vector<16xf32>,
      %broadcast_in_dim3A_79 = arith.constant 0.000000e+00 : f32
      %broadcast_in_dim3A_80 = vector.broadcast %broadcast_in_dim3A_79 : f32 to vector<16xf32>
      %swap3A_81 = arith.index_cast %scan3A_54 : i32 to index
      %swap3A_82 = arith.constant 80 : index
      %swap3A_83 = tpu.vector_load %arg11[%swap3A_81, %swap3A_82] {strides = array<i32>} : memref<128x128xf32, #tpu.memory_space<vmem>>, vector<16xf32>,
      tpu.vector_store %arg11[%swap3A_81, %swap3A_82], %broadcast_in_dim3A_80 {strides = array<i32>} : memref<128x128xf32, #tpu.memory_space<vmem>>, vector<16xf32>,
      %broadcast_in_dim3A_84 = arith.constant 0.000000e+00 : f32
      %broadcast_in_dim3A_85 = vector.broadcast %broadcast_in_dim3A_84 : f32 to vector<16xf32>
      %swap3A_86 = arith.index_cast %scan3A_54 : i32 to index
      %swap3A_87 = arith.constant 96 : index
      %swap3A_88 = tpu.vector_load %arg11[%swap3A_86, %swap3A_87] {strides = array<i32>} : memref<128x128xf32, #tpu.memory_space<vmem>>, vector<16xf32>,
      tpu.vector_store %arg11[%swap3A_86, %swap3A_87], %broadcast_in_dim3A_85 {strides = array<i32>} : memref<128x128xf32, #tpu.memory_space<vmem>>, vector<16xf32>,
      %broadcast_in_dim3A_89 = arith.constant 0.000000e+00 : f32
      %broadcast_in_dim3A_90 = vector.broadcast %broadcast_in_dim3A_89 : f32 to vector<16xf32>
      %swap3A_91 = arith.index_cast %scan3A_54 : i32 to index
      %swap3A_92 = arith.constant 112 : index
      %swap3A_93 = tpu.vector_load %arg11[%swap3A_91, %swap3A_92] {strides = array<i32>} : memref<128x128xf32, #tpu.memory_space<vmem>>, vector<16xf32>,
      tpu.vector_store %arg11[%swap3A_91, %swap3A_92], %broadcast_in_dim3A_90 {strides = array<i32>} : memref<128x128xf32, #tpu.memory_space<vmem>>, vector<16xf32>,
      %scan3A_94 = arith.constant 0 : i32
      scf.yield %scan3A_94 : i32
    }
    %scan3A_5 = arith.constant 128 : i32
    %mul3A = arith.constant 5 : i32
    %mul3A_6 = arith.muli %arg1, %mul3A : i32
    %add3A = arith.constant 0 : i32
    %add3A_7 = arith.addi %mul3A_6, %add3A : i32
    %mul3A_8 = arith.constant 128 : i32
    %mul3A_9 = arith.muli %add3A_7, %mul3A_8 : i32
    "tpu.region"() ({
      %run_scoped3A = tpu.sem_alloc : memref<!tpu.dma_semaphore, #tpu.memory_space<semaphore_mem>>
      %dma_start3A = arith.constant 0 : i32
      %dma_start3A_54 = tpu.memref_slice %arg12[%mul3A_9, %dma_start3A] : memref<10240x128xf32, #tpu.memory_space<vmem_shared>> -> memref<128x128xf32, #tpu.memory_space<vmem_shared>>
      %dma_start3A_55 = arith.constant 0 : i32
      %dma_start3A_56 = tpu.memref_slice %arg12[%mul3A_9, %dma_start3A_55] : memref<10240x128xf32, #tpu.memory_space<vmem_shared>> -> memref<128x128xf32, #tpu.memory_space<vmem_shared>>
      tpu.enqueue_dma source(%arg11 : memref<128x128xf32, #tpu.memory_space<vmem>>) target(%dma_start3A_56 : memref<128x128xf32, #tpu.memory_space<vmem_shared>>) target_semaphore(%run_scoped3A : memref<!tpu.dma_semaphore, #tpu.memory_space<semaphore_mem>>)
      %dma_wait3A = arith.constant 0 : i32
      %dma_wait3A_57 = tpu.memref_slice %arg12[%mul3A_9, %dma_wait3A] : memref<10240x128xf32, #tpu.memory_space<vmem_shared>> -> memref<128x128xf32, #tpu.memory_space<vmem_shared>>
      %dma_wait3A_58 = arith.constant 0 : i32
      %dma_wait3A_59 = tpu.memref_slice %arg12[%mul3A_9, %dma_wait3A_58] : memref<10240x128xf32, #tpu.memory_space<vmem_shared>> -> memref<128x128xf32, #tpu.memory_space<vmem_shared>>
      tpu.wait_dma2 semaphore(%run_scoped3A : memref<!tpu.dma_semaphore, #tpu.memory_space<semaphore_mem>>) src(%arg11 : memref<128x128xf32, #tpu.memory_space<vmem>>) dst(%dma_wait3A_59 : memref<128x128xf32, #tpu.memory_space<vmem_shared>>)
      tpu.yield
    }) : () -> ()
    %mul3A_10 = arith.constant 5 : i32
    %mul3A_11 = arith.muli %arg1, %mul3A_10 : i32
    %add3A_12 = arith.constant 1 : i32
    %add3A_13 = arith.addi %mul3A_11, %add3A_12 : i32
    %mul3A_14 = arith.constant 128 : i32
    %mul3A_15 = arith.muli %add3A_13, %mul3A_14 : i32
    "tpu.region"() ({
      %run_scoped3A = tpu.sem_alloc : memref<!tpu.dma_semaphore, #tpu.memory_space<semaphore_mem>>
      %dma_start3A = arith.constant 0 : i32
      %dma_start3A_54 = tpu.memref_slice %arg12[%mul3A_15, %dma_start3A] : memref<10240x128xf32, #tpu.memory_space<vmem_shared>> -> memref<128x128xf32, #tpu.memory_space<vmem_shared>>
      %dma_start3A_55 = arith.constant 0 : i32
      %dma_start3A_56 = tpu.memref_slice %arg12[%mul3A_15, %dma_start3A_55] : memref<10240x128xf32, #tpu.memory_space<vmem_shared>> -> memref<128x128xf32, #tpu.memory_space<vmem_shared>>
      tpu.enqueue_dma source(%arg11 : memref<128x128xf32, #tpu.memory_space<vmem>>) target(%dma_start3A_56 : memref<128x128xf32, #tpu.memory_space<vmem_shared>>) target_semaphore(%run_scoped3A : memref<!tpu.dma_semaphore, #tpu.memory_space<semaphore_mem>>)
      %dma_wait3A = arith.constant 0 : i32
      %dma_wait3A_57 = tpu.memref_slice %arg12[%mul3A_15, %dma_wait3A] : memref<10240x128xf32, #tpu.memory_space<vmem_shared>> -> memref<128x128xf32, #tpu.memory_space<vmem_shared>>
      %dma_wait3A_58 = arith.constant 0 : i32
      %dma_wait3A_59 = tpu.memref_slice %arg12[%mul3A_15, %dma_wait3A_58] : memref<10240x128xf32, #tpu.memory_space<vmem_shared>> -> memref<128x128xf32, #tpu.memory_space<vmem_shared>>
      tpu.wait_dma2 semaphore(%run_scoped3A : memref<!tpu.dma_semaphore, #tpu.memory_space<semaphore_mem>>) src(%arg11 : memref<128x128xf32, #tpu.memory_space<vmem>>) dst(%dma_wait3A_59 : memref<128x128xf32, #tpu.memory_space<vmem_shared>>)
      tpu.yield
    }) : () -> ()
    %mul3A_16 = arith.constant 5 : i32
    %mul3A_17 = arith.muli %arg1, %mul3A_16 : i32
    %add3A_18 = arith.constant 2 : i32
    %add3A_19 = arith.addi %mul3A_17, %add3A_18 : i32
    %mul3A_20 = arith.constant 128 : i32
    %mul3A_21 = arith.muli %add3A_19, %mul3A_20 : i32
    "tpu.region"() ({
      %run_scoped3A = tpu.sem_alloc : memref<!tpu.dma_semaphore, #tpu.memory_space<semaphore_mem>>
      %dma_start3A = arith.constant 0 : i32
      %dma_start3A_54 = tpu.memref_slice %arg12[%mul3A_21, %dma_start3A] : memref<10240x128xf32, #tpu.memory_space<vmem_shared>> -> memref<128x128xf32, #tpu.memory_space<vmem_shared>>
      %dma_start3A_55 = arith.constant 0 : i32
      %dma_start3A_56 = tpu.memref_slice %arg12[%mul3A_21, %dma_start3A_55] : memref<10240x128xf32, #tpu.memory_space<vmem_shared>> -> memref<128x128xf32, #tpu.memory_space<vmem_shared>>
      tpu.enqueue_dma source(%arg11 : memref<128x128xf32, #tpu.memory_space<vmem>>) target(%dma_start3A_56 : memref<128x128xf32, #tpu.memory_space<vmem_shared>>) target_semaphore(%run_scoped3A : memref<!tpu.dma_semaphore, #tpu.memory_space<semaphore_mem>>)
      %dma_wait3A = arith.constant 0 : i32
      %dma_wait3A_57 = tpu.memref_slice %arg12[%mul3A_21, %dma_wait3A] : memref<10240x128xf32, #tpu.memory_space<vmem_shared>> -> memref<128x128xf32, #tpu.memory_space<vmem_shared>>
      %dma_wait3A_58 = arith.constant 0 : i32
      %dma_wait3A_59 = tpu.memref_slice %arg12[%mul3A_21, %dma_wait3A_58] : memref<10240x128xf32, #tpu.memory_space<vmem_shared>> -> memref<128x128xf32, #tpu.memory_space<vmem_shared>>
      tpu.wait_dma2 semaphore(%run_scoped3A : memref<!tpu.dma_semaphore, #tpu.memory_space<semaphore_mem>>) src(%arg11 : memref<128x128xf32, #tpu.memory_space<vmem>>) dst(%dma_wait3A_59 : memref<128x128xf32, #tpu.memory_space<vmem_shared>>)
      tpu.yield
    }) : () -> ()
    %mul3A_22 = arith.constant 5 : i32
    %mul3A_23 = arith.muli %arg1, %mul3A_22 : i32
    %add3A_24 = arith.constant 3 : i32
    %add3A_25 = arith.addi %mul3A_23, %add3A_24 : i32
    %mul3A_26 = arith.constant 128 : i32
    %mul3A_27 = arith.muli %add3A_25, %mul3A_26 : i32
    "tpu.region"() ({
      %run_scoped3A = tpu.sem_alloc : memref<!tpu.dma_semaphore, #tpu.memory_space<semaphore_mem>>
      %dma_start3A = arith.constant 0 : i32
      %dma_start3A_54 = tpu.memref_slice %arg12[%mul3A_27, %dma_start3A] : memref<10240x128xf32, #tpu.memory_space<vmem_shared>> -> memref<128x128xf32, #tpu.memory_space<vmem_shared>>
      %dma_start3A_55 = arith.constant 0 : i32
      %dma_start3A_56 = tpu.memref_slice %arg12[%mul3A_27, %dma_start3A_55] : memref<10240x128xf32, #tpu.memory_space<vmem_shared>> -> memref<128x128xf32, #tpu.memory_space<vmem_shared>>
      tpu.enqueue_dma source(%arg11 : memref<128x128xf32, #tpu.memory_space<vmem>>) target(%dma_start3A_56 : memref<128x128xf32, #tpu.memory_space<vmem_shared>>) target_semaphore(%run_scoped3A : memref<!tpu.dma_semaphore, #tpu.memory_space<semaphore_mem>>)
      %dma_wait3A = arith.constant 0 : i32
      %dma_wait3A_57 = tpu.memref_slice %arg12[%mul3A_27, %dma_wait3A] : memref<10240x128xf32, #tpu.memory_space<vmem_shared>> -> memref<128x128xf32, #tpu.memory_space<vmem_shared>>
      %dma_wait3A_58 = arith.constant 0 : i32
      %dma_wait3A_59 = tpu.memref_slice %arg12[%mul3A_27, %dma_wait3A_58] : memref<10240x128xf32, #tpu.memory_space<vmem_shared>> -> memref<128x128xf32, #tpu.memory_space<vmem_shared>>
      tpu.wait_dma2 semaphore(%run_scoped3A : memref<!tpu.dma_semaphore, #tpu.memory_space<semaphore_mem>>) src(%arg11 : memref<128x128xf32, #tpu.memory_space<vmem>>) dst(%dma_wait3A_59 : memref<128x128xf32, #tpu.memory_space<vmem_shared>>)
      tpu.yield
    }) : () -> ()
    %mul3A_28 = arith.constant 5 : i32
    %mul3A_29 = arith.muli %arg1, %mul3A_28 : i32
    %add3A_30 = arith.constant 4 : i32
    %add3A_31 = arith.addi %mul3A_29, %add3A_30 : i32
    %mul3A_32 = arith.constant 128 : i32
    %mul3A_33 = arith.muli %add3A_31, %mul3A_32 : i32
    "tpu.region"() ({
      %run_scoped3A = tpu.sem_alloc : memref<!tpu.dma_semaphore, #tpu.memory_space<semaphore_mem>>
      %dma_start3A = arith.constant 0 : i32
      %dma_start3A_54 = tpu.memref_slice %arg12[%mul3A_33, %dma_start3A] : memref<10240x128xf32, #tpu.memory_space<vmem_shared>> -> memref<128x128xf32, #tpu.memory_space<vmem_shared>>
      %dma_start3A_55 = arith.constant 0 : i32
      %dma_start3A_56 = tpu.memref_slice %arg12[%mul3A_33, %dma_start3A_55] : memref<10240x128xf32, #tpu.memory_space<vmem_shared>> -> memref<128x128xf32, #tpu.memory_space<vmem_shared>>
      tpu.enqueue_dma source(%arg11 : memref<128x128xf32, #tpu.memory_space<vmem>>) target(%dma_start3A_56 : memref<128x128xf32, #tpu.memory_space<vmem_shared>>) target_semaphore(%run_scoped3A : memref<!tpu.dma_semaphore, #tpu.memory_space<semaphore_mem>>)
      %dma_wait3A = arith.constant 0 : i32
      %dma_wait3A_57 = tpu.memref_slice %arg12[%mul3A_33, %dma_wait3A] : memref<10240x128xf32, #tpu.memory_space<vmem_shared>> -> memref<128x128xf32, #tpu.memory_space<vmem_shared>>
      %dma_wait3A_58 = arith.constant 0 : i32
      %dma_wait3A_59 = tpu.memref_slice %arg12[%mul3A_33, %dma_wait3A_58] : memref<10240x128xf32, #tpu.memory_space<vmem_shared>> -> memref<128x128xf32, #tpu.memory_space<vmem_shared>>
      tpu.wait_dma2 semaphore(%run_scoped3A : memref<!tpu.dma_semaphore, #tpu.memory_space<semaphore_mem>>) src(%arg11 : memref<128x128xf32, #tpu.memory_space<vmem>>) dst(%dma_wait3A_59 : memref<128x128xf32, #tpu.memory_space<vmem_shared>>)
      tpu.yield
    }) : () -> ()
    %barrier3A = arith.constant 0 : index
    tpu.barrier barrier_id(%barrier3A)
    %mul3A_34 = arith.constant 2 : i32
    %mul3A_35 = arith.muli %arg1, %mul3A_34 : i32
    %add3A_36 = arith.addi %mul3A_35, %arg0 : i32
    %mul3A_37 = arith.constant 10112 : i32
    %mul3A_38 = arith.muli %add3A_36, %mul3A_37 : i32
    %scan3A_39 = arith.constant 0 : i32
    %scan3A_40 = arith.constant 0 : i32
    %scan3A_41 = arith.constant 79 : i32
    %scan3A_42 = arith.addi %scan3A_40, %scan3A_41 : i32
    %scan3A_43 = arith.constant 1 : i32
    %scan3A_44 = scf.for %scan3A_54 = %scan3A_40 to %scan3A_42 step %scan3A_43 iter_args(%scan3A_55 = %scan3A_39) -> (i32)  : i32 {
      %mul3A_56 = arith.constant 128 : i32
      %mul3A_57 = arith.muli %scan3A_54, %mul3A_56 : i32
      %add3A_58 = arith.addi %mul3A_38, %mul3A_57 : i32
      "tpu.region"() ({
        %run_scoped3A = tpu.sem_alloc : memref<!tpu.dma_semaphore, #tpu.memory_space<semaphore_mem>>
        %dma_start3A_78 = tpu.memref_slice %arg3[%add3A_58] : memref<323584xi32, #tpu.memory_space<hbm>> -> memref<128xi32, #tpu.memory_space<hbm>>
        %dma_start3A_79 = tpu.memref_slice %arg3[%add3A_58] : memref<323584xi32, #tpu.memory_space<hbm>> -> memref<128xi32, #tpu.memory_space<hbm>>
        tpu.enqueue_dma source(%dma_start3A_79 : memref<128xi32, #tpu.memory_space<hbm>>) target(%arg7 : memref<128xi32, #tpu.memory_space<vmem>>) target_semaphore(%run_scoped3A : memref<!tpu.dma_semaphore, #tpu.memory_space<semaphore_mem>>)
        %dma_wait3A_80 = tpu.memref_slice %arg3[%add3A_58] : memref<323584xi32, #tpu.memory_space<hbm>> -> memref<128xi32, #tpu.memory_space<hbm>>
        %dma_wait3A_81 = tpu.memref_slice %arg3[%add3A_58] : memref<323584xi32, #tpu.memory_space<hbm>> -> memref<128xi32, #tpu.memory_space<hbm>>
        tpu.wait_dma2 semaphore(%run_scoped3A : memref<!tpu.dma_semaphore, #tpu.memory_space<semaphore_mem>>) src(%dma_wait3A_81 : memref<128xi32, #tpu.memory_space<hbm>>) dst(%arg7 : memref<128xi32, #tpu.memory_space<vmem>>)
        tpu.yield
      }) : () -> ()
      "tpu.region"() ({
        %run_scoped3A = tpu.sem_alloc : memref<!tpu.dma_semaphore, #tpu.memory_space<semaphore_mem>>
        %dma_start3A_78 = tpu.memref_slice %arg4[%add3A_58] : memref<323584xi32, #tpu.memory_space<hbm>> -> memref<128xi32, #tpu.memory_space<hbm>>
        %dma_start3A_79 = tpu.memref_slice %arg4[%add3A_58] : memref<323584xi32, #tpu.memory_space<hbm>> -> memref<128xi32, #tpu.memory_space<hbm>>
        tpu.enqueue_dma source(%dma_start3A_79 : memref<128xi32, #tpu.memory_space<hbm>>) target(%arg9 : memref<128xi32, #tpu.memory_space<vmem>>) target_semaphore(%run_scoped3A : memref<!tpu.dma_semaphore, #tpu.memory_space<semaphore_mem>>)
        %dma_wait3A_80 = tpu.memref_slice %arg4[%add3A_58] : memref<323584xi32, #tpu.memory_space<hbm>> -> memref<128xi32, #tpu.memory_space<hbm>>
        %dma_wait3A_81 = tpu.memref_slice %arg4[%add3A_58] : memref<323584xi32, #tpu.memory_space<hbm>> -> memref<128xi32, #tpu.memory_space<hbm>>
        tpu.wait_dma2 semaphore(%run_scoped3A : memref<!tpu.dma_semaphore, #tpu.memory_space<semaphore_mem>>) src(%dma_wait3A_81 : memref<128xi32, #tpu.memory_space<hbm>>) dst(%arg9 : memref<128xi32, #tpu.memory_space<vmem>>)
        tpu.yield
      }) : () -> ()
      "tpu.region"() ({
        %run_scoped3A = tpu.sem_alloc : memref<!tpu.dma_semaphore, #tpu.memory_space<semaphore_mem>>
        %dma_start3A_78 = tpu.memref_slice %arg5[%add3A_58] : memref<323584xf32, #tpu.memory_space<hbm>> -> memref<128xf32, #tpu.memory_space<hbm>>
        %dma_start3A_79 = tpu.memref_slice %arg5[%add3A_58] : memref<323584xf32, #tpu.memory_space<hbm>> -> memref<128xf32, #tpu.memory_space<hbm>>
        tpu.enqueue_dma source(%dma_start3A_79 : memref<128xf32, #tpu.memory_space<hbm>>) target(%arg10 : memref<128xf32, #tpu.memory_space<vmem>>) target_semaphore(%run_scoped3A : memref<!tpu.dma_semaphore, #tpu.memory_space<semaphore_mem>>)
        %dma_wait3A_80 = tpu.memref_slice %arg5[%add3A_58] : memref<323584xf32, #tpu.memory_space<hbm>> -> memref<128xf32, #tpu.memory_space<hbm>>
        %dma_wait3A_81 = tpu.memref_slice %arg5[%add3A_58] : memref<323584xf32, #tpu.memory_space<hbm>> -> memref<128xf32, #tpu.memory_space<hbm>>
        tpu.wait_dma2 semaphore(%run_scoped3A : memref<!tpu.dma_semaphore, #tpu.memory_space<semaphore_mem>>) src(%dma_wait3A_81 : memref<128xf32, #tpu.memory_space<hbm>>) dst(%arg10 : memref<128xf32, #tpu.memory_space<vmem>>)
        tpu.yield
      }) : () -> ()
      %scan3A_59 = arith.constant 0 : i32
      %scan3A_60 = arith.constant 0 : i32
      %scan3A_61 = arith.constant 8 : i32
      %scan3A_62 = arith.addi %scan3A_60, %scan3A_61 : i32
      %scan3A_63 = arith.constant 1 : i32
      %scan3A_64 = scf.for %scan3A_78 = %scan3A_60 to %scan3A_62 step %scan3A_63 iter_args(%scan3A_79 = %scan3A_59) -> (i32)  : i32 {
        %mul3A_80 = arith.constant 16 : i32
        %mul3A_81 = arith.muli %scan3A_78, %mul3A_80 : i32
        %get3A = arith.index_cast %mul3A_81 : i32 to index
        %get3A_82 = tpu.vector_load %arg7[%get3A] {strides = array<i32>} : memref<128xi32, #tpu.memory_space<vmem>>, vector<16xi32>,
        %add3A_83 = arith.constant 0 : i32
        %add3A_84 = vector.broadcast %add3A_83 : i32 to vector<16xi32>
        %add3A_85 = arith.addi %get3A_82, %add3A_84 : vector<16xi32>
        %swap3A = arith.index_cast %mul3A_81 : i32 to index
        %swap3A_86 = tpu.vector_load %arg8[%swap3A] {strides = array<i32>} : memref<128xi32, #tpu.memory_space<vmem>>, vector<16xi32>,
        tpu.vector_store %arg8[%swap3A], %add3A_85 {strides = array<i32>} : memref<128xi32, #tpu.memory_space<vmem>>, vector<16xi32>,
        %scan3A_87 = arith.constant 0 : i32
        scf.yield %scan3A_87 : i32
      }
      %scan3A_65 = arith.constant 8 : i32
      %dma_start3A = arith.constant 0 : i32
      %dma_start3A_66 = arith.constant 0 : i32
      %dma_start3A_67 = tpu.memref_slice %arg2[%dma_start3A, %dma_start3A_66] : memref<10240x128xf32, #tpu.memory_space<hbm>> -> memref<10240x128xf32, #tpu.memory_space<hbm>>
      tpu.enqueue_indirect_dma source(%dma_start3A_67 : memref<10240x128xf32, #tpu.memory_space<hbm>>) target(%arg11 : memref<128x128xf32, #tpu.memory_space<vmem>>) offsets(%arg8 : memref<128xi32, #tpu.memory_space<vmem>>) semaphore(%arg13 : memref<!tpu.dma_semaphore, #tpu.memory_space<semaphore_mem>>)
      %dma_wait3A = arith.constant 0 : i32
      %dma_wait3A_68 = arith.constant 0 : i32
      %dma_wait3A_69 = tpu.memref_slice %arg2[%dma_wait3A, %dma_wait3A_68] : memref<10240x128xf32, #tpu.memory_space<hbm>> -> memref<10240x128xf32, #tpu.memory_space<hbm>>
      tpu.wait_indirect_dma semaphore(%arg13 : memref<!tpu.dma_semaphore, #tpu.memory_space<semaphore_mem>>) src(%dma_wait3A_69 : memref<10240x128xf32, #tpu.memory_space<hbm>>) dst(%arg11 : memref<128x128xf32, #tpu.memory_space<vmem>>)
      %scan3A_70 = arith.constant 0 : i32
      %scan3A_71 = arith.constant 0 : i32
      %scan3A_72 = arith.constant 128 : i32
      %scan3A_73 = arith.addi %scan3A_71, %scan3A_72 : i32
      %scan3A_74 = arith.constant 1 : i32
      %scan3A_75 = scf.for %scan3A_78 = %scan3A_71 to %scan3A_73 step %scan3A_74 iter_args(%scan3A_79 = %scan3A_70) -> (i32)  : i32 {
        %broadcast_in_dim3A = vector.broadcast %scan3A_78 : i32 to vector<16xi32>
        %gather3A = tpu.vector_load_idx %arg10[%broadcast_in_dim3A] : memref<128xf32, #tpu.memory_space<vmem>>[vector<16xi32>], vector<16xf32>,
        %get3A = arith.index_cast %scan3A_78 : i32 to index
        %get3A_80 = arith.constant 0 : index
        %get3A_81 = tpu.vector_load %arg11[%get3A, %get3A_80] {strides = array<i32>} : memref<128x128xf32, #tpu.memory_space<vmem>>, vector<16xf32>,
        %mul3A_82 = arith.mulf %get3A_81, %gather3A : vector<16xf32>
        %swap3A = arith.index_cast %scan3A_78 : i32 to index
        %swap3A_83 = arith.constant 0 : index
        %swap3A_84 = tpu.vector_load %arg11[%swap3A, %swap3A_83] {strides = array<i32>} : memref<128x128xf32, #tpu.memory_space<vmem>>, vector<16xf32>,
        tpu.vector_store %arg11[%swap3A, %swap3A_83], %mul3A_82 {strides = array<i32>} : memref<128x128xf32, #tpu.memory_space<vmem>>, vector<16xf32>,
        %get3A_85 = arith.index_cast %scan3A_78 : i32 to index
        %get3A_86 = arith.constant 16 : index
        %get3A_87 = tpu.vector_load %arg11[%get3A_85, %get3A_86] {strides = array<i32>} : memref<128x128xf32, #tpu.memory_space<vmem>>, vector<16xf32>,
        %mul3A_88 = arith.mulf %get3A_87, %gather3A : vector<16xf32>
        %swap3A_89 = arith.index_cast %scan3A_78 : i32 to index
        %swap3A_90 = arith.constant 16 : index
        %swap3A_91 = tpu.vector_load %arg11[%swap3A_89, %swap3A_90] {strides = array<i32>} : memref<128x128xf32, #tpu.memory_space<vmem>>, vector<16xf32>,
        tpu.vector_store %arg11[%swap3A_89, %swap3A_90], %mul3A_88 {strides = array<i32>} : memref<128x128xf32, #tpu.memory_space<vmem>>, vector<16xf32>,
        %get3A_92 = arith.index_cast %scan3A_78 : i32 to index
        %get3A_93 = arith.constant 32 : index
        %get3A_94 = tpu.vector_load %arg11[%get3A_92, %get3A_93] {strides = array<i32>} : memref<128x128xf32, #tpu.memory_space<vmem>>, vector<16xf32>,
        %mul3A_95 = arith.mulf %get3A_94, %gather3A : vector<16xf32>
        %swap3A_96 = arith.index_cast %scan3A_78 : i32 to index
        %swap3A_97 = arith.constant 32 : index
        %swap3A_98 = tpu.vector_load %arg11[%swap3A_96, %swap3A_97] {strides = array<i32>} : memref<128x128xf32, #tpu.memory_space<vmem>>, vector<16xf32>,
        tpu.vector_store %arg11[%swap3A_96, %swap3A_97], %mul3A_95 {strides = array<i32>} : memref<128x128xf32, #tpu.memory_space<vmem>>, vector<16xf32>,
        %get3A_99 = arith.index_cast %scan3A_78 : i32 to index
        %get3A_100 = arith.constant 48 : index
        %get3A_101 = tpu.vector_load %arg11[%get3A_99, %get3A_100] {strides = array<i32>} : memref<128x128xf32, #tpu.memory_space<vmem>>, vector<16xf32>,
        %mul3A_102 = arith.mulf %get3A_101, %gather3A : vector<16xf32>
        %swap3A_103 = arith.index_cast %scan3A_78 : i32 to index
        %swap3A_104 = arith.constant 48 : index
        %swap3A_105 = tpu.vector_load %arg11[%swap3A_103, %swap3A_104] {strides = array<i32>} : memref<128x128xf32, #tpu.memory_space<vmem>>, vector<16xf32>,
        tpu.vector_store %arg11[%swap3A_103, %swap3A_104], %mul3A_102 {strides = array<i32>} : memref<128x128xf32, #tpu.memory_space<vmem>>, vector<16xf32>,
        %get3A_106 = arith.index_cast %scan3A_78 : i32 to index
        %get3A_107 = arith.constant 64 : index
        %get3A_108 = tpu.vector_load %arg11[%get3A_106, %get3A_107] {strides = array<i32>} : memref<128x128xf32, #tpu.memory_space<vmem>>, vector<16xf32>,
        %mul3A_109 = arith.mulf %get3A_108, %gather3A : vector<16xf32>
        %swap3A_110 = arith.index_cast %scan3A_78 : i32 to index
        %swap3A_111 = arith.constant 64 : index
        %swap3A_112 = tpu.vector_load %arg11[%swap3A_110, %swap3A_111] {strides = array<i32>} : memref<128x128xf32, #tpu.memory_space<vmem>>, vector<16xf32>,
        tpu.vector_store %arg11[%swap3A_110, %swap3A_111], %mul3A_109 {strides = array<i32>} : memref<128x128xf32, #tpu.memory_space<vmem>>, vector<16xf32>,
        %get3A_113 = arith.index_cast %scan3A_78 : i32 to index
        %get3A_114 = arith.constant 80 : index
        %get3A_115 = tpu.vector_load %arg11[%get3A_113, %get3A_114] {strides = array<i32>} : memref<128x128xf32, #tpu.memory_space<vmem>>, vector<16xf32>,
        %mul3A_116 = arith.mulf %get3A_115, %gather3A : vector<16xf32>
        %swap3A_117 = arith.index_cast %scan3A_78 : i32 to index
        %swap3A_118 = arith.constant 80 : index
        %swap3A_119 = tpu.vector_load %arg11[%swap3A_117, %swap3A_118] {strides = array<i32>} : memref<128x128xf32, #tpu.memory_space<vmem>>, vector<16xf32>,
        tpu.vector_store %arg11[%swap3A_117, %swap3A_118], %mul3A_116 {strides = array<i32>} : memref<128x128xf32, #tpu.memory_space<vmem>>, vector<16xf32>,
        %get3A_120 = arith.index_cast %scan3A_78 : i32 to index
        %get3A_121 = arith.constant 96 : index
        %get3A_122 = tpu.vector_load %arg11[%get3A_120, %get3A_121] {strides = array<i32>} : memref<128x128xf32, #tpu.memory_space<vmem>>, vector<16xf32>,
        %mul3A_123 = arith.mulf %get3A_122, %gather3A : vector<16xf32>
        %swap3A_124 = arith.index_cast %scan3A_78 : i32 to index
        %swap3A_125 = arith.constant 96 : index
        %swap3A_126 = tpu.vector_load %arg11[%swap3A_124, %swap3A_125] {strides = array<i32>} : memref<128x128xf32, #tpu.memory_space<vmem>>, vector<16xf32>,
        tpu.vector_store %arg11[%swap3A_124, %swap3A_125], %mul3A_123 {strides = array<i32>} : memref<128x128xf32, #tpu.memory_space<vmem>>, vector<16xf32>,
        %get3A_127 = arith.index_cast %scan3A_78 : i32 to index
        %get3A_128 = arith.constant 112 : index
        %get3A_129 = tpu.vector_load %arg11[%get3A_127, %get3A_128] {strides = array<i32>} : memref<128x128xf32, #tpu.memory_space<vmem>>, vector<16xf32>,
        %mul3A_130 = arith.mulf %get3A_129, %gather3A : vector<16xf32>
        %swap3A_131 = arith.index_cast %scan3A_78 : i32 to index
        %swap3A_132 = arith.constant 112 : index
        %swap3A_133 = tpu.vector_load %arg11[%swap3A_131, %swap3A_132] {strides = array<i32>} : memref<128x128xf32, #tpu.memory_space<vmem>>, vector<16xf32>,
        tpu.vector_store %arg11[%swap3A_131, %swap3A_132], %mul3A_130 {strides = array<i32>} : memref<128x128xf32, #tpu.memory_space<vmem>>, vector<16xf32>,
        %scan3A_134 = arith.constant 0 : i32
        scf.yield %scan3A_134 : i32
      }
      %scan3A_76 = arith.constant 128 : i32
      "tpu.region"() ({
        %run_scoped3A = tpu.sem_alloc : memref<!tpu.dma_semaphore, #tpu.memory_space<semaphore_mem>>
        %dma_start3A_78 = arith.constant 0 : i32
        %dma_start3A_79 = arith.constant 0 : i32
        %dma_start3A_80 = tpu.memref_slice %arg12[%dma_start3A_78, %dma_start3A_79] : memref<10240x128xf32, #tpu.memory_space<vmem_shared>> -> memref<10240x128xf32, #tpu.memory_space<vmem_shared>>
        tpu.enqueue_indirect_dma source(%arg11 : memref<128x128xf32, #tpu.memory_space<vmem>>) target(%dma_start3A_80 : memref<10240x128xf32, #tpu.memory_space<vmem_shared>>) offsets(%arg9 : memref<128xi32, #tpu.memory_space<vmem>>) semaphore(%run_scoped3A : memref<!tpu.dma_semaphore, #tpu.memory_space<semaphore_mem>>) {add = true}
        %dma_wait3A_81 = arith.constant 0 : i32
        %dma_wait3A_82 = arith.constant 0 : i32
        %dma_wait3A_83 = tpu.memref_slice %arg12[%dma_wait3A_81, %dma_wait3A_82] : memref<10240x128xf32, #tpu.memory_space<vmem_shared>> -> memref<10240x128xf32, #tpu.memory_space<vmem_shared>>
        tpu.wait_indirect_dma semaphore(%run_scoped3A : memref<!tpu.dma_semaphore, #tpu.memory_space<semaphore_mem>>) src(%arg11 : memref<128x128xf32, #tpu.memory_space<vmem>>) dst(%dma_wait3A_83 : memref<10240x128xf32, #tpu.memory_space<vmem_shared>>)
        tpu.yield
      }) : () -> ()
      %scan3A_77 = arith.constant 0 : i32
      scf.yield %scan3A_77 : i32
    }
    %scan3A_45 = arith.constant 79 : i32
    %barrier3A_46 = arith.constant 0 : index
    tpu.barrier barrier_id(%barrier3A_46)
    %scan3A_47 = arith.constant 0 : i32
    %scan3A_48 = arith.constant 0 : i32
    %scan3A_49 = arith.constant 5 : i32
    %scan3A_50 = arith.addi %scan3A_48, %scan3A_49 : i32
    %scan3A_51 = arith.constant 1 : i32
    %scan3A_52 = scf.for %scan3A_54 = %scan3A_48 to %scan3A_50 step %scan3A_51 iter_args(%scan3A_55 = %scan3A_47) -> (i32)  : i32 {
      %mul3A_56 = arith.constant 5 : i32
      %mul3A_57 = arith.muli %arg1, %mul3A_56 : i32
      %add3A_58 = arith.addi %mul3A_57, %scan3A_54 : i32
      %mul3A_59 = arith.constant 128 : i32
      %mul3A_60 = arith.muli %add3A_58, %mul3A_59 : i32
      "tpu.region"() ({
        %run_scoped3A = tpu.sem_alloc : memref<!tpu.dma_semaphore, #tpu.memory_space<semaphore_mem>>
        %dma_start3A = arith.constant 0 : i32
        %dma_start3A_62 = tpu.memref_slice %arg12[%mul3A_60, %dma_start3A] : memref<10240x128xf32, #tpu.memory_space<vmem_shared>> -> memref<128x128xf32, #tpu.memory_space<vmem_shared>>
        %dma_start3A_63 = arith.constant 0 : i32
        %dma_start3A_64 = tpu.memref_slice %arg12[%mul3A_60, %dma_start3A_63] : memref<10240x128xf32, #tpu.memory_space<vmem_shared>> -> memref<128x128xf32, #tpu.memory_space<vmem_shared>>
        tpu.enqueue_dma source(%dma_start3A_64 : memref<128x128xf32, #tpu.memory_space<vmem_shared>>) target(%arg11 : memref<128x128xf32, #tpu.memory_space<vmem>>) target_semaphore(%run_scoped3A : memref<!tpu.dma_semaphore, #tpu.memory_space<semaphore_mem>>)
        %dma_wait3A = arith.constant 0 : i32
        %dma_wait3A_65 = tpu.memref_slice %arg12[%mul3A_60, %dma_wait3A] : memref<10240x128xf32, #tpu.memory_space<vmem_shared>> -> memref<128x128xf32, #tpu.memory_space<vmem_shared>>
        %dma_wait3A_66 = arith.constant 0 : i32
        %dma_wait3A_67 = tpu.memref_slice %arg12[%mul3A_60, %dma_wait3A_66] : memref<10240x128xf32, #tpu.memory_space<vmem_shared>> -> memref<128x128xf32, #tpu.memory_space<vmem_shared>>
        tpu.wait_dma2 semaphore(%run_scoped3A : memref<!tpu.dma_semaphore, #tpu.memory_space<semaphore_mem>>) src(%dma_wait3A_67 : memref<128x128xf32, #tpu.memory_space<vmem_shared>>) dst(%arg11 : memref<128x128xf32, #tpu.memory_space<vmem>>)
        tpu.yield
      }) : () -> ()
      "tpu.region"() ({
        %run_scoped3A = tpu.sem_alloc : memref<!tpu.dma_semaphore, #tpu.memory_space<semaphore_mem>>
        %dma_start3A = arith.constant 0 : i32
        %dma_start3A_62 = tpu.memref_slice %arg6[%arg0, %mul3A_60, %dma_start3A] : memref<2x10240x128xf32, #tpu.memory_space<hbm>> -> memref<1x128x128xf32, #tpu.memory_space<hbm>>
        %dma_start3A_63 = tpu.memref_squeeze %dma_start3A_62 : memref<1x128x128xf32, #tpu.memory_space<hbm>> -> memref<128x128xf32, #tpu.memory_space<hbm>>
        %dma_start3A_64 = arith.constant 0 : i32
        %dma_start3A_65 = tpu.memref_slice %arg6[%arg0, %mul3A_60, %dma_start3A_64] : memref<2x10240x128xf32, #tpu.memory_space<hbm>> -> memref<1x128x128xf32, #tpu.memory_space<hbm>>
        %dma_start3A_66 = tpu.memref_squeeze %dma_start3A_65 : memref<1x128x128xf32, #tpu.memory_space<hbm>> -> memref<128x128xf32, #tpu.memory_space<hbm>>
        tpu.enqueue_dma source(%arg11 : memref<128x128xf32, #tpu.memory_space<vmem>>) target(%dma_start3A_66 : memref<128x128xf32, #tpu.memory_space<hbm>>) target_semaphore(%run_scoped3A : memref<!tpu.dma_semaphore, #tpu.memory_space<semaphore_mem>>)
        %dma_wait3A = arith.constant 0 : i32
        %dma_wait3A_67 = tpu.memref_slice %arg6[%arg0, %mul3A_60, %dma_wait3A] : memref<2x10240x128xf32, #tpu.memory_space<hbm>> -> memref<1x128x128xf32, #tpu.memory_space<hbm>>
        %dma_wait3A_68 = tpu.memref_squeeze %dma_wait3A_67 : memref<1x128x128xf32, #tpu.memory_space<hbm>> -> memref<128x128xf32, #tpu.memory_space<hbm>>
        %dma_wait3A_69 = arith.constant 0 : i32
        %dma_wait3A_70 = tpu.memref_slice %arg6[%arg0, %mul3A_60, %dma_wait3A_69] : memref<2x10240x128xf32, #tpu.memory_space<hbm>> -> memref<1x128x128xf32, #tpu.memory_space<hbm>>
        %dma_wait3A_71 = tpu.memref_squeeze %dma_wait3A_70 : memref<1x128x128xf32, #tpu.memory_space<hbm>> -> memref<128x128xf32, #tpu.memory_space<hbm>>
        tpu.wait_dma2 semaphore(%run_scoped3A : memref<!tpu.dma_semaphore, #tpu.memory_space<semaphore_mem>>) src(%arg11 : memref<128x128xf32, #tpu.memory_space<vmem>>) dst(%dma_wait3A_71 : memref<128x128xf32, #tpu.memory_space<hbm>>)
        tpu.yield
      }) : () -> ()
      %scan3A_61 = arith.constant 0 : i32
      scf.yield %scan3A_61 : i32
    }
    %scan3A_53 = arith.constant 5 : i32
    return
  }
}

#map = affine_map<(d0, d1) -> (0)>
module attributes {stable_mosaic.version = 14 : i64} {
  func.func @_norm(%arg0: i32, %arg1: i32, %arg2: memref<323584xi32, #tpu.memory_space<hbm>>, %arg3: memref<323584xi32, #tpu.memory_space<hbm>>, %arg4: memref<323584xf32, #tpu.memory_space<hbm>>, %arg5: memref<10240xf32, #tpu.memory_space<hbm>>, %arg6: memref<323584xf32, #tpu.memory_space<hbm>>, %arg7: memref<10240xf32, #tpu.memory_space<vmem>>, %arg8: memref<128xi32, #tpu.memory_space<vmem>>, %arg9: memref<128xi32, #tpu.memory_space<vmem>>, %arg10: memref<128xf32, #tpu.memory_space<vmem>>, %arg11: memref<128xf32, #tpu.memory_space<vmem>>) attributes {dimension_semantics = [#tpu.dimension_semantics<core_parallel>, #tpu.dimension_semantics<subcore_parallel>], iteration_bounds = array<i64: 2, 16>, scalar_prefetch = 0 : i64, scratch_operands = 5 : i64, tpu.core_type = #tpu.core_type<sc_vector_subcore>, window_params = [{transform_indices = #map}, {transform_indices = #map}, {transform_indices = #map}, {transform_indices = #map}, {transform_indices = #map}]} {
    %mul3A = arith.constant 2 : i32
    %mul3A_0 = arith.muli %arg1, %mul3A : i32
    %add3A = arith.addi %mul3A_0, %arg0 : i32
    "tpu.region"() ({
      %run_scoped3A = tpu.sem_alloc : memref<!tpu.dma_semaphore, #tpu.memory_space<semaphore_mem>>
      tpu.enqueue_dma source(%arg5 : memref<10240xf32, #tpu.memory_space<hbm>>) target(%arg7 : memref<10240xf32, #tpu.memory_space<vmem>>) target_semaphore(%run_scoped3A : memref<!tpu.dma_semaphore, #tpu.memory_space<semaphore_mem>>)
      tpu.wait_dma2 semaphore(%run_scoped3A : memref<!tpu.dma_semaphore, #tpu.memory_space<semaphore_mem>>) src(%arg5 : memref<10240xf32, #tpu.memory_space<hbm>>) dst(%arg7 : memref<10240xf32, #tpu.memory_space<vmem>>)
      tpu.yield
    }) : () -> ()
    %mul3A_1 = arith.constant 10112 : i32
    %mul3A_2 = arith.muli %add3A, %mul3A_1 : i32
    %scan3A = arith.constant 0 : i32
    %scan3A_3 = arith.constant 0 : i32
    %scan3A_4 = arith.constant 79 : i32
    %scan3A_5 = arith.addi %scan3A_3, %scan3A_4 : i32
    %scan3A_6 = arith.constant 1 : i32
    %scan3A_7 = scf.for %scan3A_9 = %scan3A_3 to %scan3A_5 step %scan3A_6 iter_args(%scan3A_10 = %scan3A) -> (i32)  : i32 {
      %mul3A_11 = arith.constant 128 : i32
      %mul3A_12 = arith.muli %scan3A_9, %mul3A_11 : i32
      %add3A_13 = arith.addi %mul3A_2, %mul3A_12 : i32
      "tpu.region"() ({
        %run_scoped3A = tpu.sem_alloc : memref<!tpu.dma_semaphore, #tpu.memory_space<semaphore_mem>>
        %dma_start3A = tpu.memref_slice %arg2[%add3A_13] : memref<323584xi32, #tpu.memory_space<hbm>> -> memref<128xi32, #tpu.memory_space<hbm>>
        %dma_start3A_22 = tpu.memref_slice %arg2[%add3A_13] : memref<323584xi32, #tpu.memory_space<hbm>> -> memref<128xi32, #tpu.memory_space<hbm>>
        tpu.enqueue_dma source(%dma_start3A_22 : memref<128xi32, #tpu.memory_space<hbm>>) target(%arg8 : memref<128xi32, #tpu.memory_space<vmem>>) target_semaphore(%run_scoped3A : memref<!tpu.dma_semaphore, #tpu.memory_space<semaphore_mem>>)
        %dma_wait3A = tpu.memref_slice %arg2[%add3A_13] : memref<323584xi32, #tpu.memory_space<hbm>> -> memref<128xi32, #tpu.memory_space<hbm>>
        %dma_wait3A_23 = tpu.memref_slice %arg2[%add3A_13] : memref<323584xi32, #tpu.memory_space<hbm>> -> memref<128xi32, #tpu.memory_space<hbm>>
        tpu.wait_dma2 semaphore(%run_scoped3A : memref<!tpu.dma_semaphore, #tpu.memory_space<semaphore_mem>>) src(%dma_wait3A_23 : memref<128xi32, #tpu.memory_space<hbm>>) dst(%arg8 : memref<128xi32, #tpu.memory_space<vmem>>)
        tpu.yield
      }) : () -> ()
      "tpu.region"() ({
        %run_scoped3A = tpu.sem_alloc : memref<!tpu.dma_semaphore, #tpu.memory_space<semaphore_mem>>
        %dma_start3A = tpu.memref_slice %arg3[%add3A_13] : memref<323584xi32, #tpu.memory_space<hbm>> -> memref<128xi32, #tpu.memory_space<hbm>>
        %dma_start3A_22 = tpu.memref_slice %arg3[%add3A_13] : memref<323584xi32, #tpu.memory_space<hbm>> -> memref<128xi32, #tpu.memory_space<hbm>>
        tpu.enqueue_dma source(%dma_start3A_22 : memref<128xi32, #tpu.memory_space<hbm>>) target(%arg9 : memref<128xi32, #tpu.memory_space<vmem>>) target_semaphore(%run_scoped3A : memref<!tpu.dma_semaphore, #tpu.memory_space<semaphore_mem>>)
        %dma_wait3A = tpu.memref_slice %arg3[%add3A_13] : memref<323584xi32, #tpu.memory_space<hbm>> -> memref<128xi32, #tpu.memory_space<hbm>>
        %dma_wait3A_23 = tpu.memref_slice %arg3[%add3A_13] : memref<323584xi32, #tpu.memory_space<hbm>> -> memref<128xi32, #tpu.memory_space<hbm>>
        tpu.wait_dma2 semaphore(%run_scoped3A : memref<!tpu.dma_semaphore, #tpu.memory_space<semaphore_mem>>) src(%dma_wait3A_23 : memref<128xi32, #tpu.memory_space<hbm>>) dst(%arg9 : memref<128xi32, #tpu.memory_space<vmem>>)
        tpu.yield
      }) : () -> ()
      "tpu.region"() ({
        %run_scoped3A = tpu.sem_alloc : memref<!tpu.dma_semaphore, #tpu.memory_space<semaphore_mem>>
        %dma_start3A = tpu.memref_slice %arg4[%add3A_13] : memref<323584xf32, #tpu.memory_space<hbm>> -> memref<128xf32, #tpu.memory_space<hbm>>
        %dma_start3A_22 = tpu.memref_slice %arg4[%add3A_13] : memref<323584xf32, #tpu.memory_space<hbm>> -> memref<128xf32, #tpu.memory_space<hbm>>
        tpu.enqueue_dma source(%dma_start3A_22 : memref<128xf32, #tpu.memory_space<hbm>>) target(%arg10 : memref<128xf32, #tpu.memory_space<vmem>>) target_semaphore(%run_scoped3A : memref<!tpu.dma_semaphore, #tpu.memory_space<semaphore_mem>>)
        %dma_wait3A = tpu.memref_slice %arg4[%add3A_13] : memref<323584xf32, #tpu.memory_space<hbm>> -> memref<128xf32, #tpu.memory_space<hbm>>
        %dma_wait3A_23 = tpu.memref_slice %arg4[%add3A_13] : memref<323584xf32, #tpu.memory_space<hbm>> -> memref<128xf32, #tpu.memory_space<hbm>>
        tpu.wait_dma2 semaphore(%run_scoped3A : memref<!tpu.dma_semaphore, #tpu.memory_space<semaphore_mem>>) src(%dma_wait3A_23 : memref<128xf32, #tpu.memory_space<hbm>>) dst(%arg10 : memref<128xf32, #tpu.memory_space<vmem>>)
        tpu.yield
      }) : () -> ()
      %scan3A_14 = arith.constant 0 : i32
      %scan3A_15 = arith.constant 0 : i32
      %scan3A_16 = arith.constant 8 : i32
      %scan3A_17 = arith.addi %scan3A_15, %scan3A_16 : i32
      %scan3A_18 = arith.constant 1 : i32
      %scan3A_19 = scf.for %scan3A_22 = %scan3A_15 to %scan3A_17 step %scan3A_18 iter_args(%scan3A_23 = %scan3A_14) -> (i32)  : i32 {
        %mul3A_24 = arith.constant 16 : i32
        %mul3A_25 = arith.muli %scan3A_22, %mul3A_24 : i32
        %get3A = arith.index_cast %mul3A_25 : i32 to index
        %get3A_26 = tpu.vector_load %arg8[%get3A] {strides = array<i32>} : memref<128xi32, #tpu.memory_space<vmem>>, vector<16xi32>,
        %gather3A = tpu.vector_load_idx %arg7[%get3A_26] : memref<10240xf32, #tpu.memory_space<vmem>>[vector<16xi32>], vector<16xf32>,
        %get3A_27 = arith.index_cast %mul3A_25 : i32 to index
        %get3A_28 = tpu.vector_load %arg10[%get3A_27] {strides = array<i32>} : memref<128xf32, #tpu.memory_space<vmem>>, vector<16xf32>,
        %mul3A_29 = arith.mulf %gather3A, %get3A_28 : vector<16xf32>
        %get3A_30 = arith.index_cast %mul3A_25 : i32 to index
        %get3A_31 = tpu.vector_load %arg9[%get3A_30] {strides = array<i32>} : memref<128xi32, #tpu.memory_space<vmem>>, vector<16xi32>,
        %gather3A_32 = tpu.vector_load_idx %arg7[%get3A_31] : memref<10240xf32, #tpu.memory_space<vmem>>[vector<16xi32>], vector<16xf32>,
        %mul3A_33 = arith.mulf %mul3A_29, %gather3A_32 : vector<16xf32>
        %swap3A = arith.index_cast %mul3A_25 : i32 to index
        %swap3A_34 = tpu.vector_load %arg11[%swap3A] {strides = array<i32>} : memref<128xf32, #tpu.memory_space<vmem>>, vector<16xf32>,
        tpu.vector_store %arg11[%swap3A], %mul3A_33 {strides = array<i32>} : memref<128xf32, #tpu.memory_space<vmem>>, vector<16xf32>,
        %scan3A_35 = arith.constant 0 : i32
        scf.yield %scan3A_35 : i32
      }
      %scan3A_20 = arith.constant 8 : i32
      "tpu.region"() ({
        %run_scoped3A = tpu.sem_alloc : memref<!tpu.dma_semaphore, #tpu.memory_space<semaphore_mem>>
        %dma_start3A = tpu.memref_slice %arg6[%add3A_13] : memref<323584xf32, #tpu.memory_space<hbm>> -> memref<128xf32, #tpu.memory_space<hbm>>
        %dma_start3A_22 = tpu.memref_slice %arg6[%add3A_13] : memref<323584xf32, #tpu.memory_space<hbm>> -> memref<128xf32, #tpu.memory_space<hbm>>
        tpu.enqueue_dma source(%arg11 : memref<128xf32, #tpu.memory_space<vmem>>) target(%dma_start3A_22 : memref<128xf32, #tpu.memory_space<hbm>>) target_semaphore(%run_scoped3A : memref<!tpu.dma_semaphore, #tpu.memory_space<semaphore_mem>>)
        %dma_wait3A = tpu.memref_slice %arg6[%add3A_13] : memref<323584xf32, #tpu.memory_space<hbm>> -> memref<128xf32, #tpu.memory_space<hbm>>
        %dma_wait3A_23 = tpu.memref_slice %arg6[%add3A_13] : memref<323584xf32, #tpu.memory_space<hbm>> -> memref<128xf32, #tpu.memory_space<hbm>>
        tpu.wait_dma2 semaphore(%run_scoped3A : memref<!tpu.dma_semaphore, #tpu.memory_space<semaphore_mem>>) src(%arg11 : memref<128xf32, #tpu.memory_space<vmem>>) dst(%dma_wait3A_23 : memref<128xf32, #tpu.memory_space<hbm>>)
        tpu.yield
      }) : () -> ()
      %scan3A_21 = arith.constant 0 : i32
      scf.yield %scan3A_21 : i32
    }
    %scan3A_8 = arith.constant 79 : i32
    return
  }
}

#map = affine_map<(d0, d1) -> (0, 0)>
#map1 = affine_map<(d0, d1) -> (0)>
#map2 = affine_map<(d0, d1) -> (0, 0, 0)>
module attributes {stable_mosaic.version = 14 : i64} {
  func.func @_agg(%arg0: i32, %arg1: i32, %arg2: memref<20480x128xf32, #tpu.memory_space<hbm>>, %arg3: memref<323584xi32, #tpu.memory_space<hbm>>, %arg4: memref<323584xi32, #tpu.memory_space<hbm>>, %arg5: memref<323584xf32, #tpu.memory_space<hbm>>, %arg6: memref<2x10240x128xf32, #tpu.memory_space<hbm>>, %arg7: memref<128xi32, #tpu.memory_space<vmem>>, %arg8: memref<128xi32, #tpu.memory_space<vmem>>, %arg9: memref<128xi32, #tpu.memory_space<vmem>>, %arg10: memref<128xf32, #tpu.memory_space<vmem>>, %arg11: memref<128x128xf32, #tpu.memory_space<vmem>>, %arg12: memref<10240x128xf32, #tpu.memory_space<vmem_shared>>, %arg13: memref<!tpu.dma_semaphore, #tpu.memory_space<semaphore_mem>>) attributes {dimension_semantics = [#tpu.dimension_semantics<core_parallel>, #tpu.dimension_semantics<subcore_parallel>], iteration_bounds = array<i64: 2, 16>, scalar_prefetch = 0 : i64, scratch_operands = 7 : i64, tpu.core_type = #tpu.core_type<sc_vector_subcore>, window_params = [{transform_indices = #map}, {transform_indices = #map1}, {transform_indices = #map1}, {transform_indices = #map1}, {transform_indices = #map2}]} {
    %scan3A = arith.constant 0 : i32
    %scan3A_0 = arith.constant 0 : i32
    %scan3A_1 = arith.constant 128 : i32
    %scan3A_2 = arith.addi %scan3A_0, %scan3A_1 : i32
    %scan3A_3 = arith.constant 1 : i32
    %scan3A_4 = scf.for %scan3A_53 = %scan3A_0 to %scan3A_2 step %scan3A_3 iter_args(%scan3A_54 = %scan3A) -> (i32)  : i32 {
      %broadcast_in_dim3A = arith.constant 0.000000e+00 : f32
      %broadcast_in_dim3A_55 = vector.broadcast %broadcast_in_dim3A : f32 to vector<16xf32>
      %swap3A = arith.index_cast %scan3A_53 : i32 to index
      %swap3A_56 = arith.constant 0 : index
      %swap3A_57 = tpu.vector_load %arg11[%swap3A, %swap3A_56] {strides = array<i32>} : memref<128x128xf32, #tpu.memory_space<vmem>>, vector<16xf32>,
      tpu.vector_store %arg11[%swap3A, %swap3A_56], %broadcast_in_dim3A_55 {strides = array<i32>} : memref<128x128xf32, #tpu.memory_space<vmem>>, vector<16xf32>,
      %broadcast_in_dim3A_58 = arith.constant 0.000000e+00 : f32
      %broadcast_in_dim3A_59 = vector.broadcast %broadcast_in_dim3A_58 : f32 to vector<16xf32>
      %swap3A_60 = arith.index_cast %scan3A_53 : i32 to index
      %swap3A_61 = arith.constant 16 : index
      %swap3A_62 = tpu.vector_load %arg11[%swap3A_60, %swap3A_61] {strides = array<i32>} : memref<128x128xf32, #tpu.memory_space<vmem>>, vector<16xf32>,
      tpu.vector_store %arg11[%swap3A_60, %swap3A_61], %broadcast_in_dim3A_59 {strides = array<i32>} : memref<128x128xf32, #tpu.memory_space<vmem>>, vector<16xf32>,
      %broadcast_in_dim3A_63 = arith.constant 0.000000e+00 : f32
      %broadcast_in_dim3A_64 = vector.broadcast %broadcast_in_dim3A_63 : f32 to vector<16xf32>
      %swap3A_65 = arith.index_cast %scan3A_53 : i32 to index
      %swap3A_66 = arith.constant 32 : index
      %swap3A_67 = tpu.vector_load %arg11[%swap3A_65, %swap3A_66] {strides = array<i32>} : memref<128x128xf32, #tpu.memory_space<vmem>>, vector<16xf32>,
      tpu.vector_store %arg11[%swap3A_65, %swap3A_66], %broadcast_in_dim3A_64 {strides = array<i32>} : memref<128x128xf32, #tpu.memory_space<vmem>>, vector<16xf32>,
      %broadcast_in_dim3A_68 = arith.constant 0.000000e+00 : f32
      %broadcast_in_dim3A_69 = vector.broadcast %broadcast_in_dim3A_68 : f32 to vector<16xf32>
      %swap3A_70 = arith.index_cast %scan3A_53 : i32 to index
      %swap3A_71 = arith.constant 48 : index
      %swap3A_72 = tpu.vector_load %arg11[%swap3A_70, %swap3A_71] {strides = array<i32>} : memref<128x128xf32, #tpu.memory_space<vmem>>, vector<16xf32>,
      tpu.vector_store %arg11[%swap3A_70, %swap3A_71], %broadcast_in_dim3A_69 {strides = array<i32>} : memref<128x128xf32, #tpu.memory_space<vmem>>, vector<16xf32>,
      %broadcast_in_dim3A_73 = arith.constant 0.000000e+00 : f32
      %broadcast_in_dim3A_74 = vector.broadcast %broadcast_in_dim3A_73 : f32 to vector<16xf32>
      %swap3A_75 = arith.index_cast %scan3A_53 : i32 to index
      %swap3A_76 = arith.constant 64 : index
      %swap3A_77 = tpu.vector_load %arg11[%swap3A_75, %swap3A_76] {strides = array<i32>} : memref<128x128xf32, #tpu.memory_space<vmem>>, vector<16xf32>,
      tpu.vector_store %arg11[%swap3A_75, %swap3A_76], %broadcast_in_dim3A_74 {strides = array<i32>} : memref<128x128xf32, #tpu.memory_space<vmem>>, vector<16xf32>,
      %broadcast_in_dim3A_78 = arith.constant 0.000000e+00 : f32
      %broadcast_in_dim3A_79 = vector.broadcast %broadcast_in_dim3A_78 : f32 to vector<16xf32>
      %swap3A_80 = arith.index_cast %scan3A_53 : i32 to index
      %swap3A_81 = arith.constant 80 : index
      %swap3A_82 = tpu.vector_load %arg11[%swap3A_80, %swap3A_81] {strides = array<i32>} : memref<128x128xf32, #tpu.memory_space<vmem>>, vector<16xf32>,
      tpu.vector_store %arg11[%swap3A_80, %swap3A_81], %broadcast_in_dim3A_79 {strides = array<i32>} : memref<128x128xf32, #tpu.memory_space<vmem>>, vector<16xf32>,
      %broadcast_in_dim3A_83 = arith.constant 0.000000e+00 : f32
      %broadcast_in_dim3A_84 = vector.broadcast %broadcast_in_dim3A_83 : f32 to vector<16xf32>
      %swap3A_85 = arith.index_cast %scan3A_53 : i32 to index
      %swap3A_86 = arith.constant 96 : index
      %swap3A_87 = tpu.vector_load %arg11[%swap3A_85, %swap3A_86] {strides = array<i32>} : memref<128x128xf32, #tpu.memory_space<vmem>>, vector<16xf32>,
      tpu.vector_store %arg11[%swap3A_85, %swap3A_86], %broadcast_in_dim3A_84 {strides = array<i32>} : memref<128x128xf32, #tpu.memory_space<vmem>>, vector<16xf32>,
      %broadcast_in_dim3A_88 = arith.constant 0.000000e+00 : f32
      %broadcast_in_dim3A_89 = vector.broadcast %broadcast_in_dim3A_88 : f32 to vector<16xf32>
      %swap3A_90 = arith.index_cast %scan3A_53 : i32 to index
      %swap3A_91 = arith.constant 112 : index
      %swap3A_92 = tpu.vector_load %arg11[%swap3A_90, %swap3A_91] {strides = array<i32>} : memref<128x128xf32, #tpu.memory_space<vmem>>, vector<16xf32>,
      tpu.vector_store %arg11[%swap3A_90, %swap3A_91], %broadcast_in_dim3A_89 {strides = array<i32>} : memref<128x128xf32, #tpu.memory_space<vmem>>, vector<16xf32>,
      %scan3A_93 = arith.constant 0 : i32
      scf.yield %scan3A_93 : i32
    }
    %scan3A_5 = arith.constant 128 : i32
    %mul3A = arith.constant 5 : i32
    %mul3A_6 = arith.muli %arg1, %mul3A : i32
    %add3A = arith.constant 0 : i32
    %add3A_7 = arith.addi %mul3A_6, %add3A : i32
    %mul3A_8 = arith.constant 128 : i32
    %mul3A_9 = arith.muli %add3A_7, %mul3A_8 : i32
    "tpu.region"() ({
      %run_scoped3A = tpu.sem_alloc : memref<!tpu.dma_semaphore, #tpu.memory_space<semaphore_mem>>
      %dma_start3A = arith.constant 0 : i32
      %dma_start3A_53 = tpu.memref_slice %arg12[%mul3A_9, %dma_start3A] : memref<10240x128xf32, #tpu.memory_space<vmem_shared>> -> memref<128x128xf32, #tpu.memory_space<vmem_shared>>
      %dma_start3A_54 = arith.constant 0 : i32
      %dma_start3A_55 = tpu.memref_slice %arg12[%mul3A_9, %dma_start3A_54] : memref<10240x128xf32, #tpu.memory_space<vmem_shared>> -> memref<128x128xf32, #tpu.memory_space<vmem_shared>>
      tpu.enqueue_dma source(%arg11 : memref<128x128xf32, #tpu.memory_space<vmem>>) target(%dma_start3A_55 : memref<128x128xf32, #tpu.memory_space<vmem_shared>>) target_semaphore(%run_scoped3A : memref<!tpu.dma_semaphore, #tpu.memory_space<semaphore_mem>>)
      %dma_wait3A = arith.constant 0 : i32
      %dma_wait3A_56 = tpu.memref_slice %arg12[%mul3A_9, %dma_wait3A] : memref<10240x128xf32, #tpu.memory_space<vmem_shared>> -> memref<128x128xf32, #tpu.memory_space<vmem_shared>>
      %dma_wait3A_57 = arith.constant 0 : i32
      %dma_wait3A_58 = tpu.memref_slice %arg12[%mul3A_9, %dma_wait3A_57] : memref<10240x128xf32, #tpu.memory_space<vmem_shared>> -> memref<128x128xf32, #tpu.memory_space<vmem_shared>>
      tpu.wait_dma2 semaphore(%run_scoped3A : memref<!tpu.dma_semaphore, #tpu.memory_space<semaphore_mem>>) src(%arg11 : memref<128x128xf32, #tpu.memory_space<vmem>>) dst(%dma_wait3A_58 : memref<128x128xf32, #tpu.memory_space<vmem_shared>>)
      tpu.yield
    }) : () -> ()
    %mul3A_10 = arith.constant 5 : i32
    %mul3A_11 = arith.muli %arg1, %mul3A_10 : i32
    %add3A_12 = arith.constant 1 : i32
    %add3A_13 = arith.addi %mul3A_11, %add3A_12 : i32
    %mul3A_14 = arith.constant 128 : i32
    %mul3A_15 = arith.muli %add3A_13, %mul3A_14 : i32
    "tpu.region"() ({
      %run_scoped3A = tpu.sem_alloc : memref<!tpu.dma_semaphore, #tpu.memory_space<semaphore_mem>>
      %dma_start3A = arith.constant 0 : i32
      %dma_start3A_53 = tpu.memref_slice %arg12[%mul3A_15, %dma_start3A] : memref<10240x128xf32, #tpu.memory_space<vmem_shared>> -> memref<128x128xf32, #tpu.memory_space<vmem_shared>>
      %dma_start3A_54 = arith.constant 0 : i32
      %dma_start3A_55 = tpu.memref_slice %arg12[%mul3A_15, %dma_start3A_54] : memref<10240x128xf32, #tpu.memory_space<vmem_shared>> -> memref<128x128xf32, #tpu.memory_space<vmem_shared>>
      tpu.enqueue_dma source(%arg11 : memref<128x128xf32, #tpu.memory_space<vmem>>) target(%dma_start3A_55 : memref<128x128xf32, #tpu.memory_space<vmem_shared>>) target_semaphore(%run_scoped3A : memref<!tpu.dma_semaphore, #tpu.memory_space<semaphore_mem>>)
      %dma_wait3A = arith.constant 0 : i32
      %dma_wait3A_56 = tpu.memref_slice %arg12[%mul3A_15, %dma_wait3A] : memref<10240x128xf32, #tpu.memory_space<vmem_shared>> -> memref<128x128xf32, #tpu.memory_space<vmem_shared>>
      %dma_wait3A_57 = arith.constant 0 : i32
      %dma_wait3A_58 = tpu.memref_slice %arg12[%mul3A_15, %dma_wait3A_57] : memref<10240x128xf32, #tpu.memory_space<vmem_shared>> -> memref<128x128xf32, #tpu.memory_space<vmem_shared>>
      tpu.wait_dma2 semaphore(%run_scoped3A : memref<!tpu.dma_semaphore, #tpu.memory_space<semaphore_mem>>) src(%arg11 : memref<128x128xf32, #tpu.memory_space<vmem>>) dst(%dma_wait3A_58 : memref<128x128xf32, #tpu.memory_space<vmem_shared>>)
      tpu.yield
    }) : () -> ()
    %mul3A_16 = arith.constant 5 : i32
    %mul3A_17 = arith.muli %arg1, %mul3A_16 : i32
    %add3A_18 = arith.constant 2 : i32
    %add3A_19 = arith.addi %mul3A_17, %add3A_18 : i32
    %mul3A_20 = arith.constant 128 : i32
    %mul3A_21 = arith.muli %add3A_19, %mul3A_20 : i32
    "tpu.region"() ({
      %run_scoped3A = tpu.sem_alloc : memref<!tpu.dma_semaphore, #tpu.memory_space<semaphore_mem>>
      %dma_start3A = arith.constant 0 : i32
      %dma_start3A_53 = tpu.memref_slice %arg12[%mul3A_21, %dma_start3A] : memref<10240x128xf32, #tpu.memory_space<vmem_shared>> -> memref<128x128xf32, #tpu.memory_space<vmem_shared>>
      %dma_start3A_54 = arith.constant 0 : i32
      %dma_start3A_55 = tpu.memref_slice %arg12[%mul3A_21, %dma_start3A_54] : memref<10240x128xf32, #tpu.memory_space<vmem_shared>> -> memref<128x128xf32, #tpu.memory_space<vmem_shared>>
      tpu.enqueue_dma source(%arg11 : memref<128x128xf32, #tpu.memory_space<vmem>>) target(%dma_start3A_55 : memref<128x128xf32, #tpu.memory_space<vmem_shared>>) target_semaphore(%run_scoped3A : memref<!tpu.dma_semaphore, #tpu.memory_space<semaphore_mem>>)
      %dma_wait3A = arith.constant 0 : i32
      %dma_wait3A_56 = tpu.memref_slice %arg12[%mul3A_21, %dma_wait3A] : memref<10240x128xf32, #tpu.memory_space<vmem_shared>> -> memref<128x128xf32, #tpu.memory_space<vmem_shared>>
      %dma_wait3A_57 = arith.constant 0 : i32
      %dma_wait3A_58 = tpu.memref_slice %arg12[%mul3A_21, %dma_wait3A_57] : memref<10240x128xf32, #tpu.memory_space<vmem_shared>> -> memref<128x128xf32, #tpu.memory_space<vmem_shared>>
      tpu.wait_dma2 semaphore(%run_scoped3A : memref<!tpu.dma_semaphore, #tpu.memory_space<semaphore_mem>>) src(%arg11 : memref<128x128xf32, #tpu.memory_space<vmem>>) dst(%dma_wait3A_58 : memref<128x128xf32, #tpu.memory_space<vmem_shared>>)
      tpu.yield
    }) : () -> ()
    %mul3A_22 = arith.constant 5 : i32
    %mul3A_23 = arith.muli %arg1, %mul3A_22 : i32
    %add3A_24 = arith.constant 3 : i32
    %add3A_25 = arith.addi %mul3A_23, %add3A_24 : i32
    %mul3A_26 = arith.constant 128 : i32
    %mul3A_27 = arith.muli %add3A_25, %mul3A_26 : i32
    "tpu.region"() ({
      %run_scoped3A = tpu.sem_alloc : memref<!tpu.dma_semaphore, #tpu.memory_space<semaphore_mem>>
      %dma_start3A = arith.constant 0 : i32
      %dma_start3A_53 = tpu.memref_slice %arg12[%mul3A_27, %dma_start3A] : memref<10240x128xf32, #tpu.memory_space<vmem_shared>> -> memref<128x128xf32, #tpu.memory_space<vmem_shared>>
      %dma_start3A_54 = arith.constant 0 : i32
      %dma_start3A_55 = tpu.memref_slice %arg12[%mul3A_27, %dma_start3A_54] : memref<10240x128xf32, #tpu.memory_space<vmem_shared>> -> memref<128x128xf32, #tpu.memory_space<vmem_shared>>
      tpu.enqueue_dma source(%arg11 : memref<128x128xf32, #tpu.memory_space<vmem>>) target(%dma_start3A_55 : memref<128x128xf32, #tpu.memory_space<vmem_shared>>) target_semaphore(%run_scoped3A : memref<!tpu.dma_semaphore, #tpu.memory_space<semaphore_mem>>)
      %dma_wait3A = arith.constant 0 : i32
      %dma_wait3A_56 = tpu.memref_slice %arg12[%mul3A_27, %dma_wait3A] : memref<10240x128xf32, #tpu.memory_space<vmem_shared>> -> memref<128x128xf32, #tpu.memory_space<vmem_shared>>
      %dma_wait3A_57 = arith.constant 0 : i32
      %dma_wait3A_58 = tpu.memref_slice %arg12[%mul3A_27, %dma_wait3A_57] : memref<10240x128xf32, #tpu.memory_space<vmem_shared>> -> memref<128x128xf32, #tpu.memory_space<vmem_shared>>
      tpu.wait_dma2 semaphore(%run_scoped3A : memref<!tpu.dma_semaphore, #tpu.memory_space<semaphore_mem>>) src(%arg11 : memref<128x128xf32, #tpu.memory_space<vmem>>) dst(%dma_wait3A_58 : memref<128x128xf32, #tpu.memory_space<vmem_shared>>)
      tpu.yield
    }) : () -> ()
    %mul3A_28 = arith.constant 5 : i32
    %mul3A_29 = arith.muli %arg1, %mul3A_28 : i32
    %add3A_30 = arith.constant 4 : i32
    %add3A_31 = arith.addi %mul3A_29, %add3A_30 : i32
    %mul3A_32 = arith.constant 128 : i32
    %mul3A_33 = arith.muli %add3A_31, %mul3A_32 : i32
    "tpu.region"() ({
      %run_scoped3A = tpu.sem_alloc : memref<!tpu.dma_semaphore, #tpu.memory_space<semaphore_mem>>
      %dma_start3A = arith.constant 0 : i32
      %dma_start3A_53 = tpu.memref_slice %arg12[%mul3A_33, %dma_start3A] : memref<10240x128xf32, #tpu.memory_space<vmem_shared>> -> memref<128x128xf32, #tpu.memory_space<vmem_shared>>
      %dma_start3A_54 = arith.constant 0 : i32
      %dma_start3A_55 = tpu.memref_slice %arg12[%mul3A_33, %dma_start3A_54] : memref<10240x128xf32, #tpu.memory_space<vmem_shared>> -> memref<128x128xf32, #tpu.memory_space<vmem_shared>>
      tpu.enqueue_dma source(%arg11 : memref<128x128xf32, #tpu.memory_space<vmem>>) target(%dma_start3A_55 : memref<128x128xf32, #tpu.memory_space<vmem_shared>>) target_semaphore(%run_scoped3A : memref<!tpu.dma_semaphore, #tpu.memory_space<semaphore_mem>>)
      %dma_wait3A = arith.constant 0 : i32
      %dma_wait3A_56 = tpu.memref_slice %arg12[%mul3A_33, %dma_wait3A] : memref<10240x128xf32, #tpu.memory_space<vmem_shared>> -> memref<128x128xf32, #tpu.memory_space<vmem_shared>>
      %dma_wait3A_57 = arith.constant 0 : i32
      %dma_wait3A_58 = tpu.memref_slice %arg12[%mul3A_33, %dma_wait3A_57] : memref<10240x128xf32, #tpu.memory_space<vmem_shared>> -> memref<128x128xf32, #tpu.memory_space<vmem_shared>>
      tpu.wait_dma2 semaphore(%run_scoped3A : memref<!tpu.dma_semaphore, #tpu.memory_space<semaphore_mem>>) src(%arg11 : memref<128x128xf32, #tpu.memory_space<vmem>>) dst(%dma_wait3A_58 : memref<128x128xf32, #tpu.memory_space<vmem_shared>>)
      tpu.yield
    }) : () -> ()
    %barrier3A = arith.constant 0 : index
    tpu.barrier barrier_id(%barrier3A)
    %mul3A_34 = arith.constant 20224 : i32
    %mul3A_35 = arith.muli %arg1, %mul3A_34 : i32
    %mul3A_36 = arith.constant 10240 : i32
    %mul3A_37 = arith.muli %arg0, %mul3A_36 : i32
    %scan3A_38 = arith.constant 0 : i32
    %scan3A_39 = arith.constant 0 : i32
    %scan3A_40 = arith.constant 158 : i32
    %scan3A_41 = arith.addi %scan3A_39, %scan3A_40 : i32
    %scan3A_42 = arith.constant 1 : i32
    %scan3A_43 = scf.for %scan3A_53 = %scan3A_39 to %scan3A_41 step %scan3A_42 iter_args(%scan3A_54 = %scan3A_38) -> (i32)  : i32 {
      %mul3A_55 = arith.constant 128 : i32
      %mul3A_56 = arith.muli %scan3A_53, %mul3A_55 : i32
      %add3A_57 = arith.addi %mul3A_35, %mul3A_56 : i32
      "tpu.region"() ({
        %run_scoped3A = tpu.sem_alloc : memref<!tpu.dma_semaphore, #tpu.memory_space<semaphore_mem>>
        %dma_start3A_77 = tpu.memref_slice %arg3[%add3A_57] : memref<323584xi32, #tpu.memory_space<hbm>> -> memref<128xi32, #tpu.memory_space<hbm>>
        %dma_start3A_78 = tpu.memref_slice %arg3[%add3A_57] : memref<323584xi32, #tpu.memory_space<hbm>> -> memref<128xi32, #tpu.memory_space<hbm>>
        tpu.enqueue_dma source(%dma_start3A_78 : memref<128xi32, #tpu.memory_space<hbm>>) target(%arg7 : memref<128xi32, #tpu.memory_space<vmem>>) target_semaphore(%run_scoped3A : memref<!tpu.dma_semaphore, #tpu.memory_space<semaphore_mem>>)
        %dma_wait3A_79 = tpu.memref_slice %arg3[%add3A_57] : memref<323584xi32, #tpu.memory_space<hbm>> -> memref<128xi32, #tpu.memory_space<hbm>>
        %dma_wait3A_80 = tpu.memref_slice %arg3[%add3A_57] : memref<323584xi32, #tpu.memory_space<hbm>> -> memref<128xi32, #tpu.memory_space<hbm>>
        tpu.wait_dma2 semaphore(%run_scoped3A : memref<!tpu.dma_semaphore, #tpu.memory_space<semaphore_mem>>) src(%dma_wait3A_80 : memref<128xi32, #tpu.memory_space<hbm>>) dst(%arg7 : memref<128xi32, #tpu.memory_space<vmem>>)
        tpu.yield
      }) : () -> ()
      "tpu.region"() ({
        %run_scoped3A = tpu.sem_alloc : memref<!tpu.dma_semaphore, #tpu.memory_space<semaphore_mem>>
        %dma_start3A_77 = tpu.memref_slice %arg4[%add3A_57] : memref<323584xi32, #tpu.memory_space<hbm>> -> memref<128xi32, #tpu.memory_space<hbm>>
        %dma_start3A_78 = tpu.memref_slice %arg4[%add3A_57] : memref<323584xi32, #tpu.memory_space<hbm>> -> memref<128xi32, #tpu.memory_space<hbm>>
        tpu.enqueue_dma source(%dma_start3A_78 : memref<128xi32, #tpu.memory_space<hbm>>) target(%arg9 : memref<128xi32, #tpu.memory_space<vmem>>) target_semaphore(%run_scoped3A : memref<!tpu.dma_semaphore, #tpu.memory_space<semaphore_mem>>)
        %dma_wait3A_79 = tpu.memref_slice %arg4[%add3A_57] : memref<323584xi32, #tpu.memory_space<hbm>> -> memref<128xi32, #tpu.memory_space<hbm>>
        %dma_wait3A_80 = tpu.memref_slice %arg4[%add3A_57] : memref<323584xi32, #tpu.memory_space<hbm>> -> memref<128xi32, #tpu.memory_space<hbm>>
        tpu.wait_dma2 semaphore(%run_scoped3A : memref<!tpu.dma_semaphore, #tpu.memory_space<semaphore_mem>>) src(%dma_wait3A_80 : memref<128xi32, #tpu.memory_space<hbm>>) dst(%arg9 : memref<128xi32, #tpu.memory_space<vmem>>)
        tpu.yield
      }) : () -> ()
      "tpu.region"() ({
        %run_scoped3A = tpu.sem_alloc : memref<!tpu.dma_semaphore, #tpu.memory_space<semaphore_mem>>
        %dma_start3A_77 = tpu.memref_slice %arg5[%add3A_57] : memref<323584xf32, #tpu.memory_space<hbm>> -> memref<128xf32, #tpu.memory_space<hbm>>
        %dma_start3A_78 = tpu.memref_slice %arg5[%add3A_57] : memref<323584xf32, #tpu.memory_space<hbm>> -> memref<128xf32, #tpu.memory_space<hbm>>
        tpu.enqueue_dma source(%dma_start3A_78 : memref<128xf32, #tpu.memory_space<hbm>>) target(%arg10 : memref<128xf32, #tpu.memory_space<vmem>>) target_semaphore(%run_scoped3A : memref<!tpu.dma_semaphore, #tpu.memory_space<semaphore_mem>>)
        %dma_wait3A_79 = tpu.memref_slice %arg5[%add3A_57] : memref<323584xf32, #tpu.memory_space<hbm>> -> memref<128xf32, #tpu.memory_space<hbm>>
        %dma_wait3A_80 = tpu.memref_slice %arg5[%add3A_57] : memref<323584xf32, #tpu.memory_space<hbm>> -> memref<128xf32, #tpu.memory_space<hbm>>
        tpu.wait_dma2 semaphore(%run_scoped3A : memref<!tpu.dma_semaphore, #tpu.memory_space<semaphore_mem>>) src(%dma_wait3A_80 : memref<128xf32, #tpu.memory_space<hbm>>) dst(%arg10 : memref<128xf32, #tpu.memory_space<vmem>>)
        tpu.yield
      }) : () -> ()
      %scan3A_58 = arith.constant 0 : i32
      %scan3A_59 = arith.constant 0 : i32
      %scan3A_60 = arith.constant 8 : i32
      %scan3A_61 = arith.addi %scan3A_59, %scan3A_60 : i32
      %scan3A_62 = arith.constant 1 : i32
      %scan3A_63 = scf.for %scan3A_77 = %scan3A_59 to %scan3A_61 step %scan3A_62 iter_args(%scan3A_78 = %scan3A_58) -> (i32)  : i32 {
        %mul3A_79 = arith.constant 16 : i32
        %mul3A_80 = arith.muli %scan3A_77, %mul3A_79 : i32
        %get3A = arith.index_cast %mul3A_80 : i32 to index
        %get3A_81 = tpu.vector_load %arg7[%get3A] {strides = array<i32>} : memref<128xi32, #tpu.memory_space<vmem>>, vector<16xi32>,
        %add3A_82 = vector.broadcast %mul3A_37 : i32 to vector<16xi32>
        %add3A_83 = arith.addi %get3A_81, %add3A_82 : vector<16xi32>
        %swap3A = arith.index_cast %mul3A_80 : i32 to index
        %swap3A_84 = tpu.vector_load %arg8[%swap3A] {strides = array<i32>} : memref<128xi32, #tpu.memory_space<vmem>>, vector<16xi32>,
        tpu.vector_store %arg8[%swap3A], %add3A_83 {strides = array<i32>} : memref<128xi32, #tpu.memory_space<vmem>>, vector<16xi32>,
        %scan3A_85 = arith.constant 0 : i32
        scf.yield %scan3A_85 : i32
      }
      %scan3A_64 = arith.constant 8 : i32
      %dma_start3A = arith.constant 0 : i32
      %dma_start3A_65 = arith.constant 0 : i32
      %dma_start3A_66 = tpu.memref_slice %arg2[%dma_start3A, %dma_start3A_65] : memref<20480x128xf32, #tpu.memory_space<hbm>> -> memref<20480x128xf32, #tpu.memory_space<hbm>>
      tpu.enqueue_indirect_dma source(%dma_start3A_66 : memref<20480x128xf32, #tpu.memory_space<hbm>>) target(%arg11 : memref<128x128xf32, #tpu.memory_space<vmem>>) offsets(%arg8 : memref<128xi32, #tpu.memory_space<vmem>>) semaphore(%arg13 : memref<!tpu.dma_semaphore, #tpu.memory_space<semaphore_mem>>)
      %dma_wait3A = arith.constant 0 : i32
      %dma_wait3A_67 = arith.constant 0 : i32
      %dma_wait3A_68 = tpu.memref_slice %arg2[%dma_wait3A, %dma_wait3A_67] : memref<20480x128xf32, #tpu.memory_space<hbm>> -> memref<20480x128xf32, #tpu.memory_space<hbm>>
      tpu.wait_indirect_dma semaphore(%arg13 : memref<!tpu.dma_semaphore, #tpu.memory_space<semaphore_mem>>) src(%dma_wait3A_68 : memref<20480x128xf32, #tpu.memory_space<hbm>>) dst(%arg11 : memref<128x128xf32, #tpu.memory_space<vmem>>)
      %scan3A_69 = arith.constant 0 : i32
      %scan3A_70 = arith.constant 0 : i32
      %scan3A_71 = arith.constant 128 : i32
      %scan3A_72 = arith.addi %scan3A_70, %scan3A_71 : i32
      %scan3A_73 = arith.constant 1 : i32
      %scan3A_74 = scf.for %scan3A_77 = %scan3A_70 to %scan3A_72 step %scan3A_73 iter_args(%scan3A_78 = %scan3A_69) -> (i32)  : i32 {
        %broadcast_in_dim3A = vector.broadcast %scan3A_77 : i32 to vector<16xi32>
        %gather3A = tpu.vector_load_idx %arg10[%broadcast_in_dim3A] : memref<128xf32, #tpu.memory_space<vmem>>[vector<16xi32>], vector<16xf32>,
        %get3A = arith.index_cast %scan3A_77 : i32 to index
        %get3A_79 = arith.constant 0 : index
        %get3A_80 = tpu.vector_load %arg11[%get3A, %get3A_79] {strides = array<i32>} : memref<128x128xf32, #tpu.memory_space<vmem>>, vector<16xf32>,
        %mul3A_81 = arith.mulf %get3A_80, %gather3A : vector<16xf32>
        %swap3A = arith.index_cast %scan3A_77 : i32 to index
        %swap3A_82 = arith.constant 0 : index
        %swap3A_83 = tpu.vector_load %arg11[%swap3A, %swap3A_82] {strides = array<i32>} : memref<128x128xf32, #tpu.memory_space<vmem>>, vector<16xf32>,
        tpu.vector_store %arg11[%swap3A, %swap3A_82], %mul3A_81 {strides = array<i32>} : memref<128x128xf32, #tpu.memory_space<vmem>>, vector<16xf32>,
        %get3A_84 = arith.index_cast %scan3A_77 : i32 to index
        %get3A_85 = arith.constant 16 : index
        %get3A_86 = tpu.vector_load %arg11[%get3A_84, %get3A_85] {strides = array<i32>} : memref<128x128xf32, #tpu.memory_space<vmem>>, vector<16xf32>,
        %mul3A_87 = arith.mulf %get3A_86, %gather3A : vector<16xf32>
        %swap3A_88 = arith.index_cast %scan3A_77 : i32 to index
        %swap3A_89 = arith.constant 16 : index
        %swap3A_90 = tpu.vector_load %arg11[%swap3A_88, %swap3A_89] {strides = array<i32>} : memref<128x128xf32, #tpu.memory_space<vmem>>, vector<16xf32>,
        tpu.vector_store %arg11[%swap3A_88, %swap3A_89], %mul3A_87 {strides = array<i32>} : memref<128x128xf32, #tpu.memory_space<vmem>>, vector<16xf32>,
        %get3A_91 = arith.index_cast %scan3A_77 : i32 to index
        %get3A_92 = arith.constant 32 : index
        %get3A_93 = tpu.vector_load %arg11[%get3A_91, %get3A_92] {strides = array<i32>} : memref<128x128xf32, #tpu.memory_space<vmem>>, vector<16xf32>,
        %mul3A_94 = arith.mulf %get3A_93, %gather3A : vector<16xf32>
        %swap3A_95 = arith.index_cast %scan3A_77 : i32 to index
        %swap3A_96 = arith.constant 32 : index
        %swap3A_97 = tpu.vector_load %arg11[%swap3A_95, %swap3A_96] {strides = array<i32>} : memref<128x128xf32, #tpu.memory_space<vmem>>, vector<16xf32>,
        tpu.vector_store %arg11[%swap3A_95, %swap3A_96], %mul3A_94 {strides = array<i32>} : memref<128x128xf32, #tpu.memory_space<vmem>>, vector<16xf32>,
        %get3A_98 = arith.index_cast %scan3A_77 : i32 to index
        %get3A_99 = arith.constant 48 : index
        %get3A_100 = tpu.vector_load %arg11[%get3A_98, %get3A_99] {strides = array<i32>} : memref<128x128xf32, #tpu.memory_space<vmem>>, vector<16xf32>,
        %mul3A_101 = arith.mulf %get3A_100, %gather3A : vector<16xf32>
        %swap3A_102 = arith.index_cast %scan3A_77 : i32 to index
        %swap3A_103 = arith.constant 48 : index
        %swap3A_104 = tpu.vector_load %arg11[%swap3A_102, %swap3A_103] {strides = array<i32>} : memref<128x128xf32, #tpu.memory_space<vmem>>, vector<16xf32>,
        tpu.vector_store %arg11[%swap3A_102, %swap3A_103], %mul3A_101 {strides = array<i32>} : memref<128x128xf32, #tpu.memory_space<vmem>>, vector<16xf32>,
        %get3A_105 = arith.index_cast %scan3A_77 : i32 to index
        %get3A_106 = arith.constant 64 : index
        %get3A_107 = tpu.vector_load %arg11[%get3A_105, %get3A_106] {strides = array<i32>} : memref<128x128xf32, #tpu.memory_space<vmem>>, vector<16xf32>,
        %mul3A_108 = arith.mulf %get3A_107, %gather3A : vector<16xf32>
        %swap3A_109 = arith.index_cast %scan3A_77 : i32 to index
        %swap3A_110 = arith.constant 64 : index
        %swap3A_111 = tpu.vector_load %arg11[%swap3A_109, %swap3A_110] {strides = array<i32>} : memref<128x128xf32, #tpu.memory_space<vmem>>, vector<16xf32>,
        tpu.vector_store %arg11[%swap3A_109, %swap3A_110], %mul3A_108 {strides = array<i32>} : memref<128x128xf32, #tpu.memory_space<vmem>>, vector<16xf32>,
        %get3A_112 = arith.index_cast %scan3A_77 : i32 to index
        %get3A_113 = arith.constant 80 : index
        %get3A_114 = tpu.vector_load %arg11[%get3A_112, %get3A_113] {strides = array<i32>} : memref<128x128xf32, #tpu.memory_space<vmem>>, vector<16xf32>,
        %mul3A_115 = arith.mulf %get3A_114, %gather3A : vector<16xf32>
        %swap3A_116 = arith.index_cast %scan3A_77 : i32 to index
        %swap3A_117 = arith.constant 80 : index
        %swap3A_118 = tpu.vector_load %arg11[%swap3A_116, %swap3A_117] {strides = array<i32>} : memref<128x128xf32, #tpu.memory_space<vmem>>, vector<16xf32>,
        tpu.vector_store %arg11[%swap3A_116, %swap3A_117], %mul3A_115 {strides = array<i32>} : memref<128x128xf32, #tpu.memory_space<vmem>>, vector<16xf32>,
        %get3A_119 = arith.index_cast %scan3A_77 : i32 to index
        %get3A_120 = arith.constant 96 : index
        %get3A_121 = tpu.vector_load %arg11[%get3A_119, %get3A_120] {strides = array<i32>} : memref<128x128xf32, #tpu.memory_space<vmem>>, vector<16xf32>,
        %mul3A_122 = arith.mulf %get3A_121, %gather3A : vector<16xf32>
        %swap3A_123 = arith.index_cast %scan3A_77 : i32 to index
        %swap3A_124 = arith.constant 96 : index
        %swap3A_125 = tpu.vector_load %arg11[%swap3A_123, %swap3A_124] {strides = array<i32>} : memref<128x128xf32, #tpu.memory_space<vmem>>, vector<16xf32>,
        tpu.vector_store %arg11[%swap3A_123, %swap3A_124], %mul3A_122 {strides = array<i32>} : memref<128x128xf32, #tpu.memory_space<vmem>>, vector<16xf32>,
        %get3A_126 = arith.index_cast %scan3A_77 : i32 to index
        %get3A_127 = arith.constant 112 : index
        %get3A_128 = tpu.vector_load %arg11[%get3A_126, %get3A_127] {strides = array<i32>} : memref<128x128xf32, #tpu.memory_space<vmem>>, vector<16xf32>,
        %mul3A_129 = arith.mulf %get3A_128, %gather3A : vector<16xf32>
        %swap3A_130 = arith.index_cast %scan3A_77 : i32 to index
        %swap3A_131 = arith.constant 112 : index
        %swap3A_132 = tpu.vector_load %arg11[%swap3A_130, %swap3A_131] {strides = array<i32>} : memref<128x128xf32, #tpu.memory_space<vmem>>, vector<16xf32>,
        tpu.vector_store %arg11[%swap3A_130, %swap3A_131], %mul3A_129 {strides = array<i32>} : memref<128x128xf32, #tpu.memory_space<vmem>>, vector<16xf32>,
        %scan3A_133 = arith.constant 0 : i32
        scf.yield %scan3A_133 : i32
      }
      %scan3A_75 = arith.constant 128 : i32
      "tpu.region"() ({
        %run_scoped3A = tpu.sem_alloc : memref<!tpu.dma_semaphore, #tpu.memory_space<semaphore_mem>>
        %dma_start3A_77 = arith.constant 0 : i32
        %dma_start3A_78 = arith.constant 0 : i32
        %dma_start3A_79 = tpu.memref_slice %arg12[%dma_start3A_77, %dma_start3A_78] : memref<10240x128xf32, #tpu.memory_space<vmem_shared>> -> memref<10240x128xf32, #tpu.memory_space<vmem_shared>>
        tpu.enqueue_indirect_dma source(%arg11 : memref<128x128xf32, #tpu.memory_space<vmem>>) target(%dma_start3A_79 : memref<10240x128xf32, #tpu.memory_space<vmem_shared>>) offsets(%arg9 : memref<128xi32, #tpu.memory_space<vmem>>) semaphore(%run_scoped3A : memref<!tpu.dma_semaphore, #tpu.memory_space<semaphore_mem>>) {add = true}
        %dma_wait3A_80 = arith.constant 0 : i32
        %dma_wait3A_81 = arith.constant 0 : i32
        %dma_wait3A_82 = tpu.memref_slice %arg12[%dma_wait3A_80, %dma_wait3A_81] : memref<10240x128xf32, #tpu.memory_space<vmem_shared>> -> memref<10240x128xf32, #tpu.memory_space<vmem_shared>>
        tpu.wait_indirect_dma semaphore(%run_scoped3A : memref<!tpu.dma_semaphore, #tpu.memory_space<semaphore_mem>>) src(%arg11 : memref<128x128xf32, #tpu.memory_space<vmem>>) dst(%dma_wait3A_82 : memref<10240x128xf32, #tpu.memory_space<vmem_shared>>)
        tpu.yield
      }) : () -> ()
      %scan3A_76 = arith.constant 0 : i32
      scf.yield %scan3A_76 : i32
    }
    %scan3A_44 = arith.constant 158 : i32
    %barrier3A_45 = arith.constant 0 : index
    tpu.barrier barrier_id(%barrier3A_45)
    %scan3A_46 = arith.constant 0 : i32
    %scan3A_47 = arith.constant 0 : i32
    %scan3A_48 = arith.constant 5 : i32
    %scan3A_49 = arith.addi %scan3A_47, %scan3A_48 : i32
    %scan3A_50 = arith.constant 1 : i32
    %scan3A_51 = scf.for %scan3A_53 = %scan3A_47 to %scan3A_49 step %scan3A_50 iter_args(%scan3A_54 = %scan3A_46) -> (i32)  : i32 {
      %mul3A_55 = arith.constant 5 : i32
      %mul3A_56 = arith.muli %arg1, %mul3A_55 : i32
      %add3A_57 = arith.addi %mul3A_56, %scan3A_53 : i32
      %mul3A_58 = arith.constant 128 : i32
      %mul3A_59 = arith.muli %add3A_57, %mul3A_58 : i32
      "tpu.region"() ({
        %run_scoped3A = tpu.sem_alloc : memref<!tpu.dma_semaphore, #tpu.memory_space<semaphore_mem>>
        %dma_start3A = arith.constant 0 : i32
        %dma_start3A_61 = tpu.memref_slice %arg12[%mul3A_59, %dma_start3A] : memref<10240x128xf32, #tpu.memory_space<vmem_shared>> -> memref<128x128xf32, #tpu.memory_space<vmem_shared>>
        %dma_start3A_62 = arith.constant 0 : i32
        %dma_start3A_63 = tpu.memref_slice %arg12[%mul3A_59, %dma_start3A_62] : memref<10240x128xf32, #tpu.memory_space<vmem_shared>> -> memref<128x128xf32, #tpu.memory_space<vmem_shared>>
        tpu.enqueue_dma source(%dma_start3A_63 : memref<128x128xf32, #tpu.memory_space<vmem_shared>>) target(%arg11 : memref<128x128xf32, #tpu.memory_space<vmem>>) target_semaphore(%run_scoped3A : memref<!tpu.dma_semaphore, #tpu.memory_space<semaphore_mem>>)
        %dma_wait3A = arith.constant 0 : i32
        %dma_wait3A_64 = tpu.memref_slice %arg12[%mul3A_59, %dma_wait3A] : memref<10240x128xf32, #tpu.memory_space<vmem_shared>> -> memref<128x128xf32, #tpu.memory_space<vmem_shared>>
        %dma_wait3A_65 = arith.constant 0 : i32
        %dma_wait3A_66 = tpu.memref_slice %arg12[%mul3A_59, %dma_wait3A_65] : memref<10240x128xf32, #tpu.memory_space<vmem_shared>> -> memref<128x128xf32, #tpu.memory_space<vmem_shared>>
        tpu.wait_dma2 semaphore(%run_scoped3A : memref<!tpu.dma_semaphore, #tpu.memory_space<semaphore_mem>>) src(%dma_wait3A_66 : memref<128x128xf32, #tpu.memory_space<vmem_shared>>) dst(%arg11 : memref<128x128xf32, #tpu.memory_space<vmem>>)
        tpu.yield
      }) : () -> ()
      "tpu.region"() ({
        %run_scoped3A = tpu.sem_alloc : memref<!tpu.dma_semaphore, #tpu.memory_space<semaphore_mem>>
        %dma_start3A = arith.constant 0 : i32
        %dma_start3A_61 = tpu.memref_slice %arg6[%arg0, %mul3A_59, %dma_start3A] : memref<2x10240x128xf32, #tpu.memory_space<hbm>> -> memref<1x128x128xf32, #tpu.memory_space<hbm>>
        %dma_start3A_62 = tpu.memref_squeeze %dma_start3A_61 : memref<1x128x128xf32, #tpu.memory_space<hbm>> -> memref<128x128xf32, #tpu.memory_space<hbm>>
        %dma_start3A_63 = arith.constant 0 : i32
        %dma_start3A_64 = tpu.memref_slice %arg6[%arg0, %mul3A_59, %dma_start3A_63] : memref<2x10240x128xf32, #tpu.memory_space<hbm>> -> memref<1x128x128xf32, #tpu.memory_space<hbm>>
        %dma_start3A_65 = tpu.memref_squeeze %dma_start3A_64 : memref<1x128x128xf32, #tpu.memory_space<hbm>> -> memref<128x128xf32, #tpu.memory_space<hbm>>
        tpu.enqueue_dma source(%arg11 : memref<128x128xf32, #tpu.memory_space<vmem>>) target(%dma_start3A_65 : memref<128x128xf32, #tpu.memory_space<hbm>>) target_semaphore(%run_scoped3A : memref<!tpu.dma_semaphore, #tpu.memory_space<semaphore_mem>>)
        %dma_wait3A = arith.constant 0 : i32
        %dma_wait3A_66 = tpu.memref_slice %arg6[%arg0, %mul3A_59, %dma_wait3A] : memref<2x10240x128xf32, #tpu.memory_space<hbm>> -> memref<1x128x128xf32, #tpu.memory_space<hbm>>
        %dma_wait3A_67 = tpu.memref_squeeze %dma_wait3A_66 : memref<1x128x128xf32, #tpu.memory_space<hbm>> -> memref<128x128xf32, #tpu.memory_space<hbm>>
        %dma_wait3A_68 = arith.constant 0 : i32
        %dma_wait3A_69 = tpu.memref_slice %arg6[%arg0, %mul3A_59, %dma_wait3A_68] : memref<2x10240x128xf32, #tpu.memory_space<hbm>> -> memref<1x128x128xf32, #tpu.memory_space<hbm>>
        %dma_wait3A_70 = tpu.memref_squeeze %dma_wait3A_69 : memref<1x128x128xf32, #tpu.memory_space<hbm>> -> memref<128x128xf32, #tpu.memory_space<hbm>>
        tpu.wait_dma2 semaphore(%run_scoped3A : memref<!tpu.dma_semaphore, #tpu.memory_space<semaphore_mem>>) src(%arg11 : memref<128x128xf32, #tpu.memory_space<vmem>>) dst(%dma_wait3A_70 : memref<128x128xf32, #tpu.memory_space<hbm>>)
        tpu.yield
      }) : () -> ()
      %scan3A_60 = arith.constant 0 : i32
      scf.yield %scan3A_60 : i32
    }
    %scan3A_52 = arith.constant 5 : i32
    return
  }
}

module attributes {stable_mosaic.version = 14 : i64} {
  func.func @_mlp1_body(%arg0: i32, %arg1: memref<1x512x128xf32, #tpu.memory_space<vmem>>, %arg2: memref<1x512x128xf32, #tpu.memory_space<vmem>>, %arg3: memref<512x128xf32, #tpu.memory_space<vmem>>, %arg4: memref<512x16xf32, #tpu.memory_space<vmem>>, %arg5: memref<128x512xf32, #tpu.memory_space<vmem>>, %arg6: memref<1x512xf32, #tpu.memory_space<vmem>>, %arg7: memref<512x256xf32, #tpu.memory_space<vmem>>, %arg8: memref<2x512x128xf32, #tpu.memory_space<vmem>>) attributes {dimension_semantics = [#tpu.dimension_semantics<arbitrary>], iteration_bounds = array<i64: 20>, scalar_prefetch = 0 : i64, scratch_operands = 0 : i64, tpu.core_type = #tpu.core_type<tc>, window_params = [{transform_indices = @transform_0, window_bounds = array<i64: 1, 512, 128>}, {transform_indices = @transform_1, window_bounds = array<i64: 1, 512, 128>}, {transform_indices = @transform_2, window_bounds = array<i64: 512, 128>}, {transform_indices = @transform_3, window_bounds = array<i64: 512, 16>}, {pipeline_mode = #tpu.pipeline_mode<synchronous>, transform_indices = @transform_4, window_bounds = array<i64: 128, 512>}, {pipeline_mode = #tpu.pipeline_mode<synchronous>, transform_indices = @transform_5, window_bounds = array<i64: 1, 512>}, {pipeline_mode = #tpu.pipeline_mode<synchronous>, transform_indices = @transform_6, window_bounds = array<i64: 512, 256>}, {transform_indices = @transform_7, window_bounds = array<i64: 2, 512, 128>}]} {
    %get3A = arith.constant 0 : index
    %get3A_0 = arith.constant 0 : index
    %get3A_1 = arith.constant 0 : index
    %get3A_2 = vector.load %arg1[%get3A, %get3A_0, %get3A_1] : memref<1x512x128xf32, #tpu.memory_space<vmem>>, vector<1x512x128xf32>
    %get3A_3 = vector.shape_cast %get3A_2 : vector<1x512x128xf32> to vector<512x128xf32>
    %get3A_4 = arith.constant 0 : index
    %get3A_5 = arith.constant 0 : index
    %get3A_6 = arith.constant 0 : index
    %get3A_7 = vector.load %arg2[%get3A_4, %get3A_5, %get3A_6] : memref<1x512x128xf32, #tpu.memory_space<vmem>>, vector<1x512x128xf32>
    %get3A_8 = vector.shape_cast %get3A_7 : vector<1x512x128xf32> to vector<512x128xf32>
    %add3A = arith.addf %get3A_3, %get3A_8 : vector<512x128xf32>
    %get3A_9 = arith.constant 0 : index
    %get3A_10 = arith.constant 0 : index
    %get3A_11 = vector.load %arg4[%get3A_9, %get3A_10] : memref<512x16xf32, #tpu.memory_space<vmem>>, vector<512x1xf32>
    %get3A_12 = arith.constant 0 : index
    %get3A_13 = arith.constant 0 : index
    %get3A_14 = vector.load %arg3[%get3A_12, %get3A_13] : memref<512x128xf32, #tpu.memory_space<vmem>>, vector<512x128xf32>
    %mul3A = vector.broadcast %get3A_11 : vector<512x1xf32> to vector<512x128xf32>
    %mul3A_15 = arith.mulf %mul3A, %get3A_14 : vector<512x128xf32>
    %add3A_16 = arith.addf %add3A, %mul3A_15 : vector<512x128xf32>
    %get3A_17 = arith.constant 0 : index
    %get3A_18 = arith.constant 0 : index
    %get3A_19 = vector.load %arg5[%get3A_17, %get3A_18] : memref<128x512xf32, #tpu.memory_space<vmem>>, vector<128x512xf32>
    %dot_general3A = arith.constant dense<0.000000e+00> : vector<512x512xf32>
    %dot_general3A_20 = tpu.matmul %add3A_16, %get3A_19, %dot_general3A {dimension_numbers = #tpu.dot_dimension_numbers<[1], [0], [0], [1], [0, 0, 1, 1], [], []>, transpose_lhs_hint = false} : vector<512x128xf32>, vector<128x512xf32>, vector<512x512xf32> -> vector<512x512xf32>
    %get3A_21 = arith.constant 0 : index
    %get3A_22 = arith.constant 0 : index
    %get3A_23 = vector.load %arg6[%get3A_21, %get3A_22] : memref<1x512xf32, #tpu.memory_space<vmem>>, vector<1x512xf32>
    %add3A_24 = vector.broadcast %get3A_23 : vector<1x512xf32> to vector<512x512xf32>
    %add3A_25 = arith.addf %dot_general3A_20, %add3A_24 : vector<512x512xf32>
    %max3A = arith.constant 0.000000e+00 : f32
    %max3A_26 = vector.broadcast %max3A : f32 to vector<512x512xf32>
    %max3A_27 = arith.maximumf %add3A_25, %max3A_26 : vector<512x512xf32>
    %get3A_28 = arith.constant 0 : index
    %get3A_29 = arith.constant 0 : index
    %get3A_30 = vector.load %arg7[%get3A_28, %get3A_29] : memref<512x256xf32, #tpu.memory_space<vmem>>, vector<512x256xf32>
    %dot_general3A_31 = arith.constant dense<0.000000e+00> : vector<512x256xf32>
    %dot_general3A_32 = tpu.matmul %max3A_27, %get3A_30, %dot_general3A_31 {dimension_numbers = #tpu.dot_dimension_numbers<[1], [0], [0], [1], [0, 0, 1, 1], [], []>, transpose_lhs_hint = false} : vector<512x512xf32>, vector<512x256xf32>, vector<512x256xf32> -> vector<512x256xf32>
    %slice3A = vector.extract_strided_slice %dot_general3A_32 {offsets = [0, 0], sizes = [512, 128], strides = [1, 1]} : vector<512x256xf32> to vector<512x128xf32>
    %swap3A = arith.constant 0 : index
    %swap3A_33 = arith.constant 0 : index
    %swap3A_34 = arith.constant 0 : index
    %swap3A_35 = vector.load %arg8[%swap3A, %swap3A_33, %swap3A_34] : memref<2x512x128xf32, #tpu.memory_space<vmem>>, vector<1x512x128xf32>
    %swap3A_36 = vector.shape_cast %swap3A_35 : vector<1x512x128xf32> to vector<512x128xf32>
    %swap3A_37 = vector.shape_cast %slice3A : vector<512x128xf32> to vector<1x512x128xf32>
    tpu.vector_store %arg8[%swap3A, %swap3A_33, %swap3A_34], %swap3A_37 {strides = array<i32>} : memref<2x512x128xf32, #tpu.memory_space<vmem>>, vector<1x512x128xf32>,
    %slice3A_38 = vector.extract_strided_slice %dot_general3A_32 {offsets = [0, 128], sizes = [512, 128], strides = [1, 1]} : vector<512x256xf32> to vector<512x128xf32>
    %swap3A_39 = arith.constant 1 : index
    %swap3A_40 = arith.constant 0 : index
    %swap3A_41 = arith.constant 0 : index
    %swap3A_42 = vector.load %arg8[%swap3A_39, %swap3A_40, %swap3A_41] : memref<2x512x128xf32, #tpu.memory_space<vmem>>, vector<1x512x128xf32>
    %swap3A_43 = vector.shape_cast %swap3A_42 : vector<1x512x128xf32> to vector<512x128xf32>
    %swap3A_44 = vector.shape_cast %slice3A_38 : vector<512x128xf32> to vector<1x512x128xf32>
    tpu.vector_store %arg8[%swap3A_39, %swap3A_40, %swap3A_41], %swap3A_44 {strides = array<i32>} : memref<2x512x128xf32, #tpu.memory_space<vmem>>, vector<1x512x128xf32>,
    return
  }
  func.func @transform_0(%arg0: i32) -> (i32, i32, i32) {
    %c0_i32 = arith.constant 0 : i32
    %c0_i32_0 = arith.constant 0 : i32
    %c0_i32_1 = arith.constant 0 : i32
    return %c0_i32, %arg0, %c0_i32_0 : i32, i32, i32
  }
  func.func @transform_1(%arg0: i32) -> (i32, i32, i32) {
    %c1_i32 = arith.constant 1 : i32
    %c0_i32 = arith.constant 0 : i32
    %c0_i32_0 = arith.constant 0 : i32
    return %c1_i32, %arg0, %c0_i32 : i32, i32, i32
  }
  func.func @transform_2(%arg0: i32) -> (i32, i32) {
    %c0_i32 = arith.constant 0 : i32
    %c0_i32_0 = arith.constant 0 : i32
    return %arg0, %c0_i32 : i32, i32
  }
  func.func @transform_3(%arg0: i32) -> (i32, i32) {
    %c0_i32 = arith.constant 0 : i32
    %c0_i32_0 = arith.constant 0 : i32
    return %arg0, %c0_i32 : i32, i32
  }
  func.func @transform_4(%arg0: i32) -> (i32, i32) {
    %c0_i32 = arith.constant 0 : i32
    %c0_i32_0 = arith.constant 0 : i32
    %c0_i32_1 = arith.constant 0 : i32
    return %c0_i32, %c0_i32_0 : i32, i32
  }
  func.func @transform_5(%arg0: i32) -> (i32, i32) {
    %c0_i32 = arith.constant 0 : i32
    %c0_i32_0 = arith.constant 0 : i32
    %c0_i32_1 = arith.constant 0 : i32
    return %c0_i32, %c0_i32_0 : i32, i32
  }
  func.func @transform_6(%arg0: i32) -> (i32, i32) {
    %c0_i32 = arith.constant 0 : i32
    %c0_i32_0 = arith.constant 0 : i32
    %c0_i32_1 = arith.constant 0 : i32
    return %c0_i32, %c0_i32_0 : i32, i32
  }
  func.func @transform_7(%arg0: i32) -> (i32, i32, i32) {
    %c0_i32 = arith.constant 0 : i32
    %c0_i32_0 = arith.constant 0 : i32
    %c0_i32_1 = arith.constant 0 : i32
    return %c0_i32, %arg0, %c0_i32_0 : i32, i32, i32
  }
}

module attributes {stable_mosaic.version = 14 : i64} {
  func.func @_mlp2_body(%arg0: i32, %arg1: memref<1x512x128xf32, #tpu.memory_space<vmem>>, %arg2: memref<1x512x128xf32, #tpu.memory_space<vmem>>, %arg3: memref<1x512x128xf32, #tpu.memory_space<vmem>>, %arg4: memref<1x512x128xf32, #tpu.memory_space<vmem>>, %arg5: memref<512x16xf32, #tpu.memory_space<vmem>>, %arg6: memref<1x256xf32, #tpu.memory_space<vmem>>, %arg7: memref<256x128xf32, #tpu.memory_space<vmem>>, %arg8: memref<1x128xf32, #tpu.memory_space<vmem>>, %arg9: memref<128x64xf32, #tpu.memory_space<vmem>>, %arg10: memref<1x64xf32, #tpu.memory_space<vmem>>, %arg11: memref<64x128xf32, #tpu.memory_space<vmem>>, %arg12: memref<1x128xf32, #tpu.memory_space<vmem>>, %arg13: memref<512x128xf32, #tpu.memory_space<vmem>>) attributes {dimension_semantics = [#tpu.dimension_semantics<arbitrary>], iteration_bounds = array<i64: 20>, scalar_prefetch = 0 : i64, scratch_operands = 0 : i64, tpu.core_type = #tpu.core_type<tc>, window_params = [{transform_indices = @transform_0, window_bounds = array<i64: 1, 512, 128>}, {transform_indices = @transform_1, window_bounds = array<i64: 1, 512, 128>}, {transform_indices = @transform_2, window_bounds = array<i64: 1, 512, 128>}, {transform_indices = @transform_3, window_bounds = array<i64: 1, 512, 128>}, {transform_indices = @transform_4, window_bounds = array<i64: 512, 16>}, {pipeline_mode = #tpu.pipeline_mode<synchronous>, transform_indices = @transform_5, window_bounds = array<i64: 1, 256>}, {pipeline_mode = #tpu.pipeline_mode<synchronous>, transform_indices = @transform_6, window_bounds = array<i64: 256, 128>}, {pipeline_mode = #tpu.pipeline_mode<synchronous>, transform_indices = @transform_7, window_bounds = array<i64: 1, 128>}, {pipeline_mode = #tpu.pipeline_mode<synchronous>, transform_indices = @transform_8, window_bounds = array<i64: 128, 64>}, {pipeline_mode = #tpu.pipeline_mode<synchronous>, transform_indices = @transform_9, window_bounds = array<i64: 1, 64>}, {pipeline_mode = #tpu.pipeline_mode<synchronous>, transform_indices = @transform_10, window_bounds = array<i64: 64, 128>}, {pipeline_mode = #tpu.pipeline_mode<synchronous>, transform_indices = @transform_11, window_bounds = array<i64: 1, 128>}, {transform_indices = @transform_12, window_bounds = array<i64: 512, 128>}]} {
    %get3A = arith.constant 0 : index
    %get3A_0 = arith.constant 0 : index
    %get3A_1 = arith.constant 0 : index
    %get3A_2 = vector.load %arg1[%get3A, %get3A_0, %get3A_1] : memref<1x512x128xf32, #tpu.memory_space<vmem>>, vector<1x512x128xf32>
    %get3A_3 = vector.shape_cast %get3A_2 : vector<1x512x128xf32> to vector<512x128xf32>
    %get3A_4 = arith.constant 0 : index
    %get3A_5 = arith.constant 0 : index
    %get3A_6 = arith.constant 0 : index
    %get3A_7 = vector.load %arg2[%get3A_4, %get3A_5, %get3A_6] : memref<1x512x128xf32, #tpu.memory_space<vmem>>, vector<1x512x128xf32>
    %get3A_8 = vector.shape_cast %get3A_7 : vector<1x512x128xf32> to vector<512x128xf32>
    %concatenate3A = tpu.concatenate %get3A_3, %get3A_8 in 1 : vector<512x128xf32>, vector<512x128xf32> -> vector<512x256xf32>
    %get3A_9 = arith.constant 0 : index
    %get3A_10 = arith.constant 0 : index
    %get3A_11 = arith.constant 0 : index
    %get3A_12 = vector.load %arg3[%get3A_9, %get3A_10, %get3A_11] : memref<1x512x128xf32, #tpu.memory_space<vmem>>, vector<1x512x128xf32>
    %get3A_13 = vector.shape_cast %get3A_12 : vector<1x512x128xf32> to vector<512x128xf32>
    %get3A_14 = arith.constant 0 : index
    %get3A_15 = arith.constant 0 : index
    %get3A_16 = arith.constant 0 : index
    %get3A_17 = vector.load %arg4[%get3A_14, %get3A_15, %get3A_16] : memref<1x512x128xf32, #tpu.memory_space<vmem>>, vector<1x512x128xf32>
    %get3A_18 = vector.shape_cast %get3A_17 : vector<1x512x128xf32> to vector<512x128xf32>
    %concatenate3A_19 = tpu.concatenate %get3A_13, %get3A_18 in 1 : vector<512x128xf32>, vector<512x128xf32> -> vector<512x256xf32>
    %get3A_20 = arith.constant 0 : index
    %get3A_21 = arith.constant 0 : index
    %get3A_22 = vector.load %arg5[%get3A_20, %get3A_21] : memref<512x16xf32, #tpu.memory_space<vmem>>, vector<512x1xf32>
    %mul3A = vector.broadcast %get3A_22 : vector<512x1xf32> to vector<512x256xf32>
    %mul3A_23 = arith.mulf %mul3A, %concatenate3A_19 : vector<512x256xf32>
    %add3A = arith.addf %concatenate3A, %mul3A_23 : vector<512x256xf32>
    %get3A_24 = arith.constant 0 : index
    %get3A_25 = arith.constant 0 : index
    %get3A_26 = vector.load %arg6[%get3A_24, %get3A_25] : memref<1x256xf32, #tpu.memory_space<vmem>>, vector<1x256xf32>
    %add3A_27 = vector.broadcast %get3A_26 : vector<1x256xf32> to vector<512x256xf32>
    %add3A_28 = arith.addf %add3A, %add3A_27 : vector<512x256xf32>
    %max3A = arith.constant 0.000000e+00 : f32
    %max3A_29 = vector.broadcast %max3A : f32 to vector<512x256xf32>
    %max3A_30 = arith.maximumf %add3A_28, %max3A_29 : vector<512x256xf32>
    %get3A_31 = arith.constant 0 : index
    %get3A_32 = arith.constant 0 : index
    %get3A_33 = vector.load %arg7[%get3A_31, %get3A_32] : memref<256x128xf32, #tpu.memory_space<vmem>>, vector<256x128xf32>
    %dot_general3A = arith.constant dense<0.000000e+00> : vector<512x128xf32>
    %dot_general3A_34 = tpu.matmul %max3A_30, %get3A_33, %dot_general3A {dimension_numbers = #tpu.dot_dimension_numbers<[1], [0], [0], [1], [0, 0, 1, 1], [], []>, transpose_lhs_hint = false} : vector<512x256xf32>, vector<256x128xf32>, vector<512x128xf32> -> vector<512x128xf32>
    %get3A_35 = arith.constant 0 : index
    %get3A_36 = arith.constant 0 : index
    %get3A_37 = vector.load %arg8[%get3A_35, %get3A_36] : memref<1x128xf32, #tpu.memory_space<vmem>>, vector<1x128xf32>
    %add3A_38 = vector.broadcast %get3A_37 : vector<1x128xf32> to vector<512x128xf32>
    %add3A_39 = arith.addf %dot_general3A_34, %add3A_38 : vector<512x128xf32>
    %max3A_40 = arith.constant 0.000000e+00 : f32
    %max3A_41 = vector.broadcast %max3A_40 : f32 to vector<512x128xf32>
    %max3A_42 = arith.maximumf %add3A_39, %max3A_41 : vector<512x128xf32>
    %get3A_43 = arith.constant 0 : index
    %get3A_44 = arith.constant 0 : index
    %get3A_45 = vector.load %arg9[%get3A_43, %get3A_44] : memref<128x64xf32, #tpu.memory_space<vmem>>, vector<128x64xf32>
    %dot_general3A_46 = arith.constant dense<0.000000e+00> : vector<512x64xf32>
    %dot_general3A_47 = tpu.matmul %max3A_42, %get3A_45, %dot_general3A_46 {dimension_numbers = #tpu.dot_dimension_numbers<[1], [0], [0], [1], [0, 0, 1, 1], [], []>, transpose_lhs_hint = false} : vector<512x128xf32>, vector<128x64xf32>, vector<512x64xf32> -> vector<512x64xf32>
    %get3A_48 = arith.constant 0 : index
    %get3A_49 = arith.constant 0 : index
    %get3A_50 = vector.load %arg10[%get3A_48, %get3A_49] : memref<1x64xf32, #tpu.memory_space<vmem>>, vector<1x64xf32>
    %add3A_51 = vector.broadcast %get3A_50 : vector<1x64xf32> to vector<512x64xf32>
    %add3A_52 = arith.addf %dot_general3A_47, %add3A_51 : vector<512x64xf32>
    %max3A_53 = arith.constant 0.000000e+00 : f32
    %max3A_54 = vector.broadcast %max3A_53 : f32 to vector<512x64xf32>
    %max3A_55 = arith.maximumf %add3A_52, %max3A_54 : vector<512x64xf32>
    %get3A_56 = arith.constant 0 : index
    %get3A_57 = arith.constant 0 : index
    %get3A_58 = vector.load %arg11[%get3A_56, %get3A_57] : memref<64x128xf32, #tpu.memory_space<vmem>>, vector<64x128xf32>
    %dot_general3A_59 = arith.constant dense<0.000000e+00> : vector<512x128xf32>
    %dot_general3A_60 = tpu.matmul %max3A_55, %get3A_58, %dot_general3A_59 {dimension_numbers = #tpu.dot_dimension_numbers<[1], [0], [0], [1], [0, 0, 1, 1], [], []>, transpose_lhs_hint = false} : vector<512x64xf32>, vector<64x128xf32>, vector<512x128xf32> -> vector<512x128xf32>
    %get3A_61 = arith.constant 0 : index
    %get3A_62 = arith.constant 0 : index
    %get3A_63 = vector.load %arg12[%get3A_61, %get3A_62] : memref<1x128xf32, #tpu.memory_space<vmem>>, vector<1x128xf32>
    %add3A_64 = vector.broadcast %get3A_63 : vector<1x128xf32> to vector<512x128xf32>
    %add3A_65 = arith.addf %dot_general3A_60, %add3A_64 : vector<512x128xf32>
    %reduce_max3A = arith.constant dense<0xFF800000> : vector<512xf32>
    %reduce_max3A_66 = vector.multi_reduction <maximumf>, %add3A_65, %reduce_max3A [1] : vector<512x128xf32> to vector<512xf32>
    %broadcast_in_dim3A = vector.shape_cast %reduce_max3A_66 : vector<512xf32> to vector<512x1xf32>
    %sub3A = vector.broadcast %broadcast_in_dim3A : vector<512x1xf32> to vector<512x128xf32>
    %sub3A_67 = arith.subf %add3A_65, %sub3A : vector<512x128xf32>
    %exp3A = math.exp %sub3A_67 : vector<512x128xf32>
    %reduce_sum3A = arith.constant dense<0.000000e+00> : vector<512xf32>
    %reduce_sum3A_68 = vector.multi_reduction <add>, %exp3A, %reduce_sum3A [1] : vector<512x128xf32> to vector<512xf32>
    %broadcast_in_dim3A_69 = vector.shape_cast %reduce_sum3A_68 : vector<512xf32> to vector<512x1xf32>
    %div3A = vector.broadcast %broadcast_in_dim3A_69 : vector<512x1xf32> to vector<512x128xf32>
    %div3A_70 = arith.divf %exp3A, %div3A : vector<512x128xf32>
    %swap3A = arith.constant 0 : index
    %swap3A_71 = arith.constant 0 : index
    %swap3A_72 = vector.load %arg13[%swap3A, %swap3A_71] : memref<512x128xf32, #tpu.memory_space<vmem>>, vector<512x128xf32>
    tpu.vector_store %arg13[%swap3A, %swap3A_71], %div3A_70 {strides = array<i32>} : memref<512x128xf32, #tpu.memory_space<vmem>>, vector<512x128xf32>,
    return
  }
  func.func @transform_0(%arg0: i32) -> (i32, i32, i32) {
    %c0_i32 = arith.constant 0 : i32
    %c0_i32_0 = arith.constant 0 : i32
    %c0_i32_1 = arith.constant 0 : i32
    return %c0_i32, %arg0, %c0_i32_0 : i32, i32, i32
  }
  func.func @transform_1(%arg0: i32) -> (i32, i32, i32) {
    %c1_i32 = arith.constant 1 : i32
    %c0_i32 = arith.constant 0 : i32
    %c0_i32_0 = arith.constant 0 : i32
    return %c1_i32, %arg0, %c0_i32 : i32, i32, i32
  }
  func.func @transform_2(%arg0: i32) -> (i32, i32, i32) {
    %c0_i32 = arith.constant 0 : i32
    %c0_i32_0 = arith.constant 0 : i32
    %c0_i32_1 = arith.constant 0 : i32
    return %c0_i32, %arg0, %c0_i32_0 : i32, i32, i32
  }
  func.func @transform_3(%arg0: i32) -> (i32, i32, i32) {
    %c1_i32 = arith.constant 1 : i32
    %c0_i32 = arith.constant 0 : i32
    %c0_i32_0 = arith.constant 0 : i32
    return %c1_i32, %arg0, %c0_i32 : i32, i32, i32
  }
  func.func @transform_4(%arg0: i32) -> (i32, i32) {
    %c0_i32 = arith.constant 0 : i32
    %c0_i32_0 = arith.constant 0 : i32
    return %arg0, %c0_i32 : i32, i32
  }
  func.func @transform_5(%arg0: i32) -> (i32, i32) {
    %c0_i32 = arith.constant 0 : i32
    %c0_i32_0 = arith.constant 0 : i32
    %c0_i32_1 = arith.constant 0 : i32
    return %c0_i32, %c0_i32_0 : i32, i32
  }
  func.func @transform_6(%arg0: i32) -> (i32, i32) {
    %c0_i32 = arith.constant 0 : i32
    %c0_i32_0 = arith.constant 0 : i32
    %c0_i32_1 = arith.constant 0 : i32
    return %c0_i32, %c0_i32_0 : i32, i32
  }
  func.func @transform_7(%arg0: i32) -> (i32, i32) {
    %c0_i32 = arith.constant 0 : i32
    %c0_i32_0 = arith.constant 0 : i32
    %c0_i32_1 = arith.constant 0 : i32
    return %c0_i32, %c0_i32_0 : i32, i32
  }
  func.func @transform_8(%arg0: i32) -> (i32, i32) {
    %c0_i32 = arith.constant 0 : i32
    %c0_i32_0 = arith.constant 0 : i32
    %c0_i32_1 = arith.constant 0 : i32
    return %c0_i32, %c0_i32_0 : i32, i32
  }
  func.func @transform_9(%arg0: i32) -> (i32, i32) {
    %c0_i32 = arith.constant 0 : i32
    %c0_i32_0 = arith.constant 0 : i32
    %c0_i32_1 = arith.constant 0 : i32
    return %c0_i32, %c0_i32_0 : i32, i32
  }
  func.func @transform_10(%arg0: i32) -> (i32, i32) {
    %c0_i32 = arith.constant 0 : i32
    %c0_i32_0 = arith.constant 0 : i32
    %c0_i32_1 = arith.constant 0 : i32
    return %c0_i32, %c0_i32_0 : i32, i32
  }
  func.func @transform_11(%arg0: i32) -> (i32, i32) {
    %c0_i32 = arith.constant 0 : i32
    %c0_i32_0 = arith.constant 0 : i32
    %c0_i32_1 = arith.constant 0 : i32
    return %c0_i32, %c0_i32_0 : i32, i32
  }
  func.func @transform_12(%arg0: i32) -> (i32, i32) {
    %c0_i32 = arith.constant 0 : i32
    %c0_i32_0 = arith.constant 0 : i32
    return %arg0, %c0_i32 : i32, i32
  }
}

</mosaic_0001>

<sc_bundles>
// kernel: kernel.11.cloned.1.call-start
scs
__scs_entry_jumppad:
0x0: {  	(pc) =	sbr.rel $0x88, $3  }
0x1: {  	(tag) =	ssettag $0x0;
	lr =	simm.s32 $0x1  }
0x2: {  	[smem:$0x3F94] =	sst lr;
	_ =	strace $0xD0000000  }
0x3: {  	_ = 	snop  }
0x4: {  	_ = 	snop  }
0x5: {  	_ = 	snop  }
0x6: {  	_ = 	snop  }
0x7: {  	_ = 	snop  }
__scs_overlays_trampoline_lowered:
0x8: {  	[smem:$0x3FA3] =	sst s0  }
0x9: {  	[smem:$0x3FA4] =	sst s1  }
0xa: {  	[smem:$0x3FA5] =	sst s2  }
0xb: {  	[smem:$0x3FA6] =	sst s3  }
0xc: {  	[smem:$0x3FA7] =	sst s4  }
0xd: {  	[smem:$0x3FA8] =	sst s5  }
0xe: {  	[smem:$0x3FA9] =	sst s6  }
0xf: {  	[smem:$0x3FAA] =	sst s7  }
0x10: {  	[smem:$0x3FAB] =	sst s8  }
0x11: {  	[smem:$0x3FAC] =	sst s9;
	s0 =	simm.s32 @!p0 $0x0  }
0x12: {  	s1 =	sld [smem:$0x3F92];
	s0 =	simm.s32 @p0 $0x1  }
0x13: {  	[smem:$0x3FAD] =	sst s0;
	s0 =	simm.s32 @!p1 $0x0  }
0x14: {  	s2 =	sld [smem:$0x3F91];
	s0 =	simm.s32 @p1 $0x1  }
0x15: {  	[smem:$0x3FAE] =	sst s0;
	s0 =	simm.s32 @!p2 $0x0  }
0x16: {  	s3 =	sld [smem:$0x3FDB];
	s0 =	simm.s32 @p2 $0x1  }
0x17: {  	s4 =	simm.s32 $0x1BF5;
	[smem:$0x3FB0] =	sst s0  }
0x18: {  	s0 =	sld [smem:$0x3F93];
	_ =	swait.ge [sflag:s4], $0x0  }
0x19: {  	s7 =	sld [smem:$0x3F94]  }
0x1a: {  	s8 =	sadd.s32 $0xFFFFE003, lr  }
0x1b: {  	s9 =	sadd.s32 $0xFFFFFEF7, lr;
	s5 =	simm.s32 $0xFFFFFFFF;
	p2 =	slt.u32 s8, $0xFFFFF086  }
0x1c: {  	p1 =	slt.u32 s9, $0xF7A;
	s5 =	simm.s32 @!p2 $0x0  }
0x1d: {  	s5 =	simm.s32 @p1 $0x1;
	p0 =	seq.s32 s7, s2  }
0x1e: {  	s7 =	smul.u32 @!p0 $0xF7A, s2;
	p2 =	seq.s32 @!p0 s5, $0x0  }
0x1f: {  	s9 =	smul.u32 $0xF7A, s1;
	s8 =	simm.s32 @!p0 $0x1BF5;
	p2 =	por !p2, p0  }
0x20: {  	[sflag:s8] =	ssyncset.s32 @!p0 $0xFFFFF086;
	s6 =	sadd.s32 @!p0 s3, s7;
	s7 =	simm.s32 @!p0 $0x108  }
0x21: {  	s3 =	sadd.s32 s3, s9;
	s6 =	sadd.s32 @!p0 $0x88, s6;
	s7 =	simm.s32 @p2 $0x1082  }
0x22: {  	[simem:s7], [sflag:s8] =	dma.local @!p0 [hbm:s6], $0xF7A  }
0x23: {  	s9 =	sor.u32 $0xD0000000, s2;
	s6 =	simm.s32 $0x108;
	_ =	swait.ge @!p0 [sflag:s8], $0x0  }
0x24: {  	s3 =	sadd.s32 $0x88, s3;
	s6 =	simm.s32 @!p1 $0x1082;
	[sflag:s4] =	ssyncset.s32 $0xFFFFF086  }
0x25: {  	[simem:s6], [sflag:s4] =	dma.local [hbm:s3], $0xF7A  }
0x26: {  	[smem:$0x3F94] =	sst s1;
	(tag) =	ssettag s2;
	_ =	strace s9  }
0x27: {  	s1 =	sld [smem:$0x3FA4]  }
0x28: {  	s2 =	sld [smem:$0x3FA5]  }
0x29: {  	s4 =	sld [smem:$0x3FA7]  }
0x2a: {  	p0 =	seq.s32 s5, $0x0;
	s5 =	sld [smem:$0x3FA8]  }
0x2b: {  	s6 =	sld [smem:$0x3FA9]  }
0x2c: {  	s7 =	sld [smem:$0x3FAA]  }
0x2d: {  	s3 =	simm.s32 $0x108;
	s8 =	sld [smem:$0x3FAB]  }
0x2e: {  	s3 =	simm.s32 @!p0 $0x1082;
	s9 =	sld [smem:$0x3FAC]  }
0x2f: {  	lr =	sadd.s32 s0, s3;
	s0 =	sld [smem:$0x3FA3]  }
0x30: {  	s3 =	sld [smem:$0x3FA6]  }
0x31: {  	[smem:$0x3FAF] =	sst s10  }
0x32: {  	s10 =	sld [smem:$0x3FAD];
	_ =	sdelay $0x3  }
0x33: {  	p0 =	seq.s32 s10, $0x1;
	s10 =	sld [smem:$0x3FAF];
	_ =	sdelay $0x3  }
0x34: {  	[smem:$0x3FAF] =	sst s10  }
0x35: {  	s10 =	sld [smem:$0x3FAE];
	_ =	sdelay $0x3  }
0x36: {  	p1 =	seq.s32 s10, $0x1;
	s10 =	sld [smem:$0x3FAF];
	_ =	sdelay $0x3  }
0x37: {  	[smem:$0x3FAF] =	sst s10  }
0x38: {  	s10 =	sld [smem:$0x3FB0]  }
0x39: {  	_ = 	snop;
	(pc) =	sbr.ind lr, $3  }
0x3a: {  	_ = 	snop  }
0x3b: {  	_ = 	snop  }
0x3c: {  	p2 =	seq.s32 s10, $0x1;
	s10 =	sld [smem:$0x3FAF]  }
0x3d: {  	_ =	shalt  }
0x3e: {  	_ =	shalt  }
0x3f: {  	_ =	shalt  }
0x40: {  	_ =	shalt  }
0x41: {  	_ =	shalt  }
0x42: {  	_ =	shalt  }
0x43: {  	_ =	shalt  }
0x44: {  	_ =	shalt  }
0x45: {  	_ =	shalt  }
0x46: {  	_ =	shalt  }
0x47: {  	_ =	shalt  }
0x48: {  	_ =	shalt  }
0x49: {  	_ =	shalt  }
0x4a: {  	_ =	shalt  }
0x4b: {  	_ =	shalt  }
0x4c: {  	_ =	shalt  }
0x4d: {  	_ =	shalt  }
0x4e: {  	_ =	shalt  }
0x4f: {  	_ =	shalt  }
0x50: {  	_ =	shalt  }
0x51: {  	_ =	shalt  }
0x52: {  	_ =	shalt  }
0x53: {  	_ =	shalt  }
0x54: {  	_ =	shalt  }
0x55: {  	_ =	shalt  }
0x56: {  	_ =	shalt  }
0x57: {  	_ =	shalt  }
0x58: {  	_ =	shalt  }
0x59: {  	_ =	shalt  }
0x5a: {  	_ =	shalt  }
0x5b: {  	_ =	shalt  }
0x5c: {  	_ =	shalt  }
0x5d: {  	_ =	shalt  }
0x5e: {  	_ =	shalt  }
0x5f: {  	_ =	shalt  }
0x60: {  	_ =	shalt  }
0x61: {  	_ =	shalt  }
0x62: {  	_ =	shalt  }
0x63: {  	_ =	shalt  }
0x64: {  	_ =	shalt  }
0x65: {  	_ =	shalt  }
0x66: {  	_ =	shalt  }
0x67: {  	_ =	shalt  }
0x68: {  	_ =	shalt  }
0x69: {  	_ =	shalt  }
0x6a: {  	_ =	shalt  }
0x6b: {  	_ =	shalt  }
0x6c: {  	_ =	shalt  }
0x6d: {  	_ =	shalt  }
0x6e: {  	_ =	shalt  }
0x6f: {  	_ =	shalt  }
0x70: {  	_ =	shalt  }
0x71: {  	_ =	shalt  }
0x72: {  	_ =	shalt  }
0x73: {  	_ =	shalt  }
0x74: {  	_ =	shalt  }
0x75: {  	_ =	shalt  }
0x76: {  	_ =	shalt  }
0x77: {  	_ =	shalt  }
0x78: {  	_ =	shalt  }
0x79: {  	_ =	shalt  }
0x7a: {  	_ =	shalt  }
0x7b: {  	_ =	shalt  }
0x7c: {  	_ =	shalt  }
0x7d: {  	_ =	shalt  }
0x7e: {  	_ =	shalt  }
0x7f: {  	_ =	shalt  }
0x80: {  	_ =	shalt  }
0x81: {  	_ =	shalt  }
0x82: {  	_ =	shalt  }
0x83: {  	_ =	shalt  }
0x84: {  	_ =	shalt  }
0x85: {  	_ =	shalt  }
0x86: {  	_ =	shalt  }
0x87: {  	_ =	shalt  }
.Lfunc_end0:
.L_simem_size_0:
called_computation.1_lowered:
.L_overlay_start_0:
0x88: {  	s2 =	sld [smem:$0x3FD9]  }
0x89: {  	s3 =	sld [smem:$0x3FFE];
	_ =	sdelay $0x1  }
0x8a: {  	s1 =	srdreg.scid  }
0x8b: {  	s0 =	sand.u32 $0x1, s1  }
0x8c: {  	s17 =	sshll.u32 s0, $0xA;
	s2 =	sadd.s32 s3, s2  }
0x8d: {  	s2 =	sadd.s32 s2, s17  }
0x8e: {  	[smem:$0x3FBB] =	sst s2  }
0x8f: {  	_ = 	snop  }
0x90: {  	s2 =	sld [smem:$0x3FD0];
	(tm) =	ssettm $0x1  }
0x91: {  	s18 =	sld [smem:$0x3FFB];
	_ =	sdelay $0x3  }
0x92: {  	_ =	strace s18  }
0x93: {  	s3 =	sld [smem:$0x3FFC];
	_ =	sdelay $0x3  }
0x94: {  	_ =	strace s3  }
0x95: {  	s3 =	sld [smem:$0x3FFD];
	_ =	sdelay $0x3  }
0x96: {  	_ =	strace s3  }
0x97: {  	_ =	strace $0x8FFFFFFF  }
0x98: {  	s19 =	sld [smem:$0x3FDB];
	_ =	sdelay $0x1  }
0x99: {  	s4 =	simm.s32 $_scs_section_size  }
0x9a: {  	s5 =	simm.s32 $_size__tile_overlayer_lowered;
	s6 =	simm.s32 $_tile_overlayer_lowered  }
0x9b: {  	s22 =	simm.s32 $0x1BFF;
	s21 =	sshll.u32 s6, $0x1;
	s3 =	sadd.s32 s4, s19  }
0x9c: {  	s7 =	simm.s32 $0x0;
	s20 =	sshll.u32 s5, $0x1;
	s5 =	sadd.s32 s21, s3  }
0x9d: {  	[timem:s7], [sflag:s22] =	dma.local [hbm:s5], s20  }
0x9e: {  	_ =	swait.ge [sflag:s22], s20  }
0x9f: {  	s4 =	ssub.s32 $0x0, s20;
	[sflag:s22] =	ssyncset.done $0x0  }
0xa0: {  	[sflag:s22] =	ssyncadd.s32 s4;
	_ =	sdelay $0x1  }
0xa1: {  	s23 =	simm.s32 $0x1B8B  }
0xa2: {  	_ =	swait.ge [sflag:s23], $0x1  }
0xa3: {  	[sflag:s23] =	ssyncset.done $0x0  }
0xa4: {  	s25 =	simm.s32 $0x1B8E;
	s24 =	sld [smem:$0x3FFE];
	[sflag:s23] =	ssyncadd.s32 $0xFFFFFFFF  }
0xa5: {  	s26 =	simm.s32 $execute0_lowered;
	[smem:$0x3FD2] =	sst s25  }
0xa6: {  	s5 =	sshll.u32 s26, $0x1;
	_ =	strace $0x80000049;
	[dreg:$0x1] =	wrdreg $0xFFFFFFFF  }
0xa7: {  	s28 =	simm.s32 $_size_execute0_lowered;
	s3 =	sadd.s32 s3, s5;
	[dreg:$0x0] =	wrdreg $0x0  }
0xa8: {  	s5 =	sshll.u32 s28, $0x1;
	[dreg:$0x2] =	wrdreg s3  }
0xa9: {  	[dreg:$0x3] =	wrdreg s5  }
0xaa: {  	[dreg:$0x4] =	wrdreg $0xC0  }
0xab: {  	_ =	task [dreg:s7], $0x5FFFF  }
0xac: {  	[dreg:$0x1] =	wrdreg $0xFFFFFFFF  }
0xad: {  	[dreg:$0x0] =	wrdreg $0x60  }
0xae: {  	[dreg:$0x2] =	wrdreg s2  }
0xaf: {  	[dreg:$0x3] =	wrdreg s24  }
0xb0: {  	[dreg:$0x4] =	wrdreg $0x9  }
0xb1: {  	_ =	task.clear_ibuf [dreg:s7], $0x5FFFF;
	_ =	strace $0x90000049  }
0xb2: {  	s29 =	simm.s32 $0x9;
	_ =	strace $0x8000004B  }
0xb3: {  	_ =	swait.ge [sflag:s29], $0x1  }
0xb4: {  	[sflag:s29] =	ssyncadd.s32 $0xFFFFFFFF  }
0xb5: {  	_ =	strace $0x9000004B  }
0xb6: {  	_ =	sfence  }
0xb7: {  	s30 =	sld [smem:$0x0];
	_ =	sdelay $0x2  }
0xb8: {  	s31 =	sshll.u32 s1, $0xD;
	s1 =	sshrl.u32 s1, $0x2  }
0xb9: {  	s3 =	sand.u32 $0x4000, s31;
	s1 =	sadd.s32 s1, s30  }
0xba: {  	s0 =	sor.u32 s3, s0;
	s1 =	sshll.u32 s1, $0x11  }
0xbb: {  	s0 =	sor.u32 s1, s0  }
0xbc: {  	s0 =	sadd.s32 $0x8F2B, s0  }
0xbd: {  	[sflag:s0] =	ssyncadd.remote.s32 $0x1  }
0xbe: {  	_ =	sfence.sel $0xFFFF  }
0xbf: {  	[dreg:$0x0] =	wrdreg $0xFFFFFFFF;
	(pc) =	sbr.abs _section_cstart, $3  }
0xc0: {  	[dreg:$0x1] =	wrdreg $0xFFFFFFFF  }
0xc1: {  	_ =	task.clear_ibuf [dreg:s7], $0x2FFFF;
	_ =	strace $0x9FFFFFFF  }
0xc2: {  	(tm) =	ssettm $0x7FFFFFFF  }
0xc3: {  	_ =	shalt  }
tec
execute0_lowered:
.L_overlay_start_1:
0x0: {  	(tag) =	ssettag $0x1  }
0x1: {  	s6 =	rddreg [dreg:$0x0]  }
0x2: {  	s3 =	rddreg [dreg:$0x1]  }
0x3: {  	s0 =	rddreg [dreg:$0x2]  }
0x4: {  	s1 =	stileid.u32;
	s4 =	srdreg.scid  }
0x5: {  	s2 =	simm.s32 $0x0;
	s11 =	simm.s32 $0x2880;
	s12 =	simm.s32 $0x2900  }
0x6: {  	s13 =	simm.s32 $0x2980;
	s7 =	smul.u32 $0x9E0, s1;
	s4 =	sand.u32 $0x1, s4  }
0x7: {  	s14 =	simm.s32 $0x0;
	[smem:$0x7FF] =	sst s2;
	s5 =	ssub.s32 $0x2, s4  }
0x8: {  	s8 =	smul.u32 $0x4F0, s4;
	_ =	strace $0x8000004A;
	s30 =	sadd.s32 s7, s3  }
0x9: {  	s9 =	sshrl.u32 s5, $0x1;
	s3 =	sadd.s32 $0x17A00, s3;
	s10 =	sadd.s32 s7, s6  }
0xa: {  	s5 =	ssub.s32 s5, s9;
	s31 =	sadd.s32 s8, s30;
	s8 =	sadd.s32 s8, s10  }
0xb: {  	s9 =	simm.s32 $0x1;
	s10 =	simm.s32 $0x2800;
	s4 =	smax.u32 s5, $0x1  }
0xc: {  	s5 =	sadd.s32 $0x40000, s31;
	s6 =	sadd.s32 $0xDC00, s31;
	s7 =	sadd.s32 $0x3E00, s31  }
.LBB2_1:
0xd: {  	[tilespmem:s2], [sflag:$0x1] =	stream.linear.gather [hbm4b:s3+s2], $0x2800, $0x38;
	[tilespmem:$0x2A00] =	vst v63  }
0xe: {  	_ =	swait.ge [sflag:s9], $0x2800  }
0xf: {  	[sflag:s9] =	ssyncset.done $0x0  }
0x10: {  	s15 =	sadd.s32 $0x0, s8;
	[sflag:s9] =	ssyncadd.s32 $0xFFFFD800  }
0x11: {  	[tilespmem:s10], [sflag:$0x1] =	stream.linear.gather [hbm4b:s15+s2], $0x80, $0x38;
	[tilespmem:$0x2A00] =	vst v63  }
0x12: {  	_ =	swait.ge [sflag:s9], $0x80  }
0x13: {  	[sflag:s9] =	ssyncset.done $0x0  }
0x14: {  	s29 =	sadd.s32 $0x0, s7;
	[sflag:s9] =	ssyncadd.s32 $0xFFFFFF80  }
0x15: {  	[tilespmem:s11], [sflag:$0x1] =	stream.linear.gather [hbm4b:s29+s2], $0x80, $0x38;
	[tilespmem:$0x2A00] =	vst v63  }
0x16: {  	_ =	swait.ge [sflag:s9], $0x80  }
0x17: {  	[sflag:s9] =	ssyncset.done $0x0  }
0x18: {  	s30 =	sadd.s32 $0x0, s6;
	[sflag:s9] =	ssyncadd.s32 $0xFFFFFF80  }
0x19: {  	[tilespmem:s12], [sflag:$0x1] =	stream.linear.gather [hbm4b:s30+s2], $0x80, $0x38;
	[tilespmem:$0x2A00] =	vst v63  }
0x1a: {  	_ =	swait.ge [sflag:s9], $0x80  }
0x1b: {  	[sflag:s9] =	ssyncset.done $0x0  }
0x1c: {  	[sflag:s9] =	ssyncadd.s32 $0xFFFFFF80  }
0x1d: {  	v0 =	vld [tilespmem:$0x2800];
	_ =	sdelay $0x1  }
0x1e: {  	v1 =	vld [tilespmem:$0x2880];
	_ =	sdelay $0x4  }
0x1f: {  	v2 =	vld [tilespmem:$0x2900]  }
0x20: {  	v0 =	vld.idx.msk [tilespmem:v0+s2+$0x0], $0xffff  }
0x21: {  	v3 =	vld [tilespmem:$0x2810]  }
0x22: {  	v1 =	vld.idx.msk [tilespmem:v1+s2+$0x0], $0xffff;
	_ =	sdelay $0x1  }
0x23: {  	v4 =	vld [tilespmem:$0x2890]  }
0x24: {  	v0 =	vmul.f32 v2, v0;
	_ =	sdelay $0x1  }
0x25: {  	v0 =	vmul.f32 v1, v0;
	_ =	sdelay $0x1  }
0x26: {  	v35 =	vld [tilespmem:$0x2910];
	[tilespmem:$0x2980] =	vst v0  }
0x27: {  	v0 =	vld.idx.msk [tilespmem:v3+s2+$0x0], $0xffff  }
0x28: {  	v37 =	vld [tilespmem:$0x2820]  }
0x29: {  	v36 =	vld.idx.msk [tilespmem:v4+s2+$0x0], $0xffff;
	_ =	sdelay $0x1  }
0x2a: {  	v38 =	vld [tilespmem:$0x28A0]  }
0x2b: {  	v0 =	vmul.f32 v35, v0;
	_ =	sdelay $0x1  }
0x2c: {  	v0 =	vmul.f32 v36, v0;
	_ =	sdelay $0x1  }
0x2d: {  	v39 =	vld [tilespmem:$0x2920];
	[tilespmem:$0x2990] =	vst v0  }
0x2e: {  	v0 =	vld.idx.msk [tilespmem:v37+s2+$0x0], $0xffff  }
0x2f: {  	v41 =	vld [tilespmem:$0x2830]  }
0x30: {  	v40 =	vld.idx.msk [tilespmem:v38+s2+$0x0], $0xffff;
	_ =	sdelay $0x1  }
0x31: {  	v42 =	vld [tilespmem:$0x28B0]  }
0x32: {  	v0 =	vmul.f32 v39, v0;
	_ =	sdelay $0x1  }
0x33: {  	v0 =	vmul.f32 v40, v0;
	_ =	sdelay $0x1  }
0x34: {  	v43 =	vld [tilespmem:$0x2930];
	[tilespmem:$0x29A0] =	vst v0  }
0x35: {  	v0 =	vld.idx.msk [tilespmem:v41+s2+$0x0], $0xffff  }
0x36: {  	v45 =	vld [tilespmem:$0x2840]  }
0x37: {  	v44 =	vld.idx.msk [tilespmem:v42+s2+$0x0], $0xffff;
	_ =	sdelay $0x1  }
0x38: {  	v46 =	vld [tilespmem:$0x28C0]  }
0x39: {  	v0 =	vmul.f32 v43, v0;
	_ =	sdelay $0x1  }
0x3a: {  	v0 =	vmul.f32 v44, v0;
	_ =	sdelay $0x1  }
0x3b: {  	v47 =	vld [tilespmem:$0x2940];
	[tilespmem:$0x29B0] =	vst v0  }
0x3c: {  	v0 =	vld.idx.msk [tilespmem:v45+s2+$0x0], $0xffff  }
0x3d: {  	v49 =	vld [tilespmem:$0x2850]  }
0x3e: {  	v48 =	vld.idx.msk [tilespmem:v46+s2+$0x0], $0xffff;
	_ =	sdelay $0x1  }
0x3f: {  	v50 =	vld [tilespmem:$0x28D0]  }
0x40: {  	v0 =	vmul.f32 v47, v0;
	_ =	sdelay $0x1  }
0x41: {  	v0 =	vmul.f32 v48, v0;
	_ =	sdelay $0x1  }
0x42: {  	v51 =	vld [tilespmem:$0x2950];
	[tilespmem:$0x29C0] =	vst v0  }
0x43: {  	v52 =	vld.idx.msk [tilespmem:v49+s2+$0x0], $0xffff  }
0x44: {  	v54 =	vld [tilespmem:$0x2860]  }
0x45: {  	v53 =	vld.idx.msk [tilespmem:v50+s2+$0x0], $0xffff;
	_ =	sdelay $0x1  }
0x46: {  	v55 =	vld [tilespmem:$0x28E0]  }
0x47: {  	v0 =	vmul.f32 v51, v52;
	_ =	sdelay $0x1  }
0x48: {  	v0 =	vmul.f32 v53, v0;
	_ =	sdelay $0x1  }
0x49: {  	v56 =	vld [tilespmem:$0x2960];
	[tilespmem:$0x29D0] =	vst v0  }
0x4a: {  	v57 =	vld.idx.msk [tilespmem:v54+s2+$0x0], $0xffff  }
0x4b: {  	v59 =	vld [tilespmem:$0x2870]  }
0x4c: {  	v58 =	vld.idx.msk [tilespmem:v55+s2+$0x0], $0xffff;
	_ =	sdelay $0x1  }
0x4d: {  	v60 =	vld [tilespmem:$0x28F0]  }
0x4e: {  	v0 =	vmul.f32 v56, v57;
	_ =	sdelay $0x1  }
0x4f: {  	v0 =	vmul.f32 v58, v0;
	_ =	sdelay $0x1  }
0x50: {  	v61 =	vld [tilespmem:$0x2970];
	[tilespmem:$0x29E0] =	vst v0  }
0x51: {  	v62 =	vld.idx.msk [tilespmem:v59+s2+$0x0], $0xffff;
	_ =	sdelay $0x1  }
0x52: {  	v63 =	vld.idx.msk [tilespmem:v60+s2+$0x0], $0xffff;
	_ =	sdelay $0x2  }
0x53: {  	v0 =	vmul.f32 v61, v62;
	_ =	sdelay $0x1  }
0x54: {  	v0 =	vmul.f32 v63, v0;
	_ =	sdelay $0x1  }
0x55: {  	s31 =	sadd.s32 $0x0, s5;
	[tilespmem:$0x29F0] =	vst v0  }
0x56: {  	[hbm4b:s31+s2] =	stream.linear.scatter [tilespmem:s13], [sflag:$0x1], $0x80, $0x38;
	[tilespmem:$0x2A00] =	vst v63  }
0x57: {  	_ =	swait.ge [sflag:s9], $0x80  }
0x58: {  	s18 =	simm.s32 $0x20;
	s15 =	simm.s32 $0x10;
	[sflag:s9] =	ssyncset.done $0x0  }
.LBB2_2:
0x59: {  	s19 =	sadd.s32 s15, s8  }
0x5a: {  	[sflag:s9] =	ssyncadd.s32 $0xFFFFFF80;
	s17 =	smov.u32 s18;
	s16 =	sadd.s32 $0x10, s18  }
0x5b: {  	[tilespmem:s10], [sflag:$0x1] =	stream.linear.gather [hbm4b:s19+s2], $0x80, $0x38;
	[tilespmem:$0x2A00] =	vst v63  }
0x5c: {  	p0 =	sne.s32 s18, $0x4E0;
	_ =	swait.ge [sflag:s9], $0x80  }
0x5d: {  	[sflag:s9] =	ssyncset.done $0x0  }
0x5e: {  	s18 =	sadd.s32 s15, s7;
	[sflag:s9] =	ssyncadd.s32 $0xFFFFFF80  }
0x5f: {  	[tilespmem:s11], [sflag:$0x1] =	stream.linear.gather [hbm4b:s18+s2], $0x80, $0x38;
	[tilespmem:$0x2A00] =	vst v63  }
0x60: {  	_ =	swait.ge [sflag:s9], $0x80  }
0x61: {  	[sflag:s9] =	ssyncset.done $0x0  }
0x62: {  	s18 =	sadd.s32 s15, s6;
	[sflag:s9] =	ssyncadd.s32 $0xFFFFFF80  }
0x63: {  	[tilespmem:s12], [sflag:$0x1] =	stream.linear.gather [hbm4b:s18+s2], $0x80, $0x38;
	[tilespmem:$0x2A00] =	vst v63  }
0x64: {  	_ =	swait.ge [sflag:s9], $0x80  }
0x65: {  	[sflag:s9] =	ssyncset.done $0x0  }
0x66: {  	[sflag:s9] =	ssyncadd.s32 $0xFFFFFF80  }
0x67: {  	v0 =	vld [tilespmem:$0x2800]  }
0x68: {  	v1 =	vld [tilespmem:$0x2880];
	_ =	sdelay $0x6  }
0x69: {  	v0 =	vld.idx.msk [tilespmem:v0+s2+$0x0], $0xffff  }
0x6a: {  	v2 =	vld [tilespmem:$0x2900]  }
0x6b: {  	v1 =	vld.idx.msk [tilespmem:v1+s2+$0x0], $0xffff  }
0x6c: {  	v3 =	vld [tilespmem:$0x2810];
	_ =	sdelay $0x1  }
0x6d: {  	v4 =	vld [tilespmem:$0x2890]  }
0x6e: {  	v0 =	vmul.f32 v2, v0;
	_ =	sdelay $0x1  }
0x6f: {  	v0 =	vmul.f32 v1, v0;
	_ =	sdelay $0x1  }
0x70: {  	[tilespmem:$0x2980] =	vst v0  }
0x71: {  	v0 =	vld.idx.msk [tilespmem:v3+s2+$0x0], $0xffff  }
0x72: {  	v1 =	vld [tilespmem:$0x2910]  }
0x73: {  	v2 =	vld.idx.msk [tilespmem:v4+s2+$0x0], $0xffff  }
0x74: {  	v3 =	vld [tilespmem:$0x2820];
	_ =	sdelay $0x1  }
0x75: {  	v4 =	vld [tilespmem:$0x28A0]  }
0x76: {  	v0 =	vmul.f32 v1, v0;
	_ =	sdelay $0x1  }
0x77: {  	v0 =	vmul.f32 v2, v0;
	_ =	sdelay $0x1  }
0x78: {  	[tilespmem:$0x2990] =	vst v0  }
0x79: {  	v0 =	vld.idx.msk [tilespmem:v3+s2+$0x0], $0xffff  }
0x7a: {  	v1 =	vld [tilespmem:$0x2920]  }
0x7b: {  	v2 =	vld.idx.msk [tilespmem:v4+s2+$0x0], $0xffff  }
0x7c: {  	v3 =	vld [tilespmem:$0x2830];
	_ =	sdelay $0x1  }
0x7d: {  	v4 =	vld [tilespmem:$0x28B0]  }
0x7e: {  	v0 =	vmul.f32 v1, v0;
	_ =	sdelay $0x1  }
0x7f: {  	v0 =	vmul.f32 v2, v0;
	_ =	sdelay $0x1  }
0x80: {  	[tilespmem:$0x29A0] =	vst v0  }
0x81: {  	v0 =	vld.idx.msk [tilespmem:v3+s2+$0x0], $0xffff  }
0x82: {  	v1 =	vld [tilespmem:$0x2930]  }
0x83: {  	v2 =	vld.idx.msk [tilespmem:v4+s2+$0x0], $0xffff  }
0x84: {  	v3 =	vld [tilespmem:$0x2840];
	_ =	sdelay $0x1  }
0x85: {  	v4 =	vld [tilespmem:$0x28C0]  }
0x86: {  	v0 =	vmul.f32 v1, v0;
	_ =	sdelay $0x1  }
0x87: {  	v0 =	vmul.f32 v2, v0;
	_ =	sdelay $0x1  }
0x88: {  	[tilespmem:$0x29B0] =	vst v0  }
0x89: {  	v0 =	vld.idx.msk [tilespmem:v3+s2+$0x0], $0xffff  }
0x8a: {  	v1 =	vld [tilespmem:$0x2940]  }
0x8b: {  	v2 =	vld.idx.msk [tilespmem:v4+s2+$0x0], $0xffff  }
0x8c: {  	v3 =	vld [tilespmem:$0x2850]  }
0x8d: {  	v4 =	vld [tilespmem:$0x28D0];
	_ =	sdelay $0x1  }
0x8e: {  	v0 =	vmul.f32 v1, v0;
	_ =	sdelay $0x1  }
0x8f: {  	v0 =	vmul.f32 v2, v0;
	_ =	sdelay $0x1  }
0x90: {  	[tilespmem:$0x29C0] =	vst v0;
	v0 =	vld [tilespmem:$0x2950]  }
0x91: {  	v1 =	vld.idx.msk [tilespmem:v3+s2+$0x0], $0xffff  }
0x92: {  	v2 =	vld.idx.msk [tilespmem:v4+s2+$0x0], $0xffff;
	_ =	sdelay $0x1  }
0x93: {  	v3 =	vld [tilespmem:$0x2860]  }
0x94: {  	v4 =	vld [tilespmem:$0x28E0];
	_ =	sdelay $0x1  }
0x95: {  	v0 =	vmul.f32 v0, v1;
	_ =	sdelay $0x1  }
0x96: {  	v0 =	vmul.f32 v2, v0;
	_ =	sdelay $0x1  }
0x97: {  	[tilespmem:$0x29D0] =	vst v0;
	v0 =	vld [tilespmem:$0x2960]  }
0x98: {  	v1 =	vld.idx.msk [tilespmem:v3+s2+$0x0], $0xffff  }
0x99: {  	v2 =	vld.idx.msk [tilespmem:v4+s2+$0x0], $0xffff;
	_ =	sdelay $0x1  }
0x9a: {  	v3 =	vld [tilespmem:$0x2870]  }
0x9b: {  	v4 =	vld [tilespmem:$0x28F0];
	_ =	sdelay $0x1  }
0x9c: {  	v0 =	vmul.f32 v0, v1;
	_ =	sdelay $0x1  }
0x9d: {  	v0 =	vmul.f32 v2, v0;
	_ =	sdelay $0x1  }
0x9e: {  	[tilespmem:$0x29E0] =	vst v0;
	v0 =	vld [tilespmem:$0x2970]  }
0x9f: {  	v1 =	vld.idx.msk [tilespmem:v3+s2+$0x0], $0xffff  }
0xa0: {  	v2 =	vld.idx.msk [tilespmem:v4+s2+$0x0], $0xffff;
	_ =	sdelay $0x4  }
0xa1: {  	v0 =	vmul.f32 v0, v1;
	_ =	sdelay $0x1  }
0xa2: {  	v0 =	vmul.f32 v2, v0  }
.Ltmp0:
0xa3: {  	(pc) =	sbr.rel @p0 .LBB2_2-.Ltmp0, $4  }
0xa4: {  	s18 =	sadd.s32 s15, s5;
	s15 =	smov.u32 s17;
	[tilespmem:$0x29F0] =	vst v0  }
0xa5: {  	[hbm4b:s18+s2] =	stream.linear.scatter [tilespmem:s13], [sflag:$0x1], $0x80, $0x38;
	[tilespmem:$0x2A00] =	vst v63  }
0xa6: {  	_ =	swait.ge [sflag:s9], $0x80  }
0xa7: {  	s18 =	smov.u32 s16;
	[sflag:s9] =	ssyncset.done $0x0  }
0xa8: {  	s16 =	sadd.s32 s15, s8;
	[sflag:s9] =	ssyncadd.s32 $0xFFFFFF80  }
0xa9: {  	[tilespmem:s10], [sflag:$0x1] =	stream.linear.gather [hbm4b:s16+s2], $0x80, $0x38;
	[tilespmem:$0x2A00] =	vst v63  }
0xaa: {  	_ =	swait.ge [sflag:s9], $0x80  }
0xab: {  	[sflag:s9] =	ssyncset.done $0x0  }
0xac: {  	s29 =	sadd.s32 s15, s7;
	[sflag:s9] =	ssyncadd.s32 $0xFFFFFF80  }
0xad: {  	[tilespmem:s11], [sflag:$0x1] =	stream.linear.gather [hbm4b:s29+s2], $0x80, $0x38;
	[tilespmem:$0x2A00] =	vst v63  }
0xae: {  	_ =	swait.ge [sflag:s9], $0x80  }
0xaf: {  	[sflag:s9] =	ssyncset.done $0x0  }
0xb0: {  	s30 =	sadd.s32 s15, s6;
	[sflag:s9] =	ssyncadd.s32 $0xFFFFFF80  }
0xb1: {  	[tilespmem:s12], [sflag:$0x1] =	stream.linear.gather [hbm4b:s30+s2], $0x80, $0x38;
	[tilespmem:$0x2A00] =	vst v63  }
0xb2: {  	_ =	swait.ge [sflag:s9], $0x80  }
0xb3: {  	[sflag:s9] =	ssyncset.done $0x0  }
0xb4: {  	[sflag:s9] =	ssyncadd.s32 $0xFFFFFF80  }
0xb5: {  	v0 =	vld [tilespmem:$0x2800];
	_ =	sdelay $0x1  }
0xb6: {  	v1 =	vld [tilespmem:$0x2880];
	_ =	sdelay $0x4  }
0xb7: {  	v2 =	vld [tilespmem:$0x2900]  }
0xb8: {  	v0 =	vld.idx.msk [tilespmem:v0+s2+$0x0], $0xffff  }
0xb9: {  	v3 =	vld [tilespmem:$0x2810]  }
0xba: {  	v1 =	vld.idx.msk [tilespmem:v1+s2+$0x0], $0xffff;
	_ =	sdelay $0x1  }
0xbb: {  	v4 =	vld [tilespmem:$0x2890]  }
0xbc: {  	v0 =	vmul.f32 v2, v0;
	_ =	sdelay $0x1  }
0xbd: {  	v0 =	vmul.f32 v1, v0;
	_ =	sdelay $0x1  }
0xbe: {  	v35 =	vld [tilespmem:$0x2910];
	[tilespmem:$0x2980] =	vst v0  }
0xbf: {  	v0 =	vld.idx.msk [tilespmem:v3+s2+$0x0], $0xffff  }
0xc0: {  	v37 =	vld [tilespmem:$0x2820]  }
0xc1: {  	v36 =	vld.idx.msk [tilespmem:v4+s2+$0x0], $0xffff;
	_ =	sdelay $0x1  }
0xc2: {  	v38 =	vld [tilespmem:$0x28A0]  }
0xc3: {  	v0 =	vmul.f32 v35, v0;
	_ =	sdelay $0x1  }
0xc4: {  	v0 =	vmul.f32 v36, v0;
	_ =	sdelay $0x1  }
0xc5: {  	v39 =	vld [tilespmem:$0x2920];
	[tilespmem:$0x2990] =	vst v0  }
0xc6: {  	v0 =	vld.idx.msk [tilespmem:v37+s2+$0x0], $0xffff  }
0xc7: {  	v41 =	vld [tilespmem:$0x2830]  }
0xc8: {  	v40 =	vld.idx.msk [tilespmem:v38+s2+$0x0], $0xffff;
	_ =	sdelay $0x1  }
0xc9: {  	v42 =	vld [tilespmem:$0x28B0]  }
0xca: {  	v0 =	vmul.f32 v39, v0;
	_ =	sdelay $0x1  }
0xcb: {  	v0 =	vmul.f32 v40, v0;
	_ =	sdelay $0x1  }
0xcc: {  	v43 =	vld [tilespmem:$0x2930];
	[tilespmem:$0x29A0] =	vst v0  }
0xcd: {  	v0 =	vld.idx.msk [tilespmem:v41+s2+$0x0], $0xffff  }
0xce: {  	v45 =	vld [tilespmem:$0x2840]  }
0xcf: {  	v44 =	vld.idx.msk [tilespmem:v42+s2+$0x0], $0xffff;
	_ =	sdelay $0x1  }
0xd0: {  	v46 =	vld [tilespmem:$0x28C0]  }
0xd1: {  	v0 =	vmul.f32 v43, v0;
	_ =	sdelay $0x1  }
0xd2: {  	v0 =	vmul.f32 v44, v0;
	_ =	sdelay $0x1  }
0xd3: {  	v47 =	vld [tilespmem:$0x2940];
	[tilespmem:$0x29B0] =	vst v0  }
0xd4: {  	v0 =	vld.idx.msk [tilespmem:v45+s2+$0x0], $0xffff  }
0xd5: {  	v49 =	vld [tilespmem:$0x2850]  }
0xd6: {  	v48 =	vld.idx.msk [tilespmem:v46+s2+$0x0], $0xffff;
	_ =	sdelay $0x1  }
0xd7: {  	v50 =	vld [tilespmem:$0x28D0]  }
0xd8: {  	v0 =	vmul.f32 v47, v0;
	_ =	sdelay $0x1  }
0xd9: {  	v0 =	vmul.f32 v48, v0;
	_ =	sdelay $0x1  }
0xda: {  	v51 =	vld [tilespmem:$0x2950];
	[tilespmem:$0x29C0] =	vst v0  }
0xdb: {  	v52 =	vld.idx.msk [tilespmem:v49+s2+$0x0], $0xffff  }
0xdc: {  	v54 =	vld [tilespmem:$0x2860]  }
0xdd: {  	v53 =	vld.idx.msk [tilespmem:v50+s2+$0x0], $0xffff;
	_ =	sdelay $0x1  }
0xde: {  	v55 =	vld [tilespmem:$0x28E0]  }
0xdf: {  	v0 =	vmul.f32 v51, v52;
	_ =	sdelay $0x1  }
0xe0: {  	v0 =	vmul.f32 v53, v0;
	_ =	sdelay $0x1  }
0xe1: {  	v56 =	vld [tilespmem:$0x2960];
	[tilespmem:$0x29D0] =	vst v0  }
0xe2: {  	v57 =	vld.idx.msk [tilespmem:v54+s2+$0x0], $0xffff  }
0xe3: {  	v59 =	vld [tilespmem:$0x2870]  }
0xe4: {  	v58 =	vld.idx.msk [tilespmem:v55+s2+$0x0], $0xffff;
	_ =	sdelay $0x1  }
0xe5: {  	v60 =	vld [tilespmem:$0x28F0]  }
0xe6: {  	v0 =	vmul.f32 v56, v57;
	_ =	sdelay $0x1  }
0xe7: {  	v0 =	vmul.f32 v58, v0;
	_ =	sdelay $0x1  }
0xe8: {  	v61 =	vld [tilespmem:$0x2970];
	[tilespmem:$0x29E0] =	vst v0  }
0xe9: {  	v62 =	vld.idx.msk [tilespmem:v59+s2+$0x0], $0xffff;
	_ =	sdelay $0x1  }
0xea: {  	v63 =	vld.idx.msk [tilespmem:v60+s2+$0x0], $0xffff;
	_ =	sdelay $0x2  }
0xeb: {  	v0 =	vmul.f32 v61, v62;
	_ =	sdelay $0x1  }
0xec: {  	s14 =	sadd.s32 $0x1, s14;
	v0 =	vmul.f32 v63, v0  }
0xed: {  	p0 =	sne.s32 s14, s4  }
.Ltmp1:
0xee: {  	s31 =	sadd.s32 s15, s5;
	[tilespmem:$0x29F0] =	vst v0;
	(pc) =	sbr.rel @p0 .LBB2_1-.Ltmp1, $4  }
0xef: {  	[hbm4b:s31+s2] =	stream.linear.scatter [tilespmem:s13], [sflag:$0x1], $0x80, $0x38;
	[tilespmem:$0x2A00] =	vst v63  }
0xf0: {  	_ =	swait.ge [sflag:s9], $0x80  }
0xf1: {  	[sflag:s9] =	ssyncset.done $0x0  }
0xf2: {  	[sflag:s9] =	ssyncadd.s32 $0xFFFFFF80  }
0xf3: {  	_ =	sfence.sel $0x180000  }
0xf4: {  	[bflag:$0x0] =	sbarrier.arrive $0xFFFF  }
0xf5: {  	p0 =	sne.s32 s1, $0x0;
	_ =	strace $0x9000004A  }
0xf6: {  	s0 =	sadd.s32 @!p0 $0x100000, s0;
	[bflag:$0x2] =	sbarrier.arrive $0xFFFF  }
0xf7: {  	[sflag:s0] =	ssyncadd.tile.s32 @!p0 $0x1;
	_ =	shalt  }
.Lfunc_end2:
_tile_overlayer_lowered:
.L_overlay_start_2:
0xf8: {  	(tag) =	ssettag $0x2  }
0xf9: {  	s0 =	rddreg [dreg:$0x0];
	s2 =	stileid.u32  }
0xfa: {  	s1 =	rddreg [dreg:$0x1];
	p0 =	sne.s32 s2, $0x0  }
0xfb: {  	s3 =	rddreg [dreg:$0x2];
	[bflag:$0x3] =	sbarrier.arrive $0xFFFF;
	s2 =	simm.s32 @!p0 $0x1C01  }
0xfc: {  	[timem:s3], [sflag:s2] =	dma.local @!p0 [hbm:s0], s1  }
0xfd: {  	s0 =	simm.s32 @!p0 $0x1  }
0xfe: {  	_ =	swait.ge @!p0 [sflag:s0], s1  }
0xff: {  	s1 =	ssub.s32 @!p0 $0x0, s1;
	[sflag:s0] =	ssyncset.done @!p0 $0x0  }
0x100: {  	[sflag:s0] =	ssyncadd.s32 @!p0 s1  }
0x101: {  	[bflag:$0x3] =	sbarrier.arrive $0xFFFF  }
0x102: {  	_ =	shalt  }

// kernel: kernel.14.cloned.1.call-start
scs
__scs_entry_jumppad:
0x0: {  	(pc) =	sbr.rel $0x88, $3  }
0x1: {  	(tag) =	ssettag $0x0;
	lr =	simm.s32 $0x1  }
0x2: {  	[smem:$0x3F94] =	sst lr;
	_ =	strace $0xD0000000  }
0x3: {  	_ = 	snop  }
0x4: {  	_ = 	snop  }
0x5: {  	_ = 	snop  }
0x6: {  	_ = 	snop  }
0x7: {  	_ = 	snop  }
__scs_overlays_trampoline_lowered:
0x8: {  	[smem:$0x3FA3] =	sst s0  }
0x9: {  	[smem:$0x3FA4] =	sst s1  }
0xa: {  	[smem:$0x3FA5] =	sst s2  }
0xb: {  	[smem:$0x3FA6] =	sst s3  }
0xc: {  	[smem:$0x3FA7] =	sst s4  }
0xd: {  	[smem:$0x3FA8] =	sst s5  }
0xe: {  	[smem:$0x3FA9] =	sst s6  }
0xf: {  	[smem:$0x3FAA] =	sst s7  }
0x10: {  	[smem:$0x3FAB] =	sst s8  }
0x11: {  	[smem:$0x3FAC] =	sst s9;
	s0 =	simm.s32 @!p0 $0x0  }
0x12: {  	s1 =	sld [smem:$0x3F92];
	s0 =	simm.s32 @p0 $0x1  }
0x13: {  	[smem:$0x3FAD] =	sst s0;
	s0 =	simm.s32 @!p1 $0x0  }
0x14: {  	s2 =	sld [smem:$0x3F91];
	s0 =	simm.s32 @p1 $0x1  }
0x15: {  	[smem:$0x3FAE] =	sst s0;
	s0 =	simm.s32 @!p2 $0x0  }
0x16: {  	s3 =	sld [smem:$0x3FDB];
	s0 =	simm.s32 @p2 $0x1  }
0x17: {  	s4 =	simm.s32 $0x1BF5;
	[smem:$0x3FB0] =	sst s0  }
0x18: {  	s0 =	sld [smem:$0x3F93];
	_ =	swait.ge [sflag:s4], $0x0  }
0x19: {  	s7 =	sld [smem:$0x3F94]  }
0x1a: {  	s8 =	sadd.s32 $0xFFFFE003, lr  }
0x1b: {  	s9 =	sadd.s32 $0xFFFFFEF7, lr;
	s5 =	simm.s32 $0xFFFFFFFF;
	p2 =	slt.u32 s8, $0xFFFFF086  }
0x1c: {  	p1 =	slt.u32 s9, $0xF7A;
	s5 =	simm.s32 @!p2 $0x0  }
0x1d: {  	s5 =	simm.s32 @p1 $0x1;
	p0 =	seq.s32 s7, s2  }
0x1e: {  	s7 =	smul.u32 @!p0 $0xF7A, s2;
	p2 =	seq.s32 @!p0 s5, $0x0  }
0x1f: {  	s9 =	smul.u32 $0xF7A, s1;
	s8 =	simm.s32 @!p0 $0x1BF5;
	p2 =	por !p2, p0  }
0x20: {  	[sflag:s8] =	ssyncset.s32 @!p0 $0xFFFFF086;
	s6 =	sadd.s32 @!p0 s3, s7;
	s7 =	simm.s32 @!p0 $0x108  }
0x21: {  	s3 =	sadd.s32 s3, s9;
	s6 =	sadd.s32 @!p0 $0x88, s6;
	s7 =	simm.s32 @p2 $0x1082  }
0x22: {  	[simem:s7], [sflag:s8] =	dma.local @!p0 [hbm:s6], $0xF7A  }
0x23: {  	s9 =	sor.u32 $0xD0000000, s2;
	s6 =	simm.s32 $0x108;
	_ =	swait.ge @!p0 [sflag:s8], $0x0  }
0x24: {  	s3 =	sadd.s32 $0x88, s3;
	s6 =	simm.s32 @!p1 $0x1082;
	[sflag:s4] =	ssyncset.s32 $0xFFFFF086  }
0x25: {  	[simem:s6], [sflag:s4] =	dma.local [hbm:s3], $0xF7A  }
0x26: {  	[smem:$0x3F94] =	sst s1;
	(tag) =	ssettag s2;
	_ =	strace s9  }
0x27: {  	s1 =	sld [smem:$0x3FA4]  }
0x28: {  	s2 =	sld [smem:$0x3FA5]  }
0x29: {  	s4 =	sld [smem:$0x3FA7]  }
0x2a: {  	p0 =	seq.s32 s5, $0x0;
	s5 =	sld [smem:$0x3FA8]  }
0x2b: {  	s6 =	sld [smem:$0x3FA9]  }
0x2c: {  	s7 =	sld [smem:$0x3FAA]  }
0x2d: {  	s3 =	simm.s32 $0x108;
	s8 =	sld [smem:$0x3FAB]  }
0x2e: {  	s3 =	simm.s32 @!p0 $0x1082;
	s9 =	sld [smem:$0x3FAC]  }
0x2f: {  	lr =	sadd.s32 s0, s3;
	s0 =	sld [smem:$0x3FA3]  }
0x30: {  	s3 =	sld [smem:$0x3FA6]  }
0x31: {  	[smem:$0x3FAF] =	sst s10  }
0x32: {  	s10 =	sld [smem:$0x3FAD];
	_ =	sdelay $0x3  }
0x33: {  	p0 =	seq.s32 s10, $0x1;
	s10 =	sld [smem:$0x3FAF];
	_ =	sdelay $0x3  }
0x34: {  	[smem:$0x3FAF] =	sst s10  }
0x35: {  	s10 =	sld [smem:$0x3FAE];
	_ =	sdelay $0x3  }
0x36: {  	p1 =	seq.s32 s10, $0x1;
	s10 =	sld [smem:$0x3FAF];
	_ =	sdelay $0x3  }
0x37: {  	[smem:$0x3FAF] =	sst s10  }
0x38: {  	s10 =	sld [smem:$0x3FB0]  }
0x39: {  	_ = 	snop;
	(pc) =	sbr.ind lr, $3  }
0x3a: {  	_ = 	snop  }
0x3b: {  	_ = 	snop  }
0x3c: {  	p2 =	seq.s32 s10, $0x1;
	s10 =	sld [smem:$0x3FAF]  }
0x3d: {  	_ =	shalt  }
0x3e: {  	_ =	shalt  }
0x3f: {  	_ =	shalt  }
0x40: {  	_ =	shalt  }
0x41: {  	_ =	shalt  }
0x42: {  	_ =	shalt  }
0x43: {  	_ =	shalt  }
0x44: {  	_ =	shalt  }
0x45: {  	_ =	shalt  }
0x46: {  	_ =	shalt  }
0x47: {  	_ =	shalt  }
0x48: {  	_ =	shalt  }
0x49: {  	_ =	shalt  }
0x4a: {  	_ =	shalt  }
0x4b: {  	_ =	shalt  }
0x4c: {  	_ =	shalt  }
0x4d: {  	_ =	shalt  }
0x4e: {  	_ =	shalt  }
0x4f: {  	_ =	shalt  }
0x50: {  	_ =	shalt  }
0x51: {  	_ =	shalt  }
0x52: {  	_ =	shalt  }
0x53: {  	_ =	shalt  }
0x54: {  	_ =	shalt  }
0x55: {  	_ =	shalt  }
0x56: {  	_ =	shalt  }
0x57: {  	_ =	shalt  }
0x58: {  	_ =	shalt  }
0x59: {  	_ =	shalt  }
0x5a: {  	_ =	shalt  }
0x5b: {  	_ =	shalt  }
0x5c: {  	_ =	shalt  }
0x5d: {  	_ =	shalt  }
0x5e: {  	_ =	shalt  }
0x5f: {  	_ =	shalt  }
0x60: {  	_ =	shalt  }
0x61: {  	_ =	shalt  }
0x62: {  	_ =	shalt  }
0x63: {  	_ =	shalt  }
0x64: {  	_ =	shalt  }
0x65: {  	_ =	shalt  }
0x66: {  	_ =	shalt  }
0x67: {  	_ =	shalt  }
0x68: {  	_ =	shalt  }
0x69: {  	_ =	shalt  }
0x6a: {  	_ =	shalt  }
0x6b: {  	_ =	shalt  }
0x6c: {  	_ =	shalt  }
0x6d: {  	_ =	shalt  }
0x6e: {  	_ =	shalt  }
0x6f: {  	_ =	shalt  }
0x70: {  	_ =	shalt  }
0x71: {  	_ =	shalt  }
0x72: {  	_ =	shalt  }
0x73: {  	_ =	shalt  }
0x74: {  	_ =	shalt  }
0x75: {  	_ =	shalt  }
0x76: {  	_ =	shalt  }
0x77: {  	_ =	shalt  }
0x78: {  	_ =	shalt  }
0x79: {  	_ =	shalt  }
0x7a: {  	_ =	shalt  }
0x7b: {  	_ =	shalt  }
0x7c: {  	_ =	shalt  }
0x7d: {  	_ =	shalt  }
0x7e: {  	_ =	shalt  }
0x7f: {  	_ =	shalt  }
0x80: {  	_ =	shalt  }
0x81: {  	_ =	shalt  }
0x82: {  	_ =	shalt  }
0x83: {  	_ =	shalt  }
0x84: {  	_ =	shalt  }
0x85: {  	_ =	shalt  }
0x86: {  	_ =	shalt  }
0x87: {  	_ =	shalt  }
.Lfunc_end0:
.L_simem_size_0:
called_computation.2_lowered:
.L_overlay_start_0:
0x88: {  	s2 =	sld [smem:$0x3FD9]  }
0x89: {  	s3 =	sld [smem:$0x3FFE];
	_ =	sdelay $0x1  }
0x8a: {  	s1 =	srdreg.scid  }
0x8b: {  	s0 =	sand.u32 $0x1, s1  }
0x8c: {  	s17 =	sshll.u32 s0, $0xA;
	s2 =	sadd.s32 s3, s2  }
0x8d: {  	s2 =	sadd.s32 s2, s17  }
0x8e: {  	[smem:$0x3FBB] =	sst s2  }
0x8f: {  	_ = 	snop  }
0x90: {  	s2 =	sld [smem:$0x3FD0];
	(tm) =	ssettm $0x1  }
0x91: {  	s18 =	sld [smem:$0x3FFB];
	_ =	sdelay $0x3  }
0x92: {  	_ =	strace s18  }
0x93: {  	s3 =	sld [smem:$0x3FFC];
	_ =	sdelay $0x3  }
0x94: {  	_ =	strace s3  }
0x95: {  	s3 =	sld [smem:$0x3FFD];
	_ =	sdelay $0x3  }
0x96: {  	_ =	strace s3  }
0x97: {  	_ =	strace $0x8FFFFFFF  }
0x98: {  	s19 =	sld [smem:$0x3FDB];
	_ =	sdelay $0x1  }
0x99: {  	s4 =	simm.s32 $_scs_section_size  }
0x9a: {  	s5 =	simm.s32 $_size__tile_overlayer_lowered;
	s6 =	simm.s32 $_tile_overlayer_lowered  }
0x9b: {  	s22 =	simm.s32 $0x1BFF;
	s21 =	sshll.u32 s6, $0x1;
	s3 =	sadd.s32 s4, s19  }
0x9c: {  	s7 =	simm.s32 $0x0;
	s20 =	sshll.u32 s5, $0x1;
	s5 =	sadd.s32 s21, s3  }
0x9d: {  	[timem:s7], [sflag:s22] =	dma.local [hbm:s5], s20  }
0x9e: {  	_ =	swait.ge [sflag:s22], s20  }
0x9f: {  	s4 =	ssub.s32 $0x0, s20;
	[sflag:s22] =	ssyncset.done $0x0  }
0xa0: {  	[sflag:s22] =	ssyncadd.s32 s4;
	_ =	sdelay $0x1  }
0xa1: {  	s23 =	simm.s32 $0x1B8B  }
0xa2: {  	_ =	swait.ge [sflag:s23], $0x1  }
0xa3: {  	[sflag:s23] =	ssyncset.done $0x0  }
0xa4: {  	s25 =	simm.s32 $0x1B8E;
	s24 =	sld [smem:$0x3FFE];
	[sflag:s23] =	ssyncadd.s32 $0xFFFFFFFF  }
0xa5: {  	s26 =	simm.s32 $execute0_lowered;
	[smem:$0x3FD2] =	sst s25  }
0xa6: {  	s5 =	sshll.u32 s26, $0x1;
	_ =	strace $0x8000004C;
	[dreg:$0x1] =	wrdreg $0xFFFFFFFF  }
0xa7: {  	s28 =	simm.s32 $_size_execute0_lowered;
	s3 =	sadd.s32 s3, s5;
	[dreg:$0x0] =	wrdreg $0x0  }
0xa8: {  	s5 =	sshll.u32 s28, $0x1;
	[dreg:$0x2] =	wrdreg s3  }
0xa9: {  	[dreg:$0x3] =	wrdreg s5  }
0xaa: {  	[dreg:$0x4] =	wrdreg $0xC0  }
0xab: {  	_ =	task [dreg:s7], $0x5FFFF  }
0xac: {  	[dreg:$0x1] =	wrdreg $0xFFFFFFFF  }
0xad: {  	[dreg:$0x0] =	wrdreg $0x60  }
0xae: {  	[dreg:$0x2] =	wrdreg s24  }
0xaf: {  	[dreg:$0x3] =	wrdreg s2  }
0xb0: {  	[dreg:$0x4] =	wrdreg $0x42000  }
0xb1: {  	[dreg:$0x5] =	wrdreg $0x9  }
0xb2: {  	_ =	task.clear_ibuf [dreg:s7], $0x6FFFF;
	_ =	strace $0x9000004C  }
0xb3: {  	s29 =	simm.s32 $0x9;
	_ =	strace $0x8000004E  }
0xb4: {  	_ =	swait.ge [sflag:s29], $0x1  }
0xb5: {  	[sflag:s29] =	ssyncadd.s32 $0xFFFFFFFF  }
0xb6: {  	_ =	strace $0x9000004E  }
0xb7: {  	_ =	sfence  }
0xb8: {  	s30 =	sld [smem:$0x0];
	_ =	sdelay $0x2  }
0xb9: {  	s31 =	sshll.u32 s1, $0xD;
	s1 =	sshrl.u32 s1, $0x2  }
0xba: {  	s3 =	sand.u32 $0x4000, s31;
	s1 =	sadd.s32 s1, s30  }
0xbb: {  	s0 =	sor.u32 s3, s0;
	s1 =	sshll.u32 s1, $0x11  }
0xbc: {  	s0 =	sor.u32 s1, s0  }
0xbd: {  	s0 =	sadd.s32 $0x8F2B, s0  }
0xbe: {  	[sflag:s0] =	ssyncadd.remote.s32 $0x1  }
0xbf: {  	_ =	sfence.sel $0xFFFF  }
0xc0: {  	[dreg:$0x0] =	wrdreg $0xFFFFFFFF;
	(pc) =	sbr.abs _section_cstart, $3  }
0xc1: {  	[dreg:$0x1] =	wrdreg $0xFFFFFFFF  }
0xc2: {  	_ =	task.clear_ibuf [dreg:s7], $0x2FFFF;
	_ =	strace $0x9FFFFFFF  }
0xc3: {  	(tm) =	ssettm $0x7FFFFFFF  }
tec
execute0_lowered:
.L_overlay_start_1:
0x0: {  	(tag) =	ssettag $0x1  }
0x1: {  	s0 =	rddreg [dreg:$0x0]  }
0x2: {  	s1 =	rddreg [dreg:$0x1]  }
0x3: {  	s2 =	rddreg [dreg:$0x2]  }
0x4: {  	s4 =	simm.s32 $0x0;
	s3 =	srdreg.scid;
	s12 =	stileid.u32  }
0x5: {  	s28 =	simm.s32 $0x180;
	s29 =	simm.s32 $0x80;
	s30 =	simm.s32 $0x1  }
0x6: {  	s31 =	simm.s32 $0x0;
	[smem:$0x7FF] =	sst s4;
	s5 =	sadd.s32 $0x49E00, s0  }
0x7: {  	s3 =	sand.u32 $0x1, s3;
	s8 =	smul.u32 $0x50000, s12;
	s6 =	sadd.s32 $0x3E00, s0  }
0x8: {  	s7 =	sadd.s32 $0x40000, s0;
	s0 =	sadd.s32 $0x71E00, s0;
	s26 =	smul.u32 $0x14000, s12  }
0x9: {  	s20 =	sshll.u32 s12, $0x1;
	s9 =	ssub.s32 $0x2, s3;
	s8 =	sshrl.u32 s8, $0x2  }
0xa: {  	_ =	strace $0x8000004D;
	s10 =	sshrl.u32 s9, $0x1;
	s8 =	sadd.s32 s8, s2  }
0xb: {  	s16 =	sadd.s32 $0x4000, s26;
	s23 =	sadd.s32 $0x8000, s26;
	s11 =	sadd.s32 $0x4000, s8  }
0xc: {  	s24 =	sadd.s32 $0xC000, s26;
	s25 =	sadd.s32 $0x8000, s8;
	[dreg:$0x4] =	wrdreg s11  }
0xd: {  	s9 =	ssub.s32 s9, s10;
	s13 =	sadd.s32 $0xC000, s8;
	[dreg:$0x5] =	wrdreg s25  }
0xe: {  	s10 =	smul.u32 $0x140000, s3;
	s19 =	sadd.s32 $0x10000, s8;
	[dreg:$0x6] =	wrdreg s13  }
0xf: {  	s3 =	sor.u32 s3, s20;
	s18 =	sadd.s32 s23, s2;
	[dreg:$0x7] =	wrdreg s19  }
0x10: {  	s14 =	sadd.s32 s10, s26;
	s13 =	smul.u32 $0x4F, s3;
	s17 =	sadd.s32 s10, s16  }
0x11: {  	s16 =	sadd.s32 s16, s2;
	s3 =	sadd.s32 s10, s23;
	s20 =	sadd.s32 s10, s24  }
0x12: {  	s11 =	sadd.s32 $0x10000, s26;
	s21 =	sshrl.u32 s14, $0x3;
	s14 =	smax.u32 s9, $0x1  }
0x13: {  	s22 =	sshrl.u32 s17, $0x3;
	s3 =	sshrl.u32 s3, $0x3;
	s25 =	sshrl.u32 s20, $0x3  }
0x14: {  	s10 =	sadd.s32 s10, s11;
	s20 =	sadd.s32 s24, s2;
	s24 =	simm.s32 $0x200  }
0x15: {  	s15 =	sadd.s32 s0, s21;
	s17 =	sadd.s32 s0, s22;
	s19 =	sadd.s32 s0, s3  }
0x16: {  	s21 =	sadd.s32 s0, s25;
	s26 =	sshrl.u32 s10, $0x3;
	s22 =	sadd.s32 s11, s2  }
0x17: {  	v0 =	vimm.f32 $0.0e+00;
	s25 =	simm.s32 $0x2;
	s23 =	sadd.s32 s0, s26;
	s26 =	simm.s32 $0x100  }
.LBB2_1:
0x18: {  	s0 =	simm.s32 $0x0;
	s3 =	simm.s32 $0x200  }
.LBB2_2:
0x19: {  	p0 =	sne.s32 s3, $0xFE00;
	[tilespmem:s0+$0x270] =	vst v0  }
0x1a: {  	[tilespmem:s0+$0x200] =	vst v0  }
0x1b: {  	[tilespmem:s0+$0x210] =	vst v0  }
.Ltmp0:
0x1c: {  	[tilespmem:s0+$0x220] =	vst v0;
	(pc) =	sbr.rel @p0 .LBB2_2-.Ltmp0, $4  }
0x1d: {  	[tilespmem:s0+$0x230] =	vst v0  }
0x1e: {  	[tilespmem:s0+$0x240] =	vst v0  }
0x1f: {  	[tilespmem:s0+$0x250] =	vst v0  }
0x20: {  	[tilespmem:s0+$0x260] =	vst v0;
	s0 =	sshra.s32 s3, $0x2;
	s3 =	sadd.s32 $0x200, s3  }
0x21: {  	[tilespmem:s0+$0x270] =	vst v0  }
0x22: {  	[tilespmem:s0+$0x200] =	vst v0  }
0x23: {  	[tilespmem:s0+$0x210] =	vst v0  }
0x24: {  	[tilespmem:s0+$0x220] =	vst v0  }
0x25: {  	[tilespmem:s0+$0x230] =	vst v0  }
0x26: {  	[tilespmem:s0+$0x240] =	vst v0  }
0x27: {  	[tilespmem:s0+$0x250] =	vst v0  }
0x28: {  	[tilespmem:s0+$0x260] =	vst v0  }
0x29: {  	[spmem:s8] =	stream.linear.scatter [tilespmem:s24], [sflag:$0x2], $0x4000, $0x38;
	[tilespmem:$0x18200] =	vst v63  }
0x2a: {  	_ =	swait.ge [sflag:s25], $0x4000  }
0x2b: {  	[sflag:s25] =	ssyncset.done $0x0  }
0x2c: {  	s9 =	rddreg [dreg:$0x4];
	[sflag:s25] =	ssyncadd.s32 $0xFFFFC000  }
0x2d: {  	[spmem:s9] =	stream.linear.scatter [tilespmem:s24], [sflag:$0x2], $0x4000, $0x38;
	[tilespmem:$0x18200] =	vst v63  }
0x2e: {  	_ =	swait.ge [sflag:s25], $0x4000  }
0x2f: {  	[sflag:s25] =	ssyncset.done $0x0  }
0x30: {  	s10 =	rddreg [dreg:$0x5];
	[sflag:s25] =	ssyncadd.s32 $0xFFFFC000  }
0x31: {  	[spmem:s10] =	stream.linear.scatter [tilespmem:s24], [sflag:$0x2], $0x4000, $0x38;
	[tilespmem:$0x18200] =	vst v63  }
0x32: {  	_ =	swait.ge [sflag:s25], $0x4000  }
0x33: {  	[sflag:s25] =	ssyncset.done $0x0  }
0x34: {  	s11 =	rddreg [dreg:$0x6];
	[sflag:s25] =	ssyncadd.s32 $0xFFFFC000  }
0x35: {  	[spmem:s11] =	stream.linear.scatter [tilespmem:s24], [sflag:$0x2], $0x4000, $0x38;
	[tilespmem:$0x18200] =	vst v63  }
0x36: {  	_ =	swait.ge [sflag:s25], $0x4000  }
0x37: {  	[sflag:s25] =	ssyncset.done $0x0  }
0x38: {  	s12 =	rddreg [dreg:$0x7];
	[sflag:s25] =	ssyncadd.s32 $0xFFFFC000  }
0x39: {  	[spmem:s12] =	stream.linear.scatter [tilespmem:s24], [sflag:$0x2], $0x4000, $0x38;
	[tilespmem:$0x18200] =	vst v63  }
0x3a: {  	_ =	swait.ge [sflag:s25], $0x4000  }
0x3b: {  	[sflag:s25] =	ssyncset.done $0x0  }
0x3c: {  	[sflag:s25] =	ssyncadd.s32 $0xFFFFC000  }
0x3d: {  	s0 =	simm.s32 $0x0;
	s3 =	simm.s32 $0x0;
	[bflag:$0x0] =	sbarrier.arrive $0xFFFF  }
.LBB2_4:
0x3e: {  	s9 =	sadd.s32 s13, s3  }
0x3f: {  	s9 =	sshll.u32 s9, $0x4  }
0x40: {  	s10 =	sadd.s32 s1, s9  }
0x41: {  	[tilespmem:s0], [sflag:$0x2] =	stream.linear.gather [hbm4b:s10+s0], $0x80, $0x38;
	[tilespmem:$0x18200] =	vst v63  }
0x42: {  	_ =	swait.ge [sflag:s25], $0x80  }
0x43: {  	[sflag:s25] =	ssyncset.done $0x0  }
0x44: {  	s12 =	sadd.s32 s6, s9;
	[sflag:s25] =	ssyncadd.s32 $0xFFFFFF80  }
0x45: {  	[tilespmem:s26], [sflag:$0x2] =	stream.linear.gather [hbm4b:s12+s0], $0x80, $0x38;
	[tilespmem:$0x18200] =	vst v63  }
0x46: {  	_ =	swait.ge [sflag:s25], $0x80  }
0x47: {  	[sflag:s25] =	ssyncset.done $0x0  }
0x48: {  	s9 =	sadd.s32 s7, s9;
	[sflag:s25] =	ssyncadd.s32 $0xFFFFFF80  }
0x49: {  	[tilespmem:s28], [sflag:$0x2] =	stream.linear.gather [hbm4b:s9+s0], $0x80, $0x38;
	[tilespmem:$0x18200] =	vst v63  }
0x4a: {  	_ =	swait.ge [sflag:s25], $0x80  }
0x4b: {  	[sflag:s25] =	ssyncset.done $0x0  }
0x4c: {  	[sflag:s25] =	ssyncadd.s32 $0xFFFFFF80  }
0x4d: {  	v1 =	vld [tilespmem:$0x0]  }
0x4e: {  	v2 =	vld [tilespmem:$0x10]  }
0x4f: {  	v3 =	vld [tilespmem:$0x20]  }
0x50: {  	v4 =	vld [tilespmem:$0x30]  }
0x51: {  	v5 =	vld [tilespmem:$0x40]  }
0x52: {  	[tilespmem:$0x80] =	vst v1;
	v1 =	vld [tilespmem:$0x50]  }
0x53: {  	[tilespmem:$0x90] =	vst v2;
	v2 =	vld [tilespmem:$0x60]  }
0x54: {  	[tilespmem:$0xA0] =	vst v3;
	v3 =	vld [tilespmem:$0x70]  }
0x55: {  	[tilespmem:$0xB0] =	vst v4  }
0x56: {  	[tilespmem:$0xC0] =	vst v5  }
0x57: {  	[tilespmem:$0xD0] =	vst v1  }
0x58: {  	[tilespmem:$0xE0] =	vst v2  }
0x59: {  	[tilespmem:$0xF0] =	vst v3  }
0x5a: {  	[tilespmem:s24], [sflag:$0x1] =	stream.indirect.gather [hbm4b:s5+s29], $0x80, s29, s29, $0xb8;
	[tilespmem:$0x18200] =	vst v63  }
0x5b: {  	_ =	swait.ge [sflag:s30], $0x4000  }
0x5c: {  	v1 =	vmov s0;
	[sflag:s30] =	ssyncset.done $0x0  }
0x5d: {  	s9 =	simm.s32 $0x240;
	[sflag:s30] =	ssyncadd.s32 $0xFFFFC000  }
0x5e: {  	v5 =	vld [tilespmem:s9+$0x30]  }
0x5f: {  	v8 =	vld [tilespmem:s9+$0x10]  }
0x60: {  	v6 =	vld [tilespmem:s9+$0xFFFFFFC0]  }
0x61: {  	v2 =	vld.idx.msk [tilespmem:v1+s28+$0x0], $0xffff  }
0x62: {  	v10 =	vld [tilespmem:s9+$0xFFFFFFE0]  }
0x63: {  	v1 =	vld [tilespmem:s9+$0xFFFFFFF0]  }
0x64: {  	v3 =	vld [tilespmem:s9+$0x20]  }
0x65: {  	v4 =	vld [tilespmem:s9+$0xFFFFFFD0]  }
0x66: {  	v9 =	vmul.f32 v5, v2;
	v5 =	vld [tilespmem:s9+$0x0]  }
0x67: {  	v7 =	vmul.f32 v6, v2  }
0x68: {  	s11 =	simm.s32 $0x240;
	s10 =	simm.s32 $0x1;
	v6 =	vmul.f32 v10, v2;
	v8 =	vmul.f32 v8, v2  }
.LBB2_5:
0x69: {  	p0 =	sne.s32 s10, $0x7F  }
0x6a: {  	v4 =	vmul.f32 v4, v2;
	v3 =	vmul.f32 v3, v2;
	[tilespmem:s9+$0x30] =	vst v9;
	s11 =	sadd.s32 $0x80, s11;
	s12 =	smov.u32 s10;
	s10 =	sadd.s32 $0x1, s10  }
0x6b: {  	[tilespmem:s9+$0xFFFFFFC0] =	vst v7;
	v7 =	vmul.f32 v1, v2;
	v2 =	vmul.f32 v5, v2  }
0x6c: {  	[tilespmem:s9+$0x10] =	vst v8  }
0x6d: {  	v5 =	vmov s12;
	[tilespmem:s9+$0xFFFFFFE0] =	vst v6  }
0x6e: {  	v1 =	vld [tilespmem:s11+$0xFFFFFFF0];
	[tilespmem:s9+$0xFFFFFFF0] =	vst v7  }
0x6f: {  	v6 =	vld [tilespmem:s11+$0x30];
	[tilespmem:s9+$0x0] =	vst v2  }
0x70: {  	v8 =	vld [tilespmem:s11+$0x10];
	[tilespmem:s9+$0x20] =	vst v3  }
0x71: {  	v7 =	vld [tilespmem:s11+$0xFFFFFFC0];
	[tilespmem:s9+$0xFFFFFFD0] =	vst v4;
	s9 =	smov.u32 s11  }
0x72: {  	v2 =	vld.idx.msk [tilespmem:v5+s28+$0x0], $0xffff  }
0x73: {  	v10 =	vld [tilespmem:s11+$0xFFFFFFE0]  }
0x74: {  	v3 =	vld [tilespmem:s11+$0x20]  }
.Ltmp1:
0x75: {  	v4 =	vld [tilespmem:s11+$0xFFFFFFD0];
	(pc) =	sbr.rel @p0 .LBB2_5-.Ltmp1, $3  }
0x76: {  	v5 =	vld [tilespmem:s11+$0x0];
	_ =	sdelay $0x1  }
0x77: {  	v7 =	vmul.f32 v7, v2;
	v9 =	vmul.f32 v6, v2  }
0x78: {  	v8 =	vmul.f32 v8, v2;
	v6 =	vmul.f32 v10, v2  }
0x79: {  	[tilespmem:s9+$0x30] =	vst v9  }
0x7a: {  	[tilespmem:s9+$0xFFFFFFC0] =	vst v7  }
0x7b: {  	v1 =	vmul.f32 v1, v2;
	[tilespmem:s9+$0x10] =	vst v8  }
0x7c: {  	v3 =	vmul.f32 v3, v2;
	[tilespmem:s9+$0xFFFFFFE0] =	vst v6  }
0x7d: {  	v5 =	vmul.f32 v5, v2;
	[tilespmem:s9+$0xFFFFFFF0] =	vst v1  }
0x7e: {  	s3 =	sadd.s32 $0x1, s3;
	v1 =	vmul.f32 v4, v2;
	[tilespmem:s9+$0x20] =	vst v3  }
0x7f: {  	p0 =	sne.s32 s3, $0x4F;
	[tilespmem:s9+$0x0] =	vst v5  }
.Ltmp2:
0x80: {  	[tilespmem:s9+$0xFFFFFFD0] =	vst v1;
	(pc) =	sbr.rel @p0 .LBB2_4-.Ltmp2, $4  }
0x81: {  	[spmem:s2] =	stream.indirect.scatter.add.f32 [tilespmem:s24], [sflag:$0x2], $0x80, s26, s29, $0xb8;
	[tilespmem:$0x18200] =	vst v63  }
0x82: {  	_ =	swait.ge [sflag:s25], $0x4000  }
0x83: {  	[sflag:s25] =	ssyncset.done $0x0  }
0x84: {  	[sflag:s25] =	ssyncadd.s32 $0xFFFFC000  }
0x85: {  	[bflag:$0x0] =	sbarrier.arrive $0xFFFF  }
0x86: {  	[tilespmem:s24], [sflag:$0x2] =	stream.linear.gather [spmem:s8], $0x4000, $0x38;
	[tilespmem:$0x18200] =	vst v63  }
0x87: {  	_ =	swait.ge [sflag:s25], $0x4000  }
0x88: {  	[sflag:s25] =	ssyncset.done $0x0  }
0x89: {  	[sflag:s25] =	ssyncadd.s32 $0xFFFFC000  }
0x8a: {  	[hbm4b:s15+s4] =	stream.linear.scatter [tilespmem:s24], [sflag:$0x2], $0x4000, $0x38;
	[tilespmem:$0x18200] =	vst v63  }
0x8b: {  	_ =	swait.ge [sflag:s25], $0x4000  }
0x8c: {  	[sflag:s25] =	ssyncset.done $0x0  }
0x8d: {  	[sflag:s25] =	ssyncadd.s32 $0xFFFFC000  }
0x8e: {  	[tilespmem:s24], [sflag:$0x2] =	stream.linear.gather [spmem:s16], $0x4000, $0x38;
	[tilespmem:$0x18200] =	vst v63  }
0x8f: {  	_ =	swait.ge [sflag:s25], $0x4000  }
0x90: {  	[sflag:s25] =	ssyncset.done $0x0  }
0x91: {  	[sflag:s25] =	ssyncadd.s32 $0xFFFFC000  }
0x92: {  	[hbm4b:s17+s4] =	stream.linear.scatter [tilespmem:s24], [sflag:$0x2], $0x4000, $0x38;
	[tilespmem:$0x18200] =	vst v63  }
0x93: {  	_ =	swait.ge [sflag:s25], $0x4000  }
0x94: {  	[sflag:s25] =	ssyncset.done $0x0  }
0x95: {  	[sflag:s25] =	ssyncadd.s32 $0xFFFFC000  }
0x96: {  	[tilespmem:s24], [sflag:$0x2] =	stream.linear.gather [spmem:s18], $0x4000, $0x38;
	[tilespmem:$0x18200] =	vst v63  }
0x97: {  	_ =	swait.ge [sflag:s25], $0x4000  }
0x98: {  	[sflag:s25] =	ssyncset.done $0x0  }
0x99: {  	[sflag:s25] =	ssyncadd.s32 $0xFFFFC000  }
0x9a: {  	[hbm4b:s19+s4] =	stream.linear.scatter [tilespmem:s24], [sflag:$0x2], $0x4000, $0x38;
	[tilespmem:$0x18200] =	vst v63  }
0x9b: {  	_ =	swait.ge [sflag:s25], $0x4000  }
0x9c: {  	[sflag:s25] =	ssyncset.done $0x0  }
0x9d: {  	[sflag:s25] =	ssyncadd.s32 $0xFFFFC000  }
0x9e: {  	[tilespmem:s24], [sflag:$0x2] =	stream.linear.gather [spmem:s20], $0x4000, $0x38;
	[tilespmem:$0x18200] =	vst v63  }
0x9f: {  	_ =	swait.ge [sflag:s25], $0x4000  }
0xa0: {  	[sflag:s25] =	ssyncset.done $0x0  }
0xa1: {  	[sflag:s25] =	ssyncadd.s32 $0xFFFFC000  }
0xa2: {  	[hbm4b:s21+s4] =	stream.linear.scatter [tilespmem:s24], [sflag:$0x2], $0x4000, $0x38;
	[tilespmem:$0x18200] =	vst v63  }
0xa3: {  	_ =	swait.ge [sflag:s25], $0x4000  }
0xa4: {  	[sflag:s25] =	ssyncset.done $0x0  }
0xa5: {  	[sflag:s25] =	ssyncadd.s32 $0xFFFFC000  }
0xa6: {  	[tilespmem:s24], [sflag:$0x2] =	stream.linear.gather [spmem:s22], $0x4000, $0x38;
	[tilespmem:$0x18200] =	vst v63  }
0xa7: {  	s31 =	sadd.s32 $0x1, s31;
	_ =	swait.ge [sflag:s25], $0x4000  }
0xa8: {  	p0 =	sne.s32 s31, s14;
	[sflag:s25] =	ssyncset.done $0x0  }
.Ltmp3:
0xa9: {  	[sflag:s25] =	ssyncadd.s32 $0xFFFFC000;
	(pc) =	sbr.rel @p0 .LBB2_1-.Ltmp3, $4  }
0xaa: {  	[hbm4b:s23+s4] =	stream.linear.scatter [tilespmem:s24], [sflag:$0x2], $0x4000, $0x38;
	[tilespmem:$0x18200] =	vst v63  }
0xab: {  	_ =	swait.ge [sflag:s25], $0x4000  }
0xac: {  	[sflag:s25] =	ssyncset.done $0x0  }
0xad: {  	[sflag:s25] =	ssyncadd.s32 $0xFFFFC000  }
0xae: {  	_ =	sfence.sel $0x180000  }
0xaf: {  	[bflag:$0x0] =	sbarrier.arrive $0xFFFF  }
0xb0: {  	_ =	strace $0x9000004D  }
0xb1: {  	s0 =	stileid.u32;
	[bflag:$0x2] =	sbarrier.arrive $0xFFFF  }
0xb2: {  	p0 =	sne.s32 s0, $0x0;
	s0 =	rddreg [dreg:$0x3]  }
0xb3: {  	s0 =	sadd.s32 @!p0 $0x100000, s0  }
0xb4: {  	[sflag:s0] =	ssyncadd.tile.s32 @!p0 $0x1;
	_ =	shalt  }
.Lfunc_end2:
_tile_overlayer_lowered:
.L_overlay_start_2:
0xb5: {  	(tag) =	ssettag $0x2  }
0xb6: {  	s0 =	rddreg [dreg:$0x0];
	s2 =	stileid.u32  }
0xb7: {  	s1 =	rddreg [dreg:$0x1];
	p0 =	sne.s32 s2, $0x0  }
0xb8: {  	s3 =	rddreg [dreg:$0x2];
	[bflag:$0x3] =	sbarrier.arrive $0xFFFF;
	s2 =	simm.s32 @!p0 $0x1C02  }
0xb9: {  	[timem:s3], [sflag:s2] =	dma.local @!p0 [hbm:s0], s1  }
0xba: {  	s0 =	simm.s32 @!p0 $0x2  }
0xbb: {  	_ =	swait.ge @!p0 [sflag:s0], s1  }
0xbc: {  	s1 =	ssub.s32 @!p0 $0x0, s1;
	[sflag:s0] =	ssyncset.done @!p0 $0x0  }
0xbd: {  	[sflag:s0] =	ssyncadd.s32 @!p0 s1  }
0xbe: {  	[bflag:$0x3] =	sbarrier.arrive $0xFFFF  }
0xbf: {  	_ =	shalt  }

// kernel: kernel.17.cloned.1.call-start
scs
__scs_entry_jumppad:
0x0: {  	(pc) =	sbr.rel $0x88, $3  }
0x1: {  	(tag) =	ssettag $0x0;
	lr =	simm.s32 $0x1  }
0x2: {  	[smem:$0x3F94] =	sst lr;
	_ =	strace $0xD0000000  }
0x3: {  	_ = 	snop  }
0x4: {  	_ = 	snop  }
0x5: {  	_ = 	snop  }
0x6: {  	_ = 	snop  }
0x7: {  	_ = 	snop  }
__scs_overlays_trampoline_lowered:
0x8: {  	[smem:$0x3FA3] =	sst s0  }
0x9: {  	[smem:$0x3FA4] =	sst s1  }
0xa: {  	[smem:$0x3FA5] =	sst s2  }
0xb: {  	[smem:$0x3FA6] =	sst s3  }
0xc: {  	[smem:$0x3FA7] =	sst s4  }
0xd: {  	[smem:$0x3FA8] =	sst s5  }
0xe: {  	[smem:$0x3FA9] =	sst s6  }
0xf: {  	[smem:$0x3FAA] =	sst s7  }
0x10: {  	[smem:$0x3FAB] =	sst s8  }
0x11: {  	[smem:$0x3FAC] =	sst s9;
	s0 =	simm.s32 @!p0 $0x0  }
0x12: {  	s1 =	sld [smem:$0x3F92];
	s0 =	simm.s32 @p0 $0x1  }
0x13: {  	[smem:$0x3FAD] =	sst s0;
	s0 =	simm.s32 @!p1 $0x0  }
0x14: {  	s2 =	sld [smem:$0x3F91];
	s0 =	simm.s32 @p1 $0x1  }
0x15: {  	[smem:$0x3FAE] =	sst s0;
	s0 =	simm.s32 @!p2 $0x0  }
0x16: {  	s3 =	sld [smem:$0x3FDB];
	s0 =	simm.s32 @p2 $0x1  }
0x17: {  	s4 =	simm.s32 $0x1BF5;
	[smem:$0x3FB0] =	sst s0  }
0x18: {  	s0 =	sld [smem:$0x3F93];
	_ =	swait.ge [sflag:s4], $0x0  }
0x19: {  	s7 =	sld [smem:$0x3F94]  }
0x1a: {  	s8 =	sadd.s32 $0xFFFFE003, lr  }
0x1b: {  	s9 =	sadd.s32 $0xFFFFFEF7, lr;
	s5 =	simm.s32 $0xFFFFFFFF;
	p2 =	slt.u32 s8, $0xFFFFF086  }
0x1c: {  	p1 =	slt.u32 s9, $0xF7A;
	s5 =	simm.s32 @!p2 $0x0  }
0x1d: {  	s5 =	simm.s32 @p1 $0x1;
	p0 =	seq.s32 s7, s2  }
0x1e: {  	s7 =	smul.u32 @!p0 $0xF7A, s2;
	p2 =	seq.s32 @!p0 s5, $0x0  }
0x1f: {  	s9 =	smul.u32 $0xF7A, s1;
	s8 =	simm.s32 @!p0 $0x1BF5;
	p2 =	por !p2, p0  }
0x20: {  	[sflag:s8] =	ssyncset.s32 @!p0 $0xFFFFF086;
	s6 =	sadd.s32 @!p0 s3, s7;
	s7 =	simm.s32 @!p0 $0x108  }
0x21: {  	s3 =	sadd.s32 s3, s9;
	s6 =	sadd.s32 @!p0 $0x88, s6;
	s7 =	simm.s32 @p2 $0x1082  }
0x22: {  	[simem:s7], [sflag:s8] =	dma.local @!p0 [hbm:s6], $0xF7A  }
0x23: {  	s9 =	sor.u32 $0xD0000000, s2;
	s6 =	simm.s32 $0x108;
	_ =	swait.ge @!p0 [sflag:s8], $0x0  }
0x24: {  	s3 =	sadd.s32 $0x88, s3;
	s6 =	simm.s32 @!p1 $0x1082;
	[sflag:s4] =	ssyncset.s32 $0xFFFFF086  }
0x25: {  	[simem:s6], [sflag:s4] =	dma.local [hbm:s3], $0xF7A  }
0x26: {  	[smem:$0x3F94] =	sst s1;
	(tag) =	ssettag s2;
	_ =	strace s9  }
0x27: {  	s1 =	sld [smem:$0x3FA4]  }
0x28: {  	s2 =	sld [smem:$0x3FA5]  }
0x29: {  	s4 =	sld [smem:$0x3FA7]  }
0x2a: {  	p0 =	seq.s32 s5, $0x0;
	s5 =	sld [smem:$0x3FA8]  }
0x2b: {  	s6 =	sld [smem:$0x3FA9]  }
0x2c: {  	s7 =	sld [smem:$0x3FAA]  }
0x2d: {  	s3 =	simm.s32 $0x108;
	s8 =	sld [smem:$0x3FAB]  }
0x2e: {  	s3 =	simm.s32 @!p0 $0x1082;
	s9 =	sld [smem:$0x3FAC]  }
0x2f: {  	lr =	sadd.s32 s0, s3;
	s0 =	sld [smem:$0x3FA3]  }
0x30: {  	s3 =	sld [smem:$0x3FA6]  }
0x31: {  	[smem:$0x3FAF] =	sst s10  }
0x32: {  	s10 =	sld [smem:$0x3FAD];
	_ =	sdelay $0x3  }
0x33: {  	p0 =	seq.s32 s10, $0x1;
	s10 =	sld [smem:$0x3FAF];
	_ =	sdelay $0x3  }
0x34: {  	[smem:$0x3FAF] =	sst s10  }
0x35: {  	s10 =	sld [smem:$0x3FAE];
	_ =	sdelay $0x3  }
0x36: {  	p1 =	seq.s32 s10, $0x1;
	s10 =	sld [smem:$0x3FAF];
	_ =	sdelay $0x3  }
0x37: {  	[smem:$0x3FAF] =	sst s10  }
0x38: {  	s10 =	sld [smem:$0x3FB0]  }
0x39: {  	_ = 	snop;
	(pc) =	sbr.ind lr, $3  }
0x3a: {  	_ = 	snop  }
0x3b: {  	_ = 	snop  }
0x3c: {  	p2 =	seq.s32 s10, $0x1;
	s10 =	sld [smem:$0x3FAF]  }
0x3d: {  	_ =	shalt  }
0x3e: {  	_ =	shalt  }
0x3f: {  	_ =	shalt  }
0x40: {  	_ =	shalt  }
0x41: {  	_ =	shalt  }
0x42: {  	_ =	shalt  }
0x43: {  	_ =	shalt  }
0x44: {  	_ =	shalt  }
0x45: {  	_ =	shalt  }
0x46: {  	_ =	shalt  }
0x47: {  	_ =	shalt  }
0x48: {  	_ =	shalt  }
0x49: {  	_ =	shalt  }
0x4a: {  	_ =	shalt  }
0x4b: {  	_ =	shalt  }
0x4c: {  	_ =	shalt  }
0x4d: {  	_ =	shalt  }
0x4e: {  	_ =	shalt  }
0x4f: {  	_ =	shalt  }
0x50: {  	_ =	shalt  }
0x51: {  	_ =	shalt  }
0x52: {  	_ =	shalt  }
0x53: {  	_ =	shalt  }
0x54: {  	_ =	shalt  }
0x55: {  	_ =	shalt  }
0x56: {  	_ =	shalt  }
0x57: {  	_ =	shalt  }
0x58: {  	_ =	shalt  }
0x59: {  	_ =	shalt  }
0x5a: {  	_ =	shalt  }
0x5b: {  	_ =	shalt  }
0x5c: {  	_ =	shalt  }
0x5d: {  	_ =	shalt  }
0x5e: {  	_ =	shalt  }
0x5f: {  	_ =	shalt  }
0x60: {  	_ =	shalt  }
0x61: {  	_ =	shalt  }
0x62: {  	_ =	shalt  }
0x63: {  	_ =	shalt  }
0x64: {  	_ =	shalt  }
0x65: {  	_ =	shalt  }
0x66: {  	_ =	shalt  }
0x67: {  	_ =	shalt  }
0x68: {  	_ =	shalt  }
0x69: {  	_ =	shalt  }
0x6a: {  	_ =	shalt  }
0x6b: {  	_ =	shalt  }
0x6c: {  	_ =	shalt  }
0x6d: {  	_ =	shalt  }
0x6e: {  	_ =	shalt  }
0x6f: {  	_ =	shalt  }
0x70: {  	_ =	shalt  }
0x71: {  	_ =	shalt  }
0x72: {  	_ =	shalt  }
0x73: {  	_ =	shalt  }
0x74: {  	_ =	shalt  }
0x75: {  	_ =	shalt  }
0x76: {  	_ =	shalt  }
0x77: {  	_ =	shalt  }
0x78: {  	_ =	shalt  }
0x79: {  	_ =	shalt  }
0x7a: {  	_ =	shalt  }
0x7b: {  	_ =	shalt  }
0x7c: {  	_ =	shalt  }
0x7d: {  	_ =	shalt  }
0x7e: {  	_ =	shalt  }
0x7f: {  	_ =	shalt  }
0x80: {  	_ =	shalt  }
0x81: {  	_ =	shalt  }
0x82: {  	_ =	shalt  }
0x83: {  	_ =	shalt  }
0x84: {  	_ =	shalt  }
0x85: {  	_ =	shalt  }
0x86: {  	_ =	shalt  }
0x87: {  	_ =	shalt  }
.Lfunc_end0:
.L_simem_size_0:
called_computation.3_lowered:
.L_overlay_start_0:
0x88: {  	s2 =	sld [smem:$0x3FD9]  }
0x89: {  	s3 =	sld [smem:$0x3FFE];
	_ =	sdelay $0x1  }
0x8a: {  	s1 =	srdreg.scid  }
0x8b: {  	s0 =	sand.u32 $0x1, s1  }
0x8c: {  	s17 =	sshll.u32 s0, $0xA;
	s2 =	sadd.s32 s3, s2  }
0x8d: {  	s2 =	sadd.s32 s2, s17  }
0x8e: {  	[smem:$0x3FBB] =	sst s2  }
0x8f: {  	_ = 	snop  }
0x90: {  	s2 =	sld [smem:$0x3FD0];
	(tm) =	ssettm $0x1  }
0x91: {  	s18 =	sld [smem:$0x3FFB];
	_ =	sdelay $0x3  }
0x92: {  	_ =	strace s18  }
0x93: {  	s3 =	sld [smem:$0x3FFC];
	_ =	sdelay $0x3  }
0x94: {  	_ =	strace s3  }
0x95: {  	s3 =	sld [smem:$0x3FFD];
	_ =	sdelay $0x3  }
0x96: {  	_ =	strace s3  }
0x97: {  	_ =	strace $0x8FFFFFFF  }
0x98: {  	s19 =	sld [smem:$0x3FDB];
	_ =	sdelay $0x1  }
0x99: {  	s4 =	simm.s32 $_scs_section_size  }
0x9a: {  	s5 =	simm.s32 $_size__tile_overlayer_lowered;
	s6 =	simm.s32 $_tile_overlayer_lowered  }
0x9b: {  	s22 =	simm.s32 $0x1BFF;
	s21 =	sshll.u32 s6, $0x1;
	s3 =	sadd.s32 s4, s19  }
0x9c: {  	s7 =	simm.s32 $0x0;
	s20 =	sshll.u32 s5, $0x1;
	s5 =	sadd.s32 s21, s3  }
0x9d: {  	[timem:s7], [sflag:s22] =	dma.local [hbm:s5], s20  }
0x9e: {  	_ =	swait.ge [sflag:s22], s20  }
0x9f: {  	s4 =	ssub.s32 $0x0, s20;
	[sflag:s22] =	ssyncset.done $0x0  }
0xa0: {  	[sflag:s22] =	ssyncadd.s32 s4;
	_ =	sdelay $0x1  }
0xa1: {  	s23 =	simm.s32 $0x1B8B  }
0xa2: {  	_ =	swait.ge [sflag:s23], $0x1  }
0xa3: {  	[sflag:s23] =	ssyncset.done $0x0  }
0xa4: {  	s25 =	simm.s32 $0x1B8E;
	s24 =	sld [smem:$0x3FFE];
	[sflag:s23] =	ssyncadd.s32 $0xFFFFFFFF  }
0xa5: {  	s26 =	simm.s32 $execute0_lowered;
	[smem:$0x3FD2] =	sst s25  }
0xa6: {  	s5 =	sshll.u32 s26, $0x1;
	_ =	strace $0x8000004F;
	[dreg:$0x1] =	wrdreg $0xFFFFFFFF  }
0xa7: {  	s28 =	simm.s32 $_size_execute0_lowered;
	s3 =	sadd.s32 s3, s5;
	[dreg:$0x0] =	wrdreg $0x0  }
0xa8: {  	s5 =	sshll.u32 s28, $0x1;
	[dreg:$0x2] =	wrdreg s3  }
0xa9: {  	[dreg:$0x3] =	wrdreg s5  }
0xaa: {  	[dreg:$0x4] =	wrdreg $0xC0  }
0xab: {  	_ =	task [dreg:s7], $0x5FFFF  }
0xac: {  	[dreg:$0x1] =	wrdreg $0xFFFFFFFF  }
0xad: {  	[dreg:$0x0] =	wrdreg $0x60  }
0xae: {  	[dreg:$0x2] =	wrdreg s24  }
0xaf: {  	[dreg:$0x3] =	wrdreg s2  }
0xb0: {  	[dreg:$0x4] =	wrdreg $0x42000  }
0xb1: {  	[dreg:$0x5] =	wrdreg $0x9  }
0xb2: {  	_ =	task.clear_ibuf [dreg:s7], $0x6FFFF;
	_ =	strace $0x9000004F  }
0xb3: {  	s29 =	simm.s32 $0x9;
	_ =	strace $0x80000051  }
0xb4: {  	_ =	swait.ge [sflag:s29], $0x1  }
0xb5: {  	[sflag:s29] =	ssyncadd.s32 $0xFFFFFFFF  }
0xb6: {  	_ =	strace $0x90000051  }
0xb7: {  	_ =	sfence  }
0xb8: {  	s30 =	sld [smem:$0x0];
	_ =	sdelay $0x2  }
0xb9: {  	s31 =	sshll.u32 s1, $0xD;
	s1 =	sshrl.u32 s1, $0x2  }
0xba: {  	s3 =	sand.u32 $0x4000, s31;
	s1 =	sadd.s32 s1, s30  }
0xbb: {  	s0 =	sor.u32 s3, s0;
	s1 =	sshll.u32 s1, $0x11  }
0xbc: {  	s0 =	sor.u32 s1, s0  }
0xbd: {  	s0 =	sadd.s32 $0x8F2B, s0  }
0xbe: {  	[sflag:s0] =	ssyncadd.remote.s32 $0x1  }
0xbf: {  	_ =	sfence.sel $0xFFFF  }
0xc0: {  	[dreg:$0x0] =	wrdreg $0xFFFFFFFF;
	(pc) =	sbr.abs _section_cstart, $3  }
0xc1: {  	[dreg:$0x1] =	wrdreg $0xFFFFFFFF  }
0xc2: {  	_ =	task.clear_ibuf [dreg:s7], $0x2FFFF;
	_ =	strace $0x9FFFFFFF  }
0xc3: {  	(tm) =	ssettm $0x7FFFFFFF  }
tec
execute0_lowered:
.L_overlay_start_1:
0x0: {  	(tag) =	ssettag $0x1  }
0x1: {  	s0 =	rddreg [dreg:$0x0]  }
0x2: {  	s1 =	rddreg [dreg:$0x1]  }
0x3: {  	s2 =	rddreg [dreg:$0x2];
	s4 =	simm.s32 $0x0;
	s12 =	stileid.u32  }
0x4: {  	s3 =	srdreg.scid;
	s28 =	simm.s32 $0x180;
	s29 =	simm.s32 $0x80  }
0x5: {  	s30 =	simm.s32 $0x1;
	s31 =	simm.s32 $0x0;
	[smem:$0x7FF] =	sst s4  }
0x6: {  	s5 =	sadd.s32 $0x49E00, s0;
	s8 =	smul.u32 $0x50000, s12;
	s6 =	sadd.s32 $0x3E00, s0  }
0x7: {  	s7 =	sadd.s32 $0x40000, s0;
	s3 =	sand.u32 $0x1, s3;
	s19 =	smul.u32 $0x14000, s12  }
0x8: {  	s0 =	sadd.s32 $0x99E00, s0;
	_ =	strace $0x80000050;
	s11 =	smul.u32 $0x140000, s3  }
0x9: {  	s9 =	ssub.s32 $0x2, s3;
	s3 =	smul.u32 $0x2800, s3;
	s8 =	sshrl.u32 s8, $0x2  }
0xa: {  	s10 =	sshrl.u32 s9, $0x1;
	s16 =	sadd.s32 $0x4000, s19;
	s24 =	sadd.s32 $0x8000, s19  }
0xb: {  	s20 =	sadd.s32 $0xC000, s19;
	s8 =	sadd.s32 s8, s2;
	s9 =	ssub.s32 s9, s10  }
0xc: {  	s14 =	sadd.s32 s11, s19;
	s17 =	sadd.s32 s11, s16;
	s16 =	sadd.s32 s16, s2  }
0xd: {  	s10 =	sadd.s32 $0x10000, s19;
	s18 =	sadd.s32 $0x4000, s8;
	s13 =	sadd.s32 $0x8000, s8  }
0xe: {  	s21 =	sadd.s32 $0xC000, s8;
	s22 =	sadd.s32 $0x10000, s8;
	[dreg:$0x4] =	wrdreg s18  }
0xf: {  	s15 =	sshrl.u32 s14, $0x3;
	s14 =	smax.u32 s9, $0x1;
	[dreg:$0x5] =	wrdreg s13  }
0x10: {  	s23 =	sshrl.u32 s17, $0x3;
	s9 =	sadd.s32 s11, s24;
	[dreg:$0x6] =	wrdreg s21  }
0x11: {  	[dreg:$0x7] =	wrdreg s22;
	s13 =	smul.u32 $0x9E, s12;
	s15 =	sadd.s32 s0, s15  }
0x12: {  	s17 =	sadd.s32 s0, s23;
	s18 =	sadd.s32 s24, s2;
	s9 =	sshrl.u32 s9, $0x3  }
0x13: {  	s21 =	sadd.s32 s11, s20;
	s11 =	sadd.s32 s11, s10;
	s20 =	sadd.s32 s20, s2  }
0x14: {  	s22 =	sadd.s32 s10, s2;
	s24 =	simm.s32 $0x200;
	s25 =	sshrl.u32 s21, $0x3  }
0x15: {  	s19 =	sadd.s32 s0, s9;
	s26 =	sshrl.u32 s11, $0x3;
	s21 =	sadd.s32 s0, s25  }
0x16: {  	v1 =	vimm.f32 $0.0e+00;
	v0 =	vmov s3;
	s23 =	sadd.s32 s0, s26;
	s25 =	simm.s32 $0x2;
	s26 =	simm.s32 $0x100  }
.LBB2_1:
0x17: {  	s0 =	simm.s32 $0x0;
	s3 =	simm.s32 $0x200  }
.LBB2_2:
0x18: {  	p0 =	sne.s32 s3, $0xFE00;
	[tilespmem:s0+$0x270] =	vst v1  }
0x19: {  	[tilespmem:s0+$0x200] =	vst v1  }
0x1a: {  	[tilespmem:s0+$0x210] =	vst v1  }
.Ltmp0:
0x1b: {  	[tilespmem:s0+$0x220] =	vst v1;
	(pc) =	sbr.rel @p0 .LBB2_2-.Ltmp0, $4  }
0x1c: {  	[tilespmem:s0+$0x230] =	vst v1  }
0x1d: {  	[tilespmem:s0+$0x240] =	vst v1  }
0x1e: {  	[tilespmem:s0+$0x250] =	vst v1  }
0x1f: {  	[tilespmem:s0+$0x260] =	vst v1;
	s0 =	sshra.s32 s3, $0x2;
	s3 =	sadd.s32 $0x200, s3  }
0x20: {  	[tilespmem:s0+$0x270] =	vst v1  }
0x21: {  	[tilespmem:s0+$0x200] =	vst v1  }
0x22: {  	[tilespmem:s0+$0x210] =	vst v1  }
0x23: {  	[tilespmem:s0+$0x220] =	vst v1  }
0x24: {  	[tilespmem:s0+$0x230] =	vst v1  }
0x25: {  	[tilespmem:s0+$0x240] =	vst v1  }
0x26: {  	[tilespmem:s0+$0x250] =	vst v1  }
0x27: {  	[tilespmem:s0+$0x260] =	vst v1  }
0x28: {  	[spmem:s8] =	stream.linear.scatter [tilespmem:s24], [sflag:$0x2], $0x4000, $0x38;
	[tilespmem:$0x18200] =	vst v63  }
0x29: {  	_ =	swait.ge [sflag:s25], $0x4000  }
0x2a: {  	[sflag:s25] =	ssyncset.done $0x0  }
0x2b: {  	s9 =	rddreg [dreg:$0x4];
	[sflag:s25] =	ssyncadd.s32 $0xFFFFC000  }
0x2c: {  	[spmem:s9] =	stream.linear.scatter [tilespmem:s24], [sflag:$0x2], $0x4000, $0x38;
	[tilespmem:$0x18200] =	vst v63  }
0x2d: {  	_ =	swait.ge [sflag:s25], $0x4000  }
0x2e: {  	[sflag:s25] =	ssyncset.done $0x0  }
0x2f: {  	s10 =	rddreg [dreg:$0x5];
	[sflag:s25] =	ssyncadd.s32 $0xFFFFC000  }
0x30: {  	[spmem:s10] =	stream.linear.scatter [tilespmem:s24], [sflag:$0x2], $0x4000, $0x38;
	[tilespmem:$0x18200] =	vst v63  }
0x31: {  	_ =	swait.ge [sflag:s25], $0x4000  }
0x32: {  	[sflag:s25] =	ssyncset.done $0x0  }
0x33: {  	s11 =	rddreg [dreg:$0x6];
	[sflag:s25] =	ssyncadd.s32 $0xFFFFC000  }
0x34: {  	[spmem:s11] =	stream.linear.scatter [tilespmem:s24], [sflag:$0x2], $0x4000, $0x38;
	[tilespmem:$0x18200] =	vst v63  }
0x35: {  	_ =	swait.ge [sflag:s25], $0x4000  }
0x36: {  	[sflag:s25] =	ssyncset.done $0x0  }
0x37: {  	s12 =	rddreg [dreg:$0x7];
	[sflag:s25] =	ssyncadd.s32 $0xFFFFC000  }
0x38: {  	[spmem:s12] =	stream.linear.scatter [tilespmem:s24], [sflag:$0x2], $0x4000, $0x38;
	[tilespmem:$0x18200] =	vst v63  }
0x39: {  	_ =	swait.ge [sflag:s25], $0x4000  }
0x3a: {  	[sflag:s25] =	ssyncset.done $0x0  }
0x3b: {  	[sflag:s25] =	ssyncadd.s32 $0xFFFFC000  }
0x3c: {  	s0 =	simm.s32 $0x0;
	s3 =	simm.s32 $0x0;
	[bflag:$0x0] =	sbarrier.arrive $0xFFFF  }
.LBB2_4:
0x3d: {  	s9 =	sadd.s32 s13, s3  }
0x3e: {  	s9 =	sshll.u32 s9, $0x4  }
0x3f: {  	s10 =	sadd.s32 s1, s9  }
0x40: {  	[tilespmem:s0], [sflag:$0x2] =	stream.linear.gather [hbm4b:s10+s0], $0x80, $0x38;
	[tilespmem:$0x18200] =	vst v63  }
0x41: {  	_ =	swait.ge [sflag:s25], $0x80  }
0x42: {  	[sflag:s25] =	ssyncset.done $0x0  }
0x43: {  	s12 =	sadd.s32 s6, s9;
	[sflag:s25] =	ssyncadd.s32 $0xFFFFFF80  }
0x44: {  	[tilespmem:s26], [sflag:$0x2] =	stream.linear.gather [hbm4b:s12+s0], $0x80, $0x38;
	[tilespmem:$0x18200] =	vst v63  }
0x45: {  	_ =	swait.ge [sflag:s25], $0x80  }
0x46: {  	[sflag:s25] =	ssyncset.done $0x0  }
0x47: {  	s9 =	sadd.s32 s7, s9;
	[sflag:s25] =	ssyncadd.s32 $0xFFFFFF80  }
0x48: {  	[tilespmem:s28], [sflag:$0x2] =	stream.linear.gather [hbm4b:s9+s0], $0x80, $0x38;
	[tilespmem:$0x18200] =	vst v63  }
0x49: {  	_ =	swait.ge [sflag:s25], $0x80  }
0x4a: {  	[sflag:s25] =	ssyncset.done $0x0  }
0x4b: {  	[sflag:s25] =	ssyncadd.s32 $0xFFFFFF80  }
0x4c: {  	v2 =	vld [tilespmem:$0x0]  }
0x4d: {  	v3 =	vld [tilespmem:$0x10]  }
0x4e: {  	v4 =	vld [tilespmem:$0x20]  }
0x4f: {  	v5 =	vld [tilespmem:$0x30]  }
0x50: {  	v6 =	vld [tilespmem:$0x40]  }
0x51: {  	v7 =	vld [tilespmem:$0x50];
	v2 =	vadd.s32 v0, v2  }
0x52: {  	[tilespmem:$0x80] =	vst v2;
	v2 =	vadd.s32 v0, v3;
	v3 =	vld [tilespmem:$0x60]  }
0x53: {  	[tilespmem:$0x90] =	vst v2;
	v2 =	vadd.s32 v0, v4;
	v4 =	vld [tilespmem:$0x70]  }
0x54: {  	[tilespmem:$0xA0] =	vst v2;
	v2 =	vadd.s32 v0, v5  }
0x55: {  	[tilespmem:$0xB0] =	vst v2;
	v2 =	vadd.s32 v0, v6  }
0x56: {  	[tilespmem:$0xC0] =	vst v2;
	v2 =	vadd.s32 v0, v7  }
0x57: {  	[tilespmem:$0xD0] =	vst v2;
	v2 =	vadd.s32 v0, v3  }
0x58: {  	[tilespmem:$0xE0] =	vst v2;
	v2 =	vadd.s32 v0, v4  }
0x59: {  	[tilespmem:$0xF0] =	vst v2  }
0x5a: {  	[tilespmem:s24], [sflag:$0x1] =	stream.indirect.gather [hbm4b:s5+s29], $0x80, s29, s29, $0xb8;
	[tilespmem:$0x18200] =	vst v63  }
0x5b: {  	_ =	swait.ge [sflag:s30], $0x4000  }
0x5c: {  	v2 =	vmov s0;
	[sflag:s30] =	ssyncset.done $0x0  }
0x5d: {  	s9 =	simm.s32 $0x240;
	[sflag:s30] =	ssyncadd.s32 $0xFFFFC000  }
0x5e: {  	v6 =	vld [tilespmem:s9+$0x30]  }
0x5f: {  	v9 =	vld [tilespmem:s9+$0x10]  }
0x60: {  	v7 =	vld [tilespmem:s9+$0xFFFFFFC0]  }
0x61: {  	v3 =	vld.idx.msk [tilespmem:v2+s28+$0x0], $0xffff  }
0x62: {  	v11 =	vld [tilespmem:s9+$0xFFFFFFE0]  }
0x63: {  	v2 =	vld [tilespmem:s9+$0xFFFFFFF0]  }
0x64: {  	v4 =	vld [tilespmem:s9+$0x20]  }
0x65: {  	v5 =	vld [tilespmem:s9+$0xFFFFFFD0]  }
0x66: {  	v10 =	vmul.f32 v6, v3;
	v6 =	vld [tilespmem:s9+$0x0]  }
0x67: {  	v8 =	vmul.f32 v7, v3  }
0x68: {  	s11 =	simm.s32 $0x240;
	s10 =	simm.s32 $0x1;
	v7 =	vmul.f32 v11, v3;
	v9 =	vmul.f32 v9, v3  }
.LBB2_5:
0x69: {  	p0 =	sne.s32 s10, $0x7F  }
0x6a: {  	v5 =	vmul.f32 v5, v3;
	v4 =	vmul.f32 v4, v3;
	[tilespmem:s9+$0x30] =	vst v10;
	s11 =	sadd.s32 $0x80, s11;
	s12 =	smov.u32 s10;
	s10 =	sadd.s32 $0x1, s10  }
0x6b: {  	[tilespmem:s9+$0xFFFFFFC0] =	vst v8;
	v8 =	vmul.f32 v2, v3;
	v3 =	vmul.f32 v6, v3  }
0x6c: {  	[tilespmem:s9+$0x10] =	vst v9  }
0x6d: {  	v6 =	vmov s12;
	[tilespmem:s9+$0xFFFFFFE0] =	vst v7  }
0x6e: {  	v2 =	vld [tilespmem:s11+$0xFFFFFFF0];
	[tilespmem:s9+$0xFFFFFFF0] =	vst v8  }
0x6f: {  	v7 =	vld [tilespmem:s11+$0x30];
	[tilespmem:s9+$0x0] =	vst v3  }
0x70: {  	v9 =	vld [tilespmem:s11+$0x10];
	[tilespmem:s9+$0x20] =	vst v4  }
0x71: {  	v8 =	vld [tilespmem:s11+$0xFFFFFFC0];
	[tilespmem:s9+$0xFFFFFFD0] =	vst v5;
	s9 =	smov.u32 s11  }
0x72: {  	v3 =	vld.idx.msk [tilespmem:v6+s28+$0x0], $0xffff  }
0x73: {  	v11 =	vld [tilespmem:s11+$0xFFFFFFE0]  }
0x74: {  	v4 =	vld [tilespmem:s11+$0x20]  }
.Ltmp1:
0x75: {  	v5 =	vld [tilespmem:s11+$0xFFFFFFD0];
	(pc) =	sbr.rel @p0 .LBB2_5-.Ltmp1, $3  }
0x76: {  	v6 =	vld [tilespmem:s11+$0x0];
	_ =	sdelay $0x1  }
0x77: {  	v8 =	vmul.f32 v8, v3;
	v10 =	vmul.f32 v7, v3  }
0x78: {  	v9 =	vmul.f32 v9, v3;
	v7 =	vmul.f32 v11, v3  }
0x79: {  	[tilespmem:s9+$0x30] =	vst v10  }
0x7a: {  	[tilespmem:s9+$0xFFFFFFC0] =	vst v8  }
0x7b: {  	v2 =	vmul.f32 v2, v3;
	[tilespmem:s9+$0x10] =	vst v9  }
0x7c: {  	v4 =	vmul.f32 v4, v3;
	[tilespmem:s9+$0xFFFFFFE0] =	vst v7  }
0x7d: {  	v6 =	vmul.f32 v6, v3;
	[tilespmem:s9+$0xFFFFFFF0] =	vst v2  }
0x7e: {  	s3 =	sadd.s32 $0x1, s3;
	v2 =	vmul.f32 v5, v3;
	[tilespmem:s9+$0x20] =	vst v4  }
0x7f: {  	p0 =	sne.s32 s3, $0x9E;
	[tilespmem:s9+$0x0] =	vst v6  }
.Ltmp2:
0x80: {  	[tilespmem:s9+$0xFFFFFFD0] =	vst v2;
	(pc) =	sbr.rel @p0 .LBB2_4-.Ltmp2, $4  }
0x81: {  	[spmem:s2] =	stream.indirect.scatter.add.f32 [tilespmem:s24], [sflag:$0x2], $0x80, s26, s29, $0xb8;
	[tilespmem:$0x18200] =	vst v63  }
0x82: {  	_ =	swait.ge [sflag:s25], $0x4000  }
0x83: {  	[sflag:s25] =	ssyncset.done $0x0  }
0x84: {  	[sflag:s25] =	ssyncadd.s32 $0xFFFFC000  }
0x85: {  	[bflag:$0x0] =	sbarrier.arrive $0xFFFF  }
0x86: {  	[tilespmem:s24], [sflag:$0x2] =	stream.linear.gather [spmem:s8], $0x4000, $0x38;
	[tilespmem:$0x18200] =	vst v63  }
0x87: {  	_ =	swait.ge [sflag:s25], $0x4000  }
0x88: {  	[sflag:s25] =	ssyncset.done $0x0  }
0x89: {  	[sflag:s25] =	ssyncadd.s32 $0xFFFFC000  }
0x8a: {  	[hbm4b:s15+s4] =	stream.linear.scatter [tilespmem:s24], [sflag:$0x2], $0x4000, $0x38;
	[tilespmem:$0x18200] =	vst v63  }
0x8b: {  	_ =	swait.ge [sflag:s25], $0x4000  }
0x8c: {  	[sflag:s25] =	ssyncset.done $0x0  }
0x8d: {  	[sflag:s25] =	ssyncadd.s32 $0xFFFFC000  }
0x8e: {  	[tilespmem:s24], [sflag:$0x2] =	stream.linear.gather [spmem:s16], $0x4000, $0x38;
	[tilespmem:$0x18200] =	vst v63  }
0x8f: {  	_ =	swait.ge [sflag:s25], $0x4000  }
0x90: {  	[sflag:s25] =	ssyncset.done $0x0  }
0x91: {  	[sflag:s25] =	ssyncadd.s32 $0xFFFFC000  }
0x92: {  	[hbm4b:s17+s4] =	stream.linear.scatter [tilespmem:s24], [sflag:$0x2], $0x4000, $0x38;
	[tilespmem:$0x18200] =	vst v63  }
0x93: {  	_ =	swait.ge [sflag:s25], $0x4000  }
0x94: {  	[sflag:s25] =	ssyncset.done $0x0  }
0x95: {  	[sflag:s25] =	ssyncadd.s32 $0xFFFFC000  }
0x96: {  	[tilespmem:s24], [sflag:$0x2] =	stream.linear.gather [spmem:s18], $0x4000, $0x38;
	[tilespmem:$0x18200] =	vst v63  }
0x97: {  	_ =	swait.ge [sflag:s25], $0x4000  }
0x98: {  	[sflag:s25] =	ssyncset.done $0x0  }
0x99: {  	[sflag:s25] =	ssyncadd.s32 $0xFFFFC000  }
0x9a: {  	[hbm4b:s19+s4] =	stream.linear.scatter [tilespmem:s24], [sflag:$0x2], $0x4000, $0x38;
	[tilespmem:$0x18200] =	vst v63  }
0x9b: {  	_ =	swait.ge [sflag:s25], $0x4000  }
0x9c: {  	[sflag:s25] =	ssyncset.done $0x0  }
0x9d: {  	[sflag:s25] =	ssyncadd.s32 $0xFFFFC000  }
0x9e: {  	[tilespmem:s24], [sflag:$0x2] =	stream.linear.gather [spmem:s20], $0x4000, $0x38;
	[tilespmem:$0x18200] =	vst v63  }
0x9f: {  	_ =	swait.ge [sflag:s25], $0x4000  }
0xa0: {  	[sflag:s25] =	ssyncset.done $0x0  }
0xa1: {  	[sflag:s25] =	ssyncadd.s32 $0xFFFFC000  }
0xa2: {  	[hbm4b:s21+s4] =	stream.linear.scatter [tilespmem:s24], [sflag:$0x2], $0x4000, $0x38;
	[tilespmem:$0x18200] =	vst v63  }
0xa3: {  	_ =	swait.ge [sflag:s25], $0x4000  }
0xa4: {  	[sflag:s25] =	ssyncset.done $0x0  }
0xa5: {  	[sflag:s25] =	ssyncadd.s32 $0xFFFFC000  }
0xa6: {  	[tilespmem:s24], [sflag:$0x2] =	stream.linear.gather [spmem:s22], $0x4000, $0x38;
	[tilespmem:$0x18200] =	vst v63  }
0xa7: {  	s31 =	sadd.s32 $0x1, s31;
	_ =	swait.ge [sflag:s25], $0x4000  }
0xa8: {  	p0 =	sne.s32 s31, s14;
	[sflag:s25] =	ssyncset.done $0x0  }
.Ltmp3:
0xa9: {  	[sflag:s25] =	ssyncadd.s32 $0xFFFFC000;
	(pc) =	sbr.rel @p0 .LBB2_1-.Ltmp3, $4  }
0xaa: {  	[hbm4b:s23+s4] =	stream.linear.scatter [tilespmem:s24], [sflag:$0x2], $0x4000, $0x38;
	[tilespmem:$0x18200] =	vst v63  }
0xab: {  	_ =	swait.ge [sflag:s25], $0x4000  }
0xac: {  	[sflag:s25] =	ssyncset.done $0x0  }
0xad: {  	[sflag:s25] =	ssyncadd.s32 $0xFFFFC000  }
0xae: {  	_ =	sfence.sel $0x180000  }
0xaf: {  	[bflag:$0x0] =	sbarrier.arrive $0xFFFF  }
0xb0: {  	_ =	strace $0x90000050  }
0xb1: {  	s0 =	stileid.u32;
	[bflag:$0x2] =	sbarrier.arrive $0xFFFF  }
0xb2: {  	p0 =	sne.s32 s0, $0x0;
	s0 =	rddreg [dreg:$0x3]  }
0xb3: {  	s0 =	sadd.s32 @!p0 $0x100000, s0  }
0xb4: {  	[sflag:s0] =	ssyncadd.tile.s32 @!p0 $0x1;
	_ =	shalt  }
.Lfunc_end2:
_tile_overlayer_lowered:
.L_overlay_start_2:
0xb5: {  	(tag) =	ssettag $0x2  }
0xb6: {  	s0 =	rddreg [dreg:$0x0];
	s2 =	stileid.u32  }
0xb7: {  	s1 =	rddreg [dreg:$0x1];
	p0 =	sne.s32 s2, $0x0  }
0xb8: {  	s3 =	rddreg [dreg:$0x2];
	[bflag:$0x3] =	sbarrier.arrive $0xFFFF;
	s2 =	simm.s32 @!p0 $0x1C02  }
0xb9: {  	[timem:s3], [sflag:s2] =	dma.local @!p0 [hbm:s0], s1  }
0xba: {  	s0 =	simm.s32 @!p0 $0x2  }
0xbb: {  	_ =	swait.ge @!p0 [sflag:s0], s1  }
0xbc: {  	s1 =	ssub.s32 @!p0 $0x0, s1;
	[sflag:s0] =	ssyncset.done @!p0 $0x0  }
0xbd: {  	[sflag:s0] =	ssyncadd.s32 @!p0 s1  }
0xbe: {  	[bflag:$0x3] =	sbarrier.arrive $0xFFFF  }
0xbf: {  	_ =	shalt  }

// kernel: kernel.8.cloned.1.call-start
scs
__scs_entry_jumppad:
0x0: {  	(pc) =	sbr.rel $0x88, $3  }
0x1: {  	(tag) =	ssettag $0x0;
	lr =	simm.s32 $0x1  }
0x2: {  	[smem:$0x3F94] =	sst lr;
	_ =	strace $0xD0000000  }
0x3: {  	_ = 	snop  }
0x4: {  	_ = 	snop  }
0x5: {  	_ = 	snop  }
0x6: {  	_ = 	snop  }
0x7: {  	_ = 	snop  }
__scs_overlays_trampoline_lowered:
0x8: {  	[smem:$0x3FA3] =	sst s0  }
0x9: {  	[smem:$0x3FA4] =	sst s1  }
0xa: {  	[smem:$0x3FA5] =	sst s2  }
0xb: {  	[smem:$0x3FA6] =	sst s3  }
0xc: {  	[smem:$0x3FA7] =	sst s4  }
0xd: {  	[smem:$0x3FA8] =	sst s5  }
0xe: {  	[smem:$0x3FA9] =	sst s6  }
0xf: {  	[smem:$0x3FAA] =	sst s7  }
0x10: {  	[smem:$0x3FAB] =	sst s8  }
0x11: {  	[smem:$0x3FAC] =	sst s9;
	s0 =	simm.s32 @!p0 $0x0  }
0x12: {  	s1 =	sld [smem:$0x3F92];
	s0 =	simm.s32 @p0 $0x1  }
0x13: {  	[smem:$0x3FAD] =	sst s0;
	s0 =	simm.s32 @!p1 $0x0  }
0x14: {  	s2 =	sld [smem:$0x3F91];
	s0 =	simm.s32 @p1 $0x1  }
0x15: {  	[smem:$0x3FAE] =	sst s0;
	s0 =	simm.s32 @!p2 $0x0  }
0x16: {  	s3 =	sld [smem:$0x3FDB];
	s0 =	simm.s32 @p2 $0x1  }
0x17: {  	s4 =	simm.s32 $0x1BF5;
	[smem:$0x3FB0] =	sst s0  }
0x18: {  	s0 =	sld [smem:$0x3F93];
	_ =	swait.ge [sflag:s4], $0x0  }
0x19: {  	s7 =	sld [smem:$0x3F94]  }
0x1a: {  	s8 =	sadd.s32 $0xFFFFE003, lr  }
0x1b: {  	s9 =	sadd.s32 $0xFFFFFEF7, lr;
	s5 =	simm.s32 $0xFFFFFFFF;
	p2 =	slt.u32 s8, $0xFFFFF086  }
0x1c: {  	p1 =	slt.u32 s9, $0xF7A;
	s5 =	simm.s32 @!p2 $0x0  }
0x1d: {  	s5 =	simm.s32 @p1 $0x1;
	p0 =	seq.s32 s7, s2  }
0x1e: {  	s7 =	smul.u32 @!p0 $0xF7A, s2;
	p2 =	seq.s32 @!p0 s5, $0x0  }
0x1f: {  	s9 =	smul.u32 $0xF7A, s1;
	s8 =	simm.s32 @!p0 $0x1BF5;
	p2 =	por !p2, p0  }
0x20: {  	[sflag:s8] =	ssyncset.s32 @!p0 $0xFFFFF086;
	s6 =	sadd.s32 @!p0 s3, s7;
	s7 =	simm.s32 @!p0 $0x108  }
0x21: {  	s3 =	sadd.s32 s3, s9;
	s6 =	sadd.s32 @!p0 $0x88, s6;
	s7 =	simm.s32 @p2 $0x1082  }
0x22: {  	[simem:s7], [sflag:s8] =	dma.local @!p0 [hbm:s6], $0xF7A  }
0x23: {  	s9 =	sor.u32 $0xD0000000, s2;
	s6 =	simm.s32 $0x108;
	_ =	swait.ge @!p0 [sflag:s8], $0x0  }
0x24: {  	s3 =	sadd.s32 $0x88, s3;
	s6 =	simm.s32 @!p1 $0x1082;
	[sflag:s4] =	ssyncset.s32 $0xFFFFF086  }
0x25: {  	[simem:s6], [sflag:s4] =	dma.local [hbm:s3], $0xF7A  }
0x26: {  	[smem:$0x3F94] =	sst s1;
	(tag) =	ssettag s2;
	_ =	strace s9  }
0x27: {  	s1 =	sld [smem:$0x3FA4]  }
0x28: {  	s2 =	sld [smem:$0x3FA5]  }
0x29: {  	s4 =	sld [smem:$0x3FA7]  }
0x2a: {  	p0 =	seq.s32 s5, $0x0;
	s5 =	sld [smem:$0x3FA8]  }
0x2b: {  	s6 =	sld [smem:$0x3FA9]  }
0x2c: {  	s7 =	sld [smem:$0x3FAA]  }
0x2d: {  	s3 =	simm.s32 $0x108;
	s8 =	sld [smem:$0x3FAB]  }
0x2e: {  	s3 =	simm.s32 @!p0 $0x1082;
	s9 =	sld [smem:$0x3FAC]  }
0x2f: {  	lr =	sadd.s32 s0, s3;
	s0 =	sld [smem:$0x3FA3]  }
0x30: {  	s3 =	sld [smem:$0x3FA6]  }
0x31: {  	[smem:$0x3FAF] =	sst s10  }
0x32: {  	s10 =	sld [smem:$0x3FAD];
	_ =	sdelay $0x3  }
0x33: {  	p0 =	seq.s32 s10, $0x1;
	s10 =	sld [smem:$0x3FAF];
	_ =	sdelay $0x3  }
0x34: {  	[smem:$0x3FAF] =	sst s10  }
0x35: {  	s10 =	sld [smem:$0x3FAE];
	_ =	sdelay $0x3  }
0x36: {  	p1 =	seq.s32 s10, $0x1;
	s10 =	sld [smem:$0x3FAF];
	_ =	sdelay $0x3  }
0x37: {  	[smem:$0x3FAF] =	sst s10  }
0x38: {  	s10 =	sld [smem:$0x3FB0]  }
0x39: {  	_ = 	snop;
	(pc) =	sbr.ind lr, $3  }
0x3a: {  	_ = 	snop  }
0x3b: {  	_ = 	snop  }
0x3c: {  	p2 =	seq.s32 s10, $0x1;
	s10 =	sld [smem:$0x3FAF]  }
0x3d: {  	_ =	shalt  }
0x3e: {  	_ =	shalt  }
0x3f: {  	_ =	shalt  }
0x40: {  	_ =	shalt  }
0x41: {  	_ =	shalt  }
0x42: {  	_ =	shalt  }
0x43: {  	_ =	shalt  }
0x44: {  	_ =	shalt  }
0x45: {  	_ =	shalt  }
0x46: {  	_ =	shalt  }
0x47: {  	_ =	shalt  }
0x48: {  	_ =	shalt  }
0x49: {  	_ =	shalt  }
0x4a: {  	_ =	shalt  }
0x4b: {  	_ =	shalt  }
0x4c: {  	_ =	shalt  }
0x4d: {  	_ =	shalt  }
0x4e: {  	_ =	shalt  }
0x4f: {  	_ =	shalt  }
0x50: {  	_ =	shalt  }
0x51: {  	_ =	shalt  }
0x52: {  	_ =	shalt  }
0x53: {  	_ =	shalt  }
0x54: {  	_ =	shalt  }
0x55: {  	_ =	shalt  }
0x56: {  	_ =	shalt  }
0x57: {  	_ =	shalt  }
0x58: {  	_ =	shalt  }
0x59: {  	_ =	shalt  }
0x5a: {  	_ =	shalt  }
0x5b: {  	_ =	shalt  }
0x5c: {  	_ =	shalt  }
0x5d: {  	_ =	shalt  }
0x5e: {  	_ =	shalt  }
0x5f: {  	_ =	shalt  }
0x60: {  	_ =	shalt  }
0x61: {  	_ =	shalt  }
0x62: {  	_ =	shalt  }
0x63: {  	_ =	shalt  }
0x64: {  	_ =	shalt  }
0x65: {  	_ =	shalt  }
0x66: {  	_ =	shalt  }
0x67: {  	_ =	shalt  }
0x68: {  	_ =	shalt  }
0x69: {  	_ =	shalt  }
0x6a: {  	_ =	shalt  }
0x6b: {  	_ =	shalt  }
0x6c: {  	_ =	shalt  }
0x6d: {  	_ =	shalt  }
0x6e: {  	_ =	shalt  }
0x6f: {  	_ =	shalt  }
0x70: {  	_ =	shalt  }
0x71: {  	_ =	shalt  }
0x72: {  	_ =	shalt  }
0x73: {  	_ =	shalt  }
0x74: {  	_ =	shalt  }
0x75: {  	_ =	shalt  }
0x76: {  	_ =	shalt  }
0x77: {  	_ =	shalt  }
0x78: {  	_ =	shalt  }
0x79: {  	_ =	shalt  }
0x7a: {  	_ =	shalt  }
0x7b: {  	_ =	shalt  }
0x7c: {  	_ =	shalt  }
0x7d: {  	_ =	shalt  }
0x7e: {  	_ =	shalt  }
0x7f: {  	_ =	shalt  }
0x80: {  	_ =	shalt  }
0x81: {  	_ =	shalt  }
0x82: {  	_ =	shalt  }
0x83: {  	_ =	shalt  }
0x84: {  	_ =	shalt  }
0x85: {  	_ =	shalt  }
0x86: {  	_ =	shalt  }
0x87: {  	_ =	shalt  }
.Lfunc_end0:
.L_simem_size_0:
called_computation_lowered:
.L_overlay_start_0:
0x88: {  	s2 =	sld [smem:$0x3FD9]  }
0x89: {  	s3 =	sld [smem:$0x3FFE];
	_ =	sdelay $0x1  }
0x8a: {  	s1 =	srdreg.scid  }
0x8b: {  	s0 =	sand.u32 $0x1, s1  }
0x8c: {  	s16 =	sshll.u32 s0, $0xA;
	s2 =	sadd.s32 s3, s2  }
0x8d: {  	s2 =	sadd.s32 s2, s16  }
0x8e: {  	[smem:$0x3FBB] =	sst s2  }
0x8f: {  	_ = 	snop  }
0x90: {  	(tm) =	ssettm $0x1  }
0x91: {  	s17 =	sld [smem:$0x3FFB];
	_ =	sdelay $0x3  }
0x92: {  	_ =	strace s17  }
0x93: {  	s2 =	sld [smem:$0x3FFC];
	_ =	sdelay $0x3  }
0x94: {  	_ =	strace s2  }
0x95: {  	s2 =	sld [smem:$0x3FFD];
	_ =	sdelay $0x3  }
0x96: {  	_ =	strace s2  }
0x97: {  	_ =	strace $0x8FFFFFFF  }
0x98: {  	s18 =	sld [smem:$0x3FDB];
	_ =	sdelay $0x1  }
0x99: {  	s19 =	simm.s32 $_scs_section_size  }
0x9a: {  	s4 =	simm.s32 $_size__tile_overlayer_lowered;
	s5 =	simm.s32 $_tile_overlayer_lowered  }
0x9b: {  	s22 =	simm.s32 $0x1BFF;
	s21 =	sshll.u32 s5, $0x1;
	s2 =	sadd.s32 s19, s18  }
0x9c: {  	s6 =	simm.s32 $0x0;
	s20 =	sshll.u32 s4, $0x1;
	s4 =	sadd.s32 s21, s2  }
0x9d: {  	[timem:s6], [sflag:s22] =	dma.local [hbm:s4], s20  }
0x9e: {  	_ =	swait.ge [sflag:s22], s20  }
0x9f: {  	s3 =	ssub.s32 $0x0, s20;
	[sflag:s22] =	ssyncset.done $0x0  }
0xa0: {  	[sflag:s22] =	ssyncadd.s32 s3;
	_ =	sdelay $0x1  }
0xa1: {  	s23 =	simm.s32 $0x1B8B  }
0xa2: {  	_ =	swait.ge [sflag:s23], $0x1  }
0xa3: {  	[sflag:s23] =	ssyncset.done $0x0  }
0xa4: {  	s25 =	simm.s32 $0x1B8E;
	s24 =	sld [smem:$0x3FFE];
	[sflag:s23] =	ssyncadd.s32 $0xFFFFFFFF  }
0xa5: {  	s26 =	simm.s32 $execute0_lowered;
	[smem:$0x3FD2] =	sst s25  }
0xa6: {  	s4 =	sshll.u32 s26, $0x1;
	_ =	strace $0x80000046;
	[dreg:$0x1] =	wrdreg $0xFFFFFFFF  }
0xa7: {  	s28 =	simm.s32 $_size_execute0_lowered;
	s2 =	sadd.s32 s2, s4;
	[dreg:$0x0] =	wrdreg $0x0  }
0xa8: {  	s4 =	sshll.u32 s28, $0x1;
	[dreg:$0x2] =	wrdreg s2  }
0xa9: {  	[dreg:$0x3] =	wrdreg s4  }
0xaa: {  	[dreg:$0x4] =	wrdreg $0xC0  }
0xab: {  	_ =	task [dreg:s6], $0x5FFFF  }
0xac: {  	[dreg:$0x1] =	wrdreg $0xFFFFFFFF  }
0xad: {  	[dreg:$0x0] =	wrdreg $0x60  }
0xae: {  	[dreg:$0x2] =	wrdreg s24  }
0xaf: {  	[dreg:$0x3] =	wrdreg $0xCD800  }
0xb0: {  	[dreg:$0x4] =	wrdreg $0x9  }
0xb1: {  	_ =	task.clear_ibuf [dreg:s6], $0x5FFFF;
	_ =	strace $0x90000046  }
0xb2: {  	s29 =	simm.s32 $0x9;
	_ =	strace $0x80000048  }
0xb3: {  	_ =	swait.ge [sflag:s29], $0x1  }
0xb4: {  	[sflag:s29] =	ssyncadd.s32 $0xFFFFFFFF  }
0xb5: {  	_ =	strace $0x90000048  }
0xb6: {  	_ =	sfence  }
0xb7: {  	s30 =	sld [smem:$0x0];
	_ =	sdelay $0x2  }
0xb8: {  	s31 =	sshll.u32 s1, $0xD;
	s1 =	sshrl.u32 s1, $0x2  }
0xb9: {  	s3 =	sand.u32 $0x4000, s31;
	s1 =	sadd.s32 s1, s30  }
0xba: {  	s0 =	sor.u32 s3, s0;
	s1 =	sshll.u32 s1, $0x11  }
0xbb: {  	s0 =	sor.u32 s1, s0  }
0xbc: {  	s0 =	sadd.s32 $0x8F2B, s0  }
0xbd: {  	[sflag:s0] =	ssyncadd.remote.s32 $0x1  }
0xbe: {  	_ =	sfence.sel $0xFFFF  }
0xbf: {  	[dreg:$0x0] =	wrdreg $0xFFFFFFFF;
	(pc) =	sbr.abs _section_cstart, $3  }
0xc0: {  	[dreg:$0x1] =	wrdreg $0xFFFFFFFF  }
0xc1: {  	_ =	task.clear_ibuf [dreg:s6], $0x2FFFF;
	_ =	strace $0x9FFFFFFF  }
0xc2: {  	(tm) =	ssettm $0x7FFFFFFF  }
0xc3: {  	_ =	shalt  }
tec
execute0_lowered:
.L_overlay_start_1:
0x0: {  	(tag) =	ssettag $0x1  }
0x1: {  	s0 =	rddreg [dreg:$0x0];
	s1 =	srdreg.scid  }
0x2: {  	s3 =	rddreg [dreg:$0x1];
	s7 =	stileid.u32  }
0x3: {  	s2 =	simm.s32 $0x0;
	s28 =	simm.s32 $0x100;
	s5 =	smul.u32 $0x140, s7  }
0x4: {  	s29 =	simm.s32 $0x2900;
	s30 =	simm.s32 $0x2C00;
	s6 =	smul.u32 $0x9E0, s7  }
0x5: {  	s1 =	sand.u32 $0x1, s1;
	[smem:$0x7FF] =	sst s2;
	s7 =	smul.u32 $0xA000, s7  }
0x6: {  	s4 =	smul.u32 $0x1400, s1;
	_ =	strace $0x80000047;
	s1 =	ssub.s32 $0x2, s1  }
0x7: {  	s11 =	sadd.s32 s6, s0;
	s21 =	sshrl.u32 s1, $0x1;
	s7 =	sshrl.u32 s7, $0x2  }
0x8: {  	s4 =	sadd.s32 s5, s4;
	s1 =	ssub.s32 s1, s21;
	s7 =	sadd.s32 s7, s3  }
0x9: {  	s20 =	sshrl.u32 s4, $0x3;
	s8 =	sshll.u32 s4, $0x4;
	[dreg:$0x3] =	wrdreg s7  }
0xa: {  	s4 =	sadd.s32 s4, s3;
	s6 =	sadd.s32 s20, s0;
	s0 =	sadd.s32 s8, s0  }
0xb: {  	s3 =	sadd.s32 $0x2800, s4;
	s22 =	sadd.s32 $0x5000, s4;
	s23 =	sadd.s32 $0x7800, s4  }
0xc: {  	s24 =	sadd.s32 $0xA000, s4;
	s25 =	sadd.s32 $0xC800, s4;
	[dreg:$0x4] =	wrdreg s3  }
0xd: {  	s26 =	sadd.s32 $0xF000, s4;
	s31 =	sadd.s32 $0x11800, s4;
	[dreg:$0x5] =	wrdreg s22  }
0xe: {  	s12 =	sadd.s32 $0x14000, s4;
	s13 =	sadd.s32 $0x16800, s4;
	[dreg:$0x6] =	wrdreg s23  }
0xf: {  	s14 =	sadd.s32 $0x19000, s4;
	s15 =	sadd.s32 $0x1B800, s4;
	[dreg:$0x7] =	wrdreg s24  }
0x10: {  	s16 =	sadd.s32 $0x1E000, s4;
	s17 =	sadd.s32 $0x20800, s4;
	[dreg:$0x8] =	wrdreg s25  }
0x11: {  	s18 =	sadd.s32 $0x23000, s4;
	s19 =	sadd.s32 $0x25800, s4;
	[dreg:$0x9] =	wrdreg s26  }
0x12: {  	[dreg:$0xa] =	wrdreg s31;
	s20 =	sadd.s32 $0x17A00, s6;
	s21 =	sadd.s32 $0x18000, s0  }
0x13: {  	s22 =	smax.u32 s1, $0x1;
	s23 =	sadd.s32 $0xDC00, s11;
	s24 =	sadd.s32 $0x3E00, s11  }
0x14: {  	v0 =	vimm.f32 $0.0e+00;
	s25 =	simm.s32 $0x1;
	s26 =	simm.s32 $0x80;
	s0 =	simm.s32 $0x0  }
.LBB2_1:
0x15: {  	s1 =	simm.s32 $0x0  }
.LBB2_2:
0x16: {  	p0 =	sne.s32 s1, $0x9FC0  }
.Ltmp0:
0x17: {  	_ = 	snop;
	(pc) =	sbr.rel @p0 .LBB2_2-.Ltmp0, $3  }
0x18: {  	_ =	sdelay $0x1  }
0x19: {  	s3 =	sshra.s32 s1, $0x2  }
0x1a: {  	s1 =	sadd.s32 $0x40, s1;
	[tilespmem:s3+$0x100] =	vst v0  }
0x1b: {  	s1 =	simm.s32 $0x0  }
.LBB2_4:
0x1c: {  	s3 =	sadd.s32 s1, s24  }
0x1d: {  	[tilespmem:s2], [sflag:$0x1] =	stream.linear.gather [hbm4b:s3+s2], $0x80, $0x38;
	[tilespmem:$0xF580] =	vst v63  }
0x1e: {  	_ =	swait.ge [sflag:s25], $0x80  }
0x1f: {  	[sflag:s25] =	ssyncset.done $0x0  }
0x20: {  	s31 =	sadd.s32 s1, s23;
	[sflag:s25] =	ssyncadd.s32 $0xFFFFFF80  }
0x21: {  	[tilespmem:s26], [sflag:$0x1] =	stream.linear.gather [hbm4b:s31+s2], $0x80, $0x38;
	[tilespmem:$0xF580] =	vst v63  }
0x22: {  	_ =	swait.ge [sflag:s25], $0x80  }
0x23: {  	[sflag:s25] =	ssyncset.done $0x0  }
0x24: {  	[sflag:s25] =	ssyncadd.s32 $0xFFFFFF80  }
0x25: {  	v1 =	vld [tilespmem:$0x0];
	_ =	sdelay $0x2  }
0x26: {  	v2 =	vld [tilespmem:$0x80];
	_ =	sdelay $0x4  }
0x27: {  	[tilespmem:v1+s28+$0x0] =	vst.idx.add.f32.msk $0xffff, v2  }
0x28: {  	v1 =	vld [tilespmem:$0x10];
	_ =	sdelay $0x2  }
0x29: {  	v2 =	vld [tilespmem:$0x90];
	_ =	sdelay $0x4  }
0x2a: {  	[tilespmem:v1+s28+$0x0] =	vst.idx.add.f32.msk $0xffff, v2  }
0x2b: {  	v1 =	vld [tilespmem:$0x20];
	_ =	sdelay $0x2  }
0x2c: {  	v2 =	vld [tilespmem:$0xA0];
	_ =	sdelay $0x4  }
0x2d: {  	[tilespmem:v1+s28+$0x0] =	vst.idx.add.f32.msk $0xffff, v2  }
0x2e: {  	v1 =	vld [tilespmem:$0x30];
	_ =	sdelay $0x2  }
0x2f: {  	v2 =	vld [tilespmem:$0xB0];
	_ =	sdelay $0x4  }
0x30: {  	[tilespmem:v1+s28+$0x0] =	vst.idx.add.f32.msk $0xffff, v2  }
0x31: {  	v1 =	vld [tilespmem:$0x40];
	_ =	sdelay $0x2  }
0x32: {  	v2 =	vld [tilespmem:$0xC0];
	_ =	sdelay $0x4  }
0x33: {  	[tilespmem:v1+s28+$0x0] =	vst.idx.add.f32.msk $0xffff, v2  }
0x34: {  	v1 =	vld [tilespmem:$0x50];
	_ =	sdelay $0x2  }
0x35: {  	v2 =	vld [tilespmem:$0xD0];
	_ =	sdelay $0x4  }
0x36: {  	[tilespmem:v1+s28+$0x0] =	vst.idx.add.f32.msk $0xffff, v2  }
0x37: {  	v1 =	vld [tilespmem:$0x60];
	_ =	sdelay $0x2  }
0x38: {  	v2 =	vld [tilespmem:$0xE0];
	_ =	sdelay $0x4  }
0x39: {  	[tilespmem:v1+s28+$0x0] =	vst.idx.add.f32.msk $0xffff, v2  }
0x3a: {  	v1 =	vld [tilespmem:$0x70];
	_ =	sdelay $0x2  }
0x3b: {  	p0 =	sne.s32 s1, $0x9D0;
	v2 =	vld [tilespmem:$0xF0]  }
.Ltmp1:
0x3c: {  	_ = 	snop;
	(pc) =	sbr.rel @p0 .LBB2_4-.Ltmp1, $2  }
0x3d: {  	_ =	sdelay $0x2  }
0x3e: {  	s1 =	sadd.s32 $0x10, s1;
	[tilespmem:v1+s28+$0x0] =	vst.idx.add.f32.msk $0xffff, v2  }
0x3f: {  	s1 =	rddreg [dreg:$0x3]  }
0x40: {  	[spmem:s1] =	stream.linear.scatter [tilespmem:s28], [sflag:$0x1], $0x2800, $0x38;
	[tilespmem:$0xF580] =	vst v63  }
0x41: {  	_ =	swait.ge [sflag:s25], $0x2800  }
0x42: {  	[sflag:s25] =	ssyncset.done $0x0  }
0x43: {  	[sflag:s25] =	ssyncadd.s32 $0xFFFFD800  }
0x44: {  	[bflag:$0x0] =	sbarrier.arrive $0xFFFF  }
0x45: {  	[tilespmem:$0x2A80] =	vst v0  }
0x46: {  	[tilespmem:$0x2A90] =	vst v0  }
0x47: {  	[tilespmem:$0x2AA0] =	vst v0  }
0x48: {  	[tilespmem:$0x2AB0] =	vst v0  }
0x49: {  	[tilespmem:$0x2AC0] =	vst v0  }
0x4a: {  	[tilespmem:$0x2AD0] =	vst v0  }
0x4b: {  	[tilespmem:$0x2AE0] =	vst v0  }
0x4c: {  	[tilespmem:$0x2AF0] =	vst v0  }
0x4d: {  	[tilespmem:$0x2B00] =	vst v0  }
0x4e: {  	[tilespmem:$0x2B10] =	vst v0  }
0x4f: {  	[tilespmem:$0x2B20] =	vst v0  }
0x50: {  	[tilespmem:$0x2B30] =	vst v0  }
0x51: {  	[tilespmem:$0x2B40] =	vst v0  }
0x52: {  	[tilespmem:$0x2B50] =	vst v0  }
0x53: {  	[tilespmem:$0x2B60] =	vst v0  }
0x54: {  	[tilespmem:$0x2B70] =	vst v0  }
0x55: {  	[tilespmem:$0x2B80] =	vst v0  }
0x56: {  	[tilespmem:$0x2B90] =	vst v0  }
0x57: {  	[tilespmem:$0x2BA0] =	vst v0  }
0x58: {  	[tilespmem:$0x2BB0] =	vst v0  }
0x59: {  	[tilespmem:s29], [sflag:$0x1] =	stream.linear.gather [spmem:s4], $0x140, $0x38;
	[tilespmem:$0xF580] =	vst v63  }
0x5a: {  	_ =	swait.ge [sflag:s25], $0x140  }
0x5b: {  	[sflag:s25] =	ssyncset.done $0x0  }
0x5c: {  	s1 =	simm.s32 $0x0;
	[sflag:s25] =	ssyncadd.s32 $0xFFFFFEC0  }
0x5d: {  	s3 =	simm.s32 $0x40;
	v1 =	vld [tilespmem:s1+$0x2900]  }
.LBB2_6:
0x5e: {  	p0 =	sne.s32 s3, $0x4C0;
	v2 =	vld [tilespmem:s1+$0x2A80];
	_ =	sdelay $0x2  }
.Ltmp2:
0x5f: {  	(pc) =	sbr.rel @p0 .LBB2_6-.Ltmp2, $4  }
0x60: {  	_ = 	snop  }
0x61: {  	v2 =	vadd.f32 v1, v2  }
0x62: {  	s5 =	sshra.s32 s3, $0x2  }
0x63: {  	s3 =	sadd.s32 $0x40, s3;
	v1 =	vld [tilespmem:s5+$0x2900];
	[tilespmem:s1+$0x2A80] =	vst v2;
	s1 =	smov.u32 s5  }
0x64: {  	v2 =	vld [tilespmem:s1+$0x2A80];
	_ =	sdelay $0x4  }
0x65: {  	v1 =	vadd.f32 v1, v2;
	_ =	sdelay $0x1  }
0x66: {  	s31 =	rddreg [dreg:$0x4];
	[tilespmem:s1+$0x2A80] =	vst v1  }
0x67: {  	[tilespmem:s29], [sflag:$0x1] =	stream.linear.gather [spmem:s31], $0x140, $0x38;
	[tilespmem:$0xF580] =	vst v63  }
0x68: {  	_ =	swait.ge [sflag:s25], $0x140  }
0x69: {  	[sflag:s25] =	ssyncset.done $0x0  }
0x6a: {  	s1 =	simm.s32 $0x0;
	[sflag:s25] =	ssyncadd.s32 $0xFFFFFEC0  }
0x6b: {  	s3 =	simm.s32 $0x40;
	v1 =	vld [tilespmem:s1+$0x2900]  }
.LBB2_8:
0x6c: {  	p0 =	sne.s32 s3, $0x4C0;
	v2 =	vld [tilespmem:s1+$0x2A80];
	_ =	sdelay $0x2  }
.Ltmp3:
0x6d: {  	(pc) =	sbr.rel @p0 .LBB2_8-.Ltmp3, $4  }
0x6e: {  	_ = 	snop  }
0x6f: {  	v2 =	vadd.f32 v1, v2  }
0x70: {  	s5 =	sshra.s32 s3, $0x2  }
0x71: {  	s3 =	sadd.s32 $0x40, s3;
	v1 =	vld [tilespmem:s5+$0x2900];
	[tilespmem:s1+$0x2A80] =	vst v2;
	s1 =	smov.u32 s5  }
0x72: {  	v2 =	vld [tilespmem:s1+$0x2A80];
	_ =	sdelay $0x4  }
0x73: {  	v1 =	vadd.f32 v1, v2;
	_ =	sdelay $0x1  }
0x74: {  	s31 =	rddreg [dreg:$0x5];
	[tilespmem:s1+$0x2A80] =	vst v1  }
0x75: {  	[tilespmem:s29], [sflag:$0x1] =	stream.linear.gather [spmem:s31], $0x140, $0x38;
	[tilespmem:$0xF580] =	vst v63  }
0x76: {  	_ =	swait.ge [sflag:s25], $0x140  }
0x77: {  	[sflag:s25] =	ssyncset.done $0x0  }
0x78: {  	s1 =	simm.s32 $0x0;
	[sflag:s25] =	ssyncadd.s32 $0xFFFFFEC0  }
0x79: {  	s3 =	simm.s32 $0x40;
	v1 =	vld [tilespmem:s1+$0x2900]  }
.LBB2_10:
0x7a: {  	p0 =	sne.s32 s3, $0x4C0;
	v2 =	vld [tilespmem:s1+$0x2A80];
	_ =	sdelay $0x2  }
.Ltmp4:
0x7b: {  	(pc) =	sbr.rel @p0 .LBB2_10-.Ltmp4, $4  }
0x7c: {  	_ = 	snop  }
0x7d: {  	v2 =	vadd.f32 v1, v2  }
0x7e: {  	s5 =	sshra.s32 s3, $0x2  }
0x7f: {  	s3 =	sadd.s32 $0x40, s3;
	v1 =	vld [tilespmem:s5+$0x2900];
	[tilespmem:s1+$0x2A80] =	vst v2;
	s1 =	smov.u32 s5  }
0x80: {  	v2 =	vld [tilespmem:s1+$0x2A80];
	_ =	sdelay $0x4  }
0x81: {  	v1 =	vadd.f32 v1, v2;
	_ =	sdelay $0x1  }
0x82: {  	s31 =	rddreg [dreg:$0x6];
	[tilespmem:s1+$0x2A80] =	vst v1  }
0x83: {  	[tilespmem:s29], [sflag:$0x1] =	stream.linear.gather [spmem:s31], $0x140, $0x38;
	[tilespmem:$0xF580] =	vst v63  }
0x84: {  	_ =	swait.ge [sflag:s25], $0x140  }
0x85: {  	[sflag:s25] =	ssyncset.done $0x0  }
0x86: {  	s1 =	simm.s32 $0x0;
	[sflag:s25] =	ssyncadd.s32 $0xFFFFFEC0  }
0x87: {  	s3 =	simm.s32 $0x40;
	v1 =	vld [tilespmem:s1+$0x2900]  }
.LBB2_12:
0x88: {  	p0 =	sne.s32 s3, $0x4C0;
	v2 =	vld [tilespmem:s1+$0x2A80];
	_ =	sdelay $0x2  }
.Ltmp5:
0x89: {  	(pc) =	sbr.rel @p0 .LBB2_12-.Ltmp5, $4  }
0x8a: {  	_ = 	snop  }
0x8b: {  	v2 =	vadd.f32 v1, v2  }
0x8c: {  	s5 =	sshra.s32 s3, $0x2  }
0x8d: {  	s3 =	sadd.s32 $0x40, s3;
	v1 =	vld [tilespmem:s5+$0x2900];
	[tilespmem:s1+$0x2A80] =	vst v2;
	s1 =	smov.u32 s5  }
0x8e: {  	v2 =	vld [tilespmem:s1+$0x2A80];
	_ =	sdelay $0x4  }
0x8f: {  	v1 =	vadd.f32 v1, v2;
	_ =	sdelay $0x1  }
0x90: {  	s31 =	rddreg [dreg:$0x7];
	[tilespmem:s1+$0x2A80] =	vst v1  }
0x91: {  	[tilespmem:s29], [sflag:$0x1] =	stream.linear.gather [spmem:s31], $0x140, $0x38;
	[tilespmem:$0xF580] =	vst v63  }
0x92: {  	_ =	swait.ge [sflag:s25], $0x140  }
0x93: {  	[sflag:s25] =	ssyncset.done $0x0  }
0x94: {  	s1 =	simm.s32 $0x0;
	[sflag:s25] =	ssyncadd.s32 $0xFFFFFEC0  }
0x95: {  	s3 =	simm.s32 $0x40;
	v1 =	vld [tilespmem:s1+$0x2900]  }
.LBB2_14:
0x96: {  	p0 =	sne.s32 s3, $0x4C0;
	v2 =	vld [tilespmem:s1+$0x2A80];
	_ =	sdelay $0x2  }
.Ltmp6:
0x97: {  	(pc) =	sbr.rel @p0 .LBB2_14-.Ltmp6, $4  }
0x98: {  	_ = 	snop  }
0x99: {  	v2 =	vadd.f32 v1, v2  }
0x9a: {  	s5 =	sshra.s32 s3, $0x2  }
0x9b: {  	s3 =	sadd.s32 $0x40, s3;
	v1 =	vld [tilespmem:s5+$0x2900];
	[tilespmem:s1+$0x2A80] =	vst v2;
	s1 =	smov.u32 s5  }
0x9c: {  	v2 =	vld [tilespmem:s1+$0x2A80];
	_ =	sdelay $0x4  }
0x9d: {  	v1 =	vadd.f32 v1, v2;
	_ =	sdelay $0x1  }
0x9e: {  	s31 =	rddreg [dreg:$0x8];
	[tilespmem:s1+$0x2A80] =	vst v1  }
0x9f: {  	[tilespmem:s29], [sflag:$0x1] =	stream.linear.gather [spmem:s31], $0x140, $0x38;
	[tilespmem:$0xF580] =	vst v63  }
0xa0: {  	_ =	swait.ge [sflag:s25], $0x140  }
0xa1: {  	[sflag:s25] =	ssyncset.done $0x0  }
0xa2: {  	s1 =	simm.s32 $0x0;
	[sflag:s25] =	ssyncadd.s32 $0xFFFFFEC0  }
0xa3: {  	s3 =	simm.s32 $0x40;
	v1 =	vld [tilespmem:s1+$0x2900]  }
.LBB2_16:
0xa4: {  	p0 =	sne.s32 s3, $0x4C0;
	v2 =	vld [tilespmem:s1+$0x2A80];
	_ =	sdelay $0x2  }
.Ltmp7:
0xa5: {  	(pc) =	sbr.rel @p0 .LBB2_16-.Ltmp7, $4  }
0xa6: {  	_ = 	snop  }
0xa7: {  	v2 =	vadd.f32 v1, v2  }
0xa8: {  	s5 =	sshra.s32 s3, $0x2  }
0xa9: {  	s3 =	sadd.s32 $0x40, s3;
	v1 =	vld [tilespmem:s5+$0x2900];
	[tilespmem:s1+$0x2A80] =	vst v2;
	s1 =	smov.u32 s5  }
0xaa: {  	v2 =	vld [tilespmem:s1+$0x2A80];
	_ =	sdelay $0x4  }
0xab: {  	v1 =	vadd.f32 v1, v2;
	_ =	sdelay $0x1  }
0xac: {  	s31 =	rddreg [dreg:$0x9];
	[tilespmem:s1+$0x2A80] =	vst v1  }
0xad: {  	[tilespmem:s29], [sflag:$0x1] =	stream.linear.gather [spmem:s31], $0x140, $0x38;
	[tilespmem:$0xF580] =	vst v63  }
0xae: {  	_ =	swait.ge [sflag:s25], $0x140  }
0xaf: {  	[sflag:s25] =	ssyncset.done $0x0  }
0xb0: {  	s1 =	simm.s32 $0x0;
	[sflag:s25] =	ssyncadd.s32 $0xFFFFFEC0  }
0xb1: {  	s3 =	simm.s32 $0x40;
	v1 =	vld [tilespmem:s1+$0x2900]  }
.LBB2_18:
0xb2: {  	p0 =	sne.s32 s3, $0x4C0;
	v2 =	vld [tilespmem:s1+$0x2A80];
	_ =	sdelay $0x2  }
.Ltmp8:
0xb3: {  	(pc) =	sbr.rel @p0 .LBB2_18-.Ltmp8, $4  }
0xb4: {  	_ = 	snop  }
0xb5: {  	v2 =	vadd.f32 v1, v2  }
0xb6: {  	s5 =	sshra.s32 s3, $0x2  }
0xb7: {  	s3 =	sadd.s32 $0x40, s3;
	v1 =	vld [tilespmem:s5+$0x2900];
	[tilespmem:s1+$0x2A80] =	vst v2;
	s1 =	smov.u32 s5  }
0xb8: {  	v2 =	vld [tilespmem:s1+$0x2A80];
	_ =	sdelay $0x4  }
0xb9: {  	v1 =	vadd.f32 v1, v2;
	_ =	sdelay $0x1  }
0xba: {  	s31 =	rddreg [dreg:$0xa];
	[tilespmem:s1+$0x2A80] =	vst v1  }
0xbb: {  	[tilespmem:s29], [sflag:$0x1] =	stream.linear.gather [spmem:s31], $0x140, $0x38;
	[tilespmem:$0xF580] =	vst v63  }
0xbc: {  	_ =	swait.ge [sflag:s25], $0x140  }
0xbd: {  	[sflag:s25] =	ssyncset.done $0x0  }
0xbe: {  	s1 =	simm.s32 $0x0;
	[sflag:s25] =	ssyncadd.s32 $0xFFFFFEC0  }
0xbf: {  	s3 =	simm.s32 $0x40;
	v1 =	vld [tilespmem:s1+$0x2900]  }
.LBB2_20:
0xc0: {  	p0 =	sne.s32 s3, $0x4C0;
	v2 =	vld [tilespmem:s1+$0x2A80];
	_ =	sdelay $0x2  }
.Ltmp9:
0xc1: {  	(pc) =	sbr.rel @p0 .LBB2_20-.Ltmp9, $4  }
0xc2: {  	_ = 	snop  }
0xc3: {  	v2 =	vadd.f32 v1, v2  }
0xc4: {  	s5 =	sshra.s32 s3, $0x2  }
0xc5: {  	s3 =	sadd.s32 $0x40, s3;
	v1 =	vld [tilespmem:s5+$0x2900];
	[tilespmem:s1+$0x2A80] =	vst v2;
	s1 =	smov.u32 s5  }
0xc6: {  	v2 =	vld [tilespmem:s1+$0x2A80];
	_ =	sdelay $0x4  }
0xc7: {  	v1 =	vadd.f32 v1, v2;
	_ =	sdelay $0x1  }
0xc8: {  	[tilespmem:s1+$0x2A80] =	vst v1  }
0xc9: {  	[tilespmem:s29], [sflag:$0x1] =	stream.linear.gather [spmem:s12], $0x140, $0x38;
	[tilespmem:$0xF580] =	vst v63  }
0xca: {  	_ =	swait.ge [sflag:s25], $0x140  }
0xcb: {  	[sflag:s25] =	ssyncset.done $0x0  }
0xcc: {  	s1 =	simm.s32 $0x0;
	[sflag:s25] =	ssyncadd.s32 $0xFFFFFEC0  }
0xcd: {  	s3 =	simm.s32 $0x40;
	v1 =	vld [tilespmem:s1+$0x2900]  }
.LBB2_22:
0xce: {  	p0 =	sne.s32 s3, $0x4C0;
	v2 =	vld [tilespmem:s1+$0x2A80];
	_ =	sdelay $0x2  }
.Ltmp10:
0xcf: {  	(pc) =	sbr.rel @p0 .LBB2_22-.Ltmp10, $4  }
0xd0: {  	_ = 	snop  }
0xd1: {  	v2 =	vadd.f32 v1, v2  }
0xd2: {  	s5 =	sshra.s32 s3, $0x2  }
0xd3: {  	s3 =	sadd.s32 $0x40, s3;
	v1 =	vld [tilespmem:s5+$0x2900];
	[tilespmem:s1+$0x2A80] =	vst v2;
	s1 =	smov.u32 s5  }
0xd4: {  	v2 =	vld [tilespmem:s1+$0x2A80];
	_ =	sdelay $0x4  }
0xd5: {  	v1 =	vadd.f32 v1, v2;
	_ =	sdelay $0x1  }
0xd6: {  	[tilespmem:s1+$0x2A80] =	vst v1  }
0xd7: {  	[tilespmem:s29], [sflag:$0x1] =	stream.linear.gather [spmem:s13], $0x140, $0x38;
	[tilespmem:$0xF580] =	vst v63  }
0xd8: {  	_ =	swait.ge [sflag:s25], $0x140  }
0xd9: {  	[sflag:s25] =	ssyncset.done $0x0  }
0xda: {  	s1 =	simm.s32 $0x0;
	[sflag:s25] =	ssyncadd.s32 $0xFFFFFEC0  }
0xdb: {  	s3 =	simm.s32 $0x40;
	v1 =	vld [tilespmem:s1+$0x2900]  }
.LBB2_24:
0xdc: {  	p0 =	sne.s32 s3, $0x4C0;
	v2 =	vld [tilespmem:s1+$0x2A80];
	_ =	sdelay $0x2  }
.Ltmp11:
0xdd: {  	(pc) =	sbr.rel @p0 .LBB2_24-.Ltmp11, $4  }
0xde: {  	_ = 	snop  }
0xdf: {  	v2 =	vadd.f32 v1, v2  }
0xe0: {  	s5 =	sshra.s32 s3, $0x2  }
0xe1: {  	s3 =	sadd.s32 $0x40, s3;
	v1 =	vld [tilespmem:s5+$0x2900];
	[tilespmem:s1+$0x2A80] =	vst v2;
	s1 =	smov.u32 s5  }
0xe2: {  	v2 =	vld [tilespmem:s1+$0x2A80];
	_ =	sdelay $0x4  }
0xe3: {  	v1 =	vadd.f32 v1, v2;
	_ =	sdelay $0x1  }
0xe4: {  	[tilespmem:s1+$0x2A80] =	vst v1  }
0xe5: {  	[tilespmem:s29], [sflag:$0x1] =	stream.linear.gather [spmem:s14], $0x140, $0x38;
	[tilespmem:$0xF580] =	vst v63  }
0xe6: {  	_ =	swait.ge [sflag:s25], $0x140  }
0xe7: {  	[sflag:s25] =	ssyncset.done $0x0  }
0xe8: {  	s1 =	simm.s32 $0x0;
	[sflag:s25] =	ssyncadd.s32 $0xFFFFFEC0  }
0xe9: {  	s3 =	simm.s32 $0x40;
	v1 =	vld [tilespmem:s1+$0x2900]  }
.LBB2_26:
0xea: {  	p0 =	sne.s32 s3, $0x4C0;
	v2 =	vld [tilespmem:s1+$0x2A80];
	_ =	sdelay $0x2  }
.Ltmp12:
0xeb: {  	(pc) =	sbr.rel @p0 .LBB2_26-.Ltmp12, $4  }
0xec: {  	_ = 	snop  }
0xed: {  	v2 =	vadd.f32 v1, v2  }
0xee: {  	s5 =	sshra.s32 s3, $0x2  }
0xef: {  	s3 =	sadd.s32 $0x40, s3;
	v1 =	vld [tilespmem:s5+$0x2900];
	[tilespmem:s1+$0x2A80] =	vst v2;
	s1 =	smov.u32 s5  }
0xf0: {  	v2 =	vld [tilespmem:s1+$0x2A80];
	_ =	sdelay $0x4  }
0xf1: {  	v1 =	vadd.f32 v1, v2;
	_ =	sdelay $0x1  }
0xf2: {  	[tilespmem:s1+$0x2A80] =	vst v1  }
0xf3: {  	[tilespmem:s29], [sflag:$0x1] =	stream.linear.gather [spmem:s15], $0x140, $0x38;
	[tilespmem:$0xF580] =	vst v63  }
0xf4: {  	_ =	swait.ge [sflag:s25], $0x140  }
0xf5: {  	[sflag:s25] =	ssyncset.done $0x0  }
0xf6: {  	s1 =	simm.s32 $0x0;
	[sflag:s25] =	ssyncadd.s32 $0xFFFFFEC0  }
0xf7: {  	s3 =	simm.s32 $0x40;
	v1 =	vld [tilespmem:s1+$0x2900]  }
.LBB2_28:
0xf8: {  	p0 =	sne.s32 s3, $0x4C0;
	v2 =	vld [tilespmem:s1+$0x2A80];
	_ =	sdelay $0x2  }
.Ltmp13:
0xf9: {  	(pc) =	sbr.rel @p0 .LBB2_28-.Ltmp13, $4  }
0xfa: {  	_ = 	snop  }
0xfb: {  	v2 =	vadd.f32 v1, v2  }
0xfc: {  	s5 =	sshra.s32 s3, $0x2  }
0xfd: {  	s3 =	sadd.s32 $0x40, s3;
	v1 =	vld [tilespmem:s5+$0x2900];
	[tilespmem:s1+$0x2A80] =	vst v2;
	s1 =	smov.u32 s5  }
0xfe: {  	v2 =	vld [tilespmem:s1+$0x2A80];
	_ =	sdelay $0x4  }
0xff: {  	v1 =	vadd.f32 v1, v2;
	_ =	sdelay $0x1  }
0x100: {  	[tilespmem:s1+$0x2A80] =	vst v1  }
0x101: {  	[tilespmem:s29], [sflag:$0x1] =	stream.linear.gather [spmem:s16], $0x140, $0x38;
	[tilespmem:$0xF580] =	vst v63  }
0x102: {  	_ =	swait.ge [sflag:s25], $0x140  }
0x103: {  	[sflag:s25] =	ssyncset.done $0x0  }
0x104: {  	s1 =	simm.s32 $0x0;
	[sflag:s25] =	ssyncadd.s32 $0xFFFFFEC0  }
0x105: {  	s3 =	simm.s32 $0x40;
	v1 =	vld [tilespmem:s1+$0x2900]  }
.LBB2_30:
0x106: {  	p0 =	sne.s32 s3, $0x4C0;
	v2 =	vld [tilespmem:s1+$0x2A80];
	_ =	sdelay $0x2  }
.Ltmp14:
0x107: {  	(pc) =	sbr.rel @p0 .LBB2_30-.Ltmp14, $4  }
0x108: {  	_ = 	snop  }
0x109: {  	v2 =	vadd.f32 v1, v2  }
0x10a: {  	s5 =	sshra.s32 s3, $0x2  }
0x10b: {  	s3 =	sadd.s32 $0x40, s3;
	v1 =	vld [tilespmem:s5+$0x2900];
	[tilespmem:s1+$0x2A80] =	vst v2;
	s1 =	smov.u32 s5  }
0x10c: {  	v2 =	vld [tilespmem:s1+$0x2A80];
	_ =	sdelay $0x4  }
0x10d: {  	v1 =	vadd.f32 v1, v2;
	_ =	sdelay $0x1  }
0x10e: {  	[tilespmem:s1+$0x2A80] =	vst v1  }
0x10f: {  	[tilespmem:s29], [sflag:$0x1] =	stream.linear.gather [spmem:s17], $0x140, $0x38;
	[tilespmem:$0xF580] =	vst v63  }
0x110: {  	_ =	swait.ge [sflag:s25], $0x140  }
0x111: {  	[sflag:s25] =	ssyncset.done $0x0  }
0x112: {  	s1 =	simm.s32 $0x0;
	[sflag:s25] =	ssyncadd.s32 $0xFFFFFEC0  }
0x113: {  	s3 =	simm.s32 $0x40;
	v1 =	vld [tilespmem:s1+$0x2900]  }
.LBB2_32:
0x114: {  	p0 =	sne.s32 s3, $0x4C0;
	v2 =	vld [tilespmem:s1+$0x2A80];
	_ =	sdelay $0x2  }
.Ltmp15:
0x115: {  	(pc) =	sbr.rel @p0 .LBB2_32-.Ltmp15, $4  }
0x116: {  	_ = 	snop  }
0x117: {  	v2 =	vadd.f32 v1, v2  }
0x118: {  	s5 =	sshra.s32 s3, $0x2  }
0x119: {  	s3 =	sadd.s32 $0x40, s3;
	v1 =	vld [tilespmem:s5+$0x2900];
	[tilespmem:s1+$0x2A80] =	vst v2;
	s1 =	smov.u32 s5  }
0x11a: {  	v2 =	vld [tilespmem:s1+$0x2A80];
	_ =	sdelay $0x4  }
0x11b: {  	v1 =	vadd.f32 v1, v2;
	_ =	sdelay $0x1  }
0x11c: {  	[tilespmem:s1+$0x2A80] =	vst v1  }
0x11d: {  	[tilespmem:s29], [sflag:$0x1] =	stream.linear.gather [spmem:s18], $0x140, $0x38;
	[tilespmem:$0xF580] =	vst v63  }
0x11e: {  	_ =	swait.ge [sflag:s25], $0x140  }
0x11f: {  	[sflag:s25] =	ssyncset.done $0x0  }
0x120: {  	s1 =	simm.s32 $0x0;
	[sflag:s25] =	ssyncadd.s32 $0xFFFFFEC0  }
0x121: {  	s3 =	simm.s32 $0x40;
	v1 =	vld [tilespmem:s1+$0x2900]  }
.LBB2_34:
0x122: {  	p0 =	sne.s32 s3, $0x4C0;
	v2 =	vld [tilespmem:s1+$0x2A80];
	_ =	sdelay $0x2  }
.Ltmp16:
0x123: {  	(pc) =	sbr.rel @p0 .LBB2_34-.Ltmp16, $4  }
0x124: {  	_ = 	snop  }
0x125: {  	v2 =	vadd.f32 v1, v2  }
0x126: {  	s5 =	sshra.s32 s3, $0x2  }
0x127: {  	s3 =	sadd.s32 $0x40, s3;
	v1 =	vld [tilespmem:s5+$0x2900];
	[tilespmem:s1+$0x2A80] =	vst v2;
	s1 =	smov.u32 s5  }
0x128: {  	v2 =	vld [tilespmem:s1+$0x2A80];
	_ =	sdelay $0x4  }
0x129: {  	v1 =	vadd.f32 v1, v2;
	_ =	sdelay $0x1  }
0x12a: {  	[tilespmem:s1+$0x2A80] =	vst v1  }
0x12b: {  	[tilespmem:s29], [sflag:$0x1] =	stream.linear.gather [spmem:s19], $0x140, $0x38;
	[tilespmem:$0xF580] =	vst v63  }
0x12c: {  	_ =	swait.ge [sflag:s25], $0x140  }
0x12d: {  	[sflag:s25] =	ssyncset.done $0x0  }
0x12e: {  	s1 =	simm.s32 $0x0;
	[sflag:s25] =	ssyncadd.s32 $0xFFFFFEC0  }
0x12f: {  	s5 =	simm.s32 $0x40;
	s3 =	simm.s32 $0x0;
	v1 =	vld [tilespmem:s1+$0x2900]  }
.LBB2_36:
0x130: {  	p0 =	sne.s32 s5, $0x4C0;
	v2 =	vld [tilespmem:s3+$0x2A80];
	_ =	sdelay $0x2  }
.Ltmp17:
0x131: {  	(pc) =	sbr.rel @p0 .LBB2_36-.Ltmp17, $4  }
0x132: {  	_ = 	snop  }
0x133: {  	v2 =	vadd.f32 v1, v2  }
0x134: {  	s6 =	sshra.s32 s5, $0x2  }
0x135: {  	s5 =	sadd.s32 $0x40, s5;
	v1 =	vld [tilespmem:s6+$0x2900];
	[tilespmem:s3+$0x2A80] =	vst v2;
	s3 =	smov.u32 s6  }
0x136: {  	v2 =	vld [tilespmem:s3+$0x2A80];
	_ =	sdelay $0x4  }
0x137: {  	v1 =	vadd.f32 v1, v2;
	_ =	sdelay $0x1  }
0x138: {  	[tilespmem:s3+$0x2A80] =	vst v1  }
0x139: {  	v1 =	vld [tilespmem:s1+$0x2A80];
	_ =	sdelay $0x3  }
0x13a: {  	s31 =	simm.s32 $0x10  }
0x13b: {  	v2 =	vld [tilespmem:s31+$0x2A80];
	v1 =	vadd.f32 $1.000000000e+00, v1;
	_ =	sdelay $0x1  }
0x13c: {  	v3 =	vshra.s32 v1, $0x1;
	v5 =	vmul.f32 $5.000000000e-01, v1  }
0x13d: {  	s3 =	simm.s32 $0x20;
	v1 =	vsub.s32 $0x5F3759DF, v3  }
0x13e: {  	v4 =	vld [tilespmem:s3+$0x2A80];
	v3 =	vmul.f32 v1, v5  }
0x13f: {  	v2 =	vadd.f32 $1.000000000e+00, v2  }
0x140: {  	v3 =	vmul.f32 v1, v3  }
0x141: {  	v6 =	vshra.s32 v2, $0x1;
	v9 =	vmul.f32 $5.000000000e-01, v2  }
0x142: {  	s5 =	simm.s32 $0x30;
	v2 =	vsub.s32 $0x5F3759DF, v6;
	v3 =	vsub.f32 $1.500000000e+00, v3  }
0x143: {  	v7 =	vld [tilespmem:s5+$0x2A80];
	v4 =	vadd.f32 $1.000000000e+00, v4;
	v6 =	vmul.f32 v2, v9  }
0x144: {  	v8 =	vmul.f32 v1, v3  }
0x145: {  	s6 =	simm.s32 $0x40;
	v1 =	vmul.f32 v2, v6;
	v6 =	vshra.s32 v4, $0x1;
	v3 =	vmul.f32 $5.000000000e-01, v4  }
0x146: {  	v10 =	vld [tilespmem:s6+$0x2A80];
	v4 =	vsub.s32 $0x5F3759DF, v6;
	v6 =	vmul.f32 v8, v5  }
0x147: {  	v11 =	vmul.f32 v4, v3;
	v1 =	vsub.f32 $1.500000000e+00, v1  }
0x148: {  	v7 =	vadd.f32 $1.000000000e+00, v7;
	v6 =	vmul.f32 v6, v8  }
0x149: {  	v11 =	vmul.f32 v4, v11;
	v12 =	vmul.f32 v2, v1  }
0x14a: {  	v2 =	vshra.s32 v7, $0x1;
	v1 =	vmul.f32 $5.000000000e-01, v7;
	v6 =	vsub.f32 $1.500000000e+00, v6  }
0x14b: {  	s7 =	simm.s32 $0x50;
	v10 =	vadd.f32 $1.000000000e+00, v10;
	v7 =	vsub.s32 $0x5F3759DF, v2;
	v2 =	vmul.f32 v12, v9  }
0x14c: {  	v13 =	vmul.f32 v7, v1;
	v11 =	vsub.f32 $1.500000000e+00, v11;
	v8 =	vmul.f32 v6, v8;
	v6 =	vld [tilespmem:s7+$0x2A80]  }
0x14d: {  	v15 =	vshra.s32 v10, $0x1;
	v14 =	vmul.f32 v2, v12;
	v2 =	vmul.f32 $5.000000000e-01, v10  }
0x14e: {  	v15 =	vsub.s32 $0x5F3759DF, v15;
	v10 =	vmul.f32 v4, v11;
	v4 =	vmul.f32 v8, v5  }
0x14f: {  	v11 =	vmul.f32 v7, v13;
	v13 =	vmul.f32 v15, v2  }
0x150: {  	v14 =	vsub.f32 $1.500000000e+00, v14;
	v16 =	vmul.f32 v10, v3;
	v4 =	vmul.f32 v4, v8  }
0x151: {  	s8 =	simm.s32 $0x60;
	v11 =	vsub.f32 $1.500000000e+00, v11;
	v17 =	vmul.f32 v15, v13;
	v6 =	vadd.f32 $1.000000000e+00, v6  }
0x152: {  	v13 =	vmul.f32 v16, v10;
	v14 =	vmul.f32 v14, v12;
	v12 =	vld [tilespmem:s8+$0x2A80];
	v16 =	vsub.f32 $1.500000000e+00, v4  }
0x153: {  	v18 =	vshra.s32 v6, $0x1;
	v4 =	vmul.f32 $5.000000000e-01, v6;
	v6 =	vmul.f32 v7, v11  }
0x154: {  	v11 =	vmul.f32 v14, v9;
	v7 =	vsub.s32 $0x5F3759DF, v18;
	v20 =	vmul.f32 v16, v8  }
0x155: {  	v18 =	vsub.f32 $1.500000000e+00, v13;
	v8 =	vmul.f32 v7, v4;
	v16 =	vmul.f32 v6, v1  }
0x156: {  	v11 =	vmul.f32 v11, v14;
	v5 =	vmul.f32 v20, v5  }
0x157: {  	v10 =	vmul.f32 v18, v10;
	v13 =	vmul.f32 v7, v8;
	v8 =	vadd.f32 $1.000000000e+00, v12  }
0x158: {  	s9 =	simm.s32 $0x70;
	v16 =	vmul.f32 v16, v6;
	v12 =	vsub.f32 $1.500000000e+00, v17;
	v18 =	vmul.f32 v5, v20  }
0x159: {  	v19 =	vld [tilespmem:s9+$0x2A80];
	v17 =	vshra.s32 v8, $0x1;
	v5 =	vmul.f32 $5.000000000e-01, v8;
	v8 =	vsub.f32 $1.500000000e+00, v11  }
0x15a: {  	v12 =	vmul.f32 v15, v12;
	v15 =	vmul.f32 v10, v3;
	v11 =	vsub.s32 $0x5F3759DF, v17  }
0x15b: {  	v21 =	vmul.f32 v11, v5;
	v8 =	vmul.f32 v8, v14  }
0x15c: {  	v22 =	vsub.f32 $1.500000000e+00, v18;
	v14 =	vmul.f32 v12, v2;
	v17 =	vmul.f32 v15, v10  }
0x15d: {  	v16 =	vsub.f32 $1.500000000e+00, v16;
	v18 =	vmul.f32 v11, v21;
	v15 =	vmul.f32 v8, v9  }
0x15e: {  	s10 =	simm.s32 $0x200;
	v19 =	vadd.f32 $1.000000000e+00, v19;
	v14 =	vmul.f32 v14, v12;
	v9 =	vmul.f32 v22, v20  }
.LBB2_38:
0x15f: {  	s11 =	sshra.s32 s10, $0x2;
	p0 =	sne.s32 s10, $0x4C0;
	s10 =	sadd.s32 $0x40, s10;
	v20 =	vsub.f32 $1.500000000e+00, v13;
	v21 =	vmul.f32 v16, v6;
	v15 =	vmul.f32 v15, v8;
	v6 =	vmovc v12;
	v22 =	vmovc v8  }
0x160: {  	v17 =	vsub.f32 $1.500000000e+00, v17;
	v13 =	vmovc v18;
	v23 =	vld [tilespmem:s11+$0x2A80];
	v8 =	vshra.s32 v19, $0x1;
	v24 =	vmul.f32 $5.000000000e-01, v19;
	[tilespmem:s1+$0x2C00] =	vst v9;
	s1 =	smov.u32 s31;
	s31 =	smov.u32 s3;
	s3 =	smov.u32 s5  }
.Ltmp18:
0x161: {  	s5 =	smov.u32 s6;
	s6 =	smov.u32 s7;
	v12 =	vmul.f32 v7, v20;
	v9 =	vmul.f32 v21, v1;
	v7 =	vmovc v11;
	v11 =	vsub.s32 $0x5F3759DF, v8;
	(pc) =	sbr.rel @p0 .LBB2_38-.Ltmp18, $4  }
0x162: {  	v16 =	vsub.f32 $1.500000000e+00, v14;
	s7 =	smov.u32 s8;
	s8 =	smov.u32 s9;
	s9 =	smov.u32 s11;
	v8 =	vmul.f32 v17, v10;
	v10 =	vmovc v21;
	v18 =	vmul.f32 v11, v24  }
0x163: {  	v14 =	vmul.f32 v12, v4;
	v17 =	vmul.f32 v9, v10;
	v9 =	vsub.f32 $1.500000000e+00, v15  }
0x164: {  	v15 =	vmul.f32 v8, v3;
	v3 =	vmovc v1;
	v1 =	vmovc v2;
	v2 =	vmov v4;
	v18 =	vmul.f32 v11, v18  }
0x165: {  	v4 =	vmovc v5;
	v5 =	vmovc v24;
	v19 =	vadd.f32 $1.000000000e+00, v23;
	v14 =	vmul.f32 v14, v12;
	v9 =	vmul.f32 v9, v22  }
0x166: {  	_ = 	snop  }
0x167: {  	v20 =	vshra.s32 v19, $0x1;
	v41 =	vmul.f32 $5.000000000e-01, v19  }
0x168: {  	v20 =	vsub.s32 $0x5F3759DF, v20  }
0x169: {  	v21 =	vmul.f32 v20, v41;
	_ =	sdelay $0x1  }
0x16a: {  	v13 =	vsub.f32 $1.500000000e+00, v13;
	v21 =	vmul.f32 v20, v21  }
0x16b: {  	v17 =	vsub.f32 $1.500000000e+00, v17;
	v42 =	vsub.f32 $1.500000000e+00, v18  }
0x16c: {  	v6 =	vmul.f32 v16, v6;
	v7 =	vmul.f32 v7, v13;
	v43 =	vsub.f32 $1.500000000e+00, v21  }
0x16d: {  	v10 =	vmul.f32 v17, v10;
	v11 =	vmul.f32 v11, v42  }
0x16e: {  	v44 =	vmul.f32 v7, v4;
	v16 =	vmul.f32 v20, v43  }
0x16f: {  	v14 =	vsub.f32 $1.500000000e+00, v14;
	v45 =	vmul.f32 v6, v1;
	v46 =	vmul.f32 v11, v5  }
0x170: {  	v17 =	vmul.f32 v44, v7;
	v47 =	vmul.f32 v16, v41  }
0x171: {  	v12 =	vmul.f32 v14, v12;
	v18 =	vmul.f32 v46, v11  }
0x172: {  	v15 =	vmul.f32 v15, v8;
	v17 =	vsub.f32 $1.500000000e+00, v17;
	v14 =	vmul.f32 v47, v16  }
0x173: {  	v13 =	vmul.f32 v45, v6;
	v48 =	vmul.f32 v12, v2;
	v18 =	vsub.f32 $1.500000000e+00, v18  }
0x174: {  	v3 =	vmul.f32 v10, v3;
	v7 =	vmul.f32 v17, v7;
	v14 =	vsub.f32 $1.500000000e+00, v14  }
0x175: {  	v13 =	vsub.f32 $1.500000000e+00, v13;
	v50 =	vmul.f32 v48, v12;
	v11 =	vmul.f32 v18, v11  }
0x176: {  	v49 =	vmul.f32 v7, v4;
	v14 =	vmul.f32 v14, v16  }
0x177: {  	v15 =	vsub.f32 $1.500000000e+00, v15;
	v6 =	vmul.f32 v13, v6;
	v51 =	vmul.f32 v11, v5  }
0x178: {  	v13 =	vmul.f32 v49, v7;
	v52 =	vmul.f32 v14, v41  }
0x179: {  	v53 =	vmul.f32 v15, v8;
	v54 =	vsub.f32 $1.500000000e+00, v50;
	v55 =	vmul.f32 v51, v11  }
0x17a: {  	v1 =	vmul.f32 v6, v1;
	v13 =	vsub.f32 $1.500000000e+00, v13;
	v56 =	vmul.f32 v52, v14  }
0x17b: {  	v3 =	vmul.f32 v3, v10;
	v12 =	vmul.f32 v54, v12;
	v57 =	vsub.f32 $1.500000000e+00, v55  }
0x17c: {  	v1 =	vmul.f32 v1, v6;
	v7 =	vmul.f32 v13, v7;
	v58 =	vsub.f32 $1.500000000e+00, v56  }
0x17d: {  	v2 =	vmul.f32 v12, v2;
	v11 =	vmul.f32 v57, v11  }
0x17e: {  	v59 =	vmul.f32 v7, v4;
	v13 =	vmul.f32 v58, v14  }
0x17f: {  	v3 =	vsub.f32 $1.500000000e+00, v3;
	v2 =	vmul.f32 v2, v12;
	v60 =	vmul.f32 v11, v5  }
0x180: {  	v1 =	vsub.f32 $1.500000000e+00, v1;
	v4 =	vmul.f32 v59, v7;
	v14 =	vmul.f32 v13, v41  }
0x181: {  	[tilespmem:s1+$0x2C00] =	vst v9;
	v3 =	vmul.f32 v3, v10;
	v2 =	vsub.f32 $1.500000000e+00, v2;
	v5 =	vmul.f32 v60, v11  }
0x182: {  	[tilespmem:s31+$0x2C00] =	vst v53;
	v1 =	vmul.f32 v1, v6;
	v4 =	vsub.f32 $1.500000000e+00, v4;
	v61 =	vmul.f32 v14, v13  }
0x183: {  	s10 =	simm.s32 $0x0;
	[tilespmem:s3+$0x2C00] =	vst v3;
	v2 =	vmul.f32 v2, v12;
	v3 =	vsub.f32 $1.500000000e+00, v5  }
0x184: {  	v63 =	vmov s10;
	[tilespmem:s5+$0x2C00] =	vst v1;
	v1 =	vmul.f32 v4, v7;
	v62 =	vsub.f32 $1.500000000e+00, v61  }
0x185: {  	[tilespmem:s6+$0x2C00] =	vst v2;
	v2 =	vmul.f32 v3, v11  }
0x186: {  	[tilespmem:s7+$0x2C00] =	vst v1;
	v1 =	vmul.f32 v62, v13  }
0x187: {  	[tilespmem:s8+$0x2C00] =	vst v2  }
0x188: {  	[tilespmem:s9+$0x2C00] =	vst v1  }
0x189: {  	v1 =	vld.idx.msk [tilespmem:v63+s30+$0x0], $0xffff;
	_ =	sdelay $0x1  }
0x18a: {  	s11 =	simm.s32 $0x1  }
0x18b: {  	v2 =	vmov s11;
	_ =	sdelay $0x1  }
0x18c: {  	v1 =	vmul.f32 v1, v1  }
0x18d: {  	s1 =	simm.s32 $0x2D80  }
0x18e: {  	[tilespmem:s1+$0x0] =	vst v1  }
0x18f: {  	v2 =	vld.idx.msk [tilespmem:v2+s30+$0x0], $0xffff;
	_ =	sdelay $0x1  }
0x190: {  	s31 =	simm.s32 $0x2  }
0x191: {  	s3 =	simm.s32 $0x3;
	v1 =	vmov s31  }
.LBB2_40:
0x192: {  	p0 =	sne.s32 s3, $0x13F  }
0x193: {  	v2 =	vmul.f32 v2, v2  }
0x194: {  	s1 =	sadd.s32 $0x80, s1  }
0x195: {  	[tilespmem:s1+$0x0] =	vst v2  }
.Ltmp19:
0x196: {  	v2 =	vld.idx.msk [tilespmem:v1+s30+$0x0], $0xffff;
	(pc) =	sbr.rel @p0 .LBB2_40-.Ltmp19, $2  }
0x197: {  	_ =	sdelay $0x2  }
0x198: {  	v1 =	vmov s3;
	s3 =	sadd.s32 $0x1, s3  }
0x199: {  	_ = 	snop  }
0x19a: {  	v2 =	vmul.f32 v2, v2  }
0x19b: {  	s1 =	sadd.s32 $0x80, s1  }
0x19c: {  	[tilespmem:s1+$0x0] =	vst v2  }
0x19d: {  	v1 =	vld.idx.msk [tilespmem:v1+s30+$0x0], $0xffff;
	_ =	sdelay $0x4  }
0x19e: {  	v1 =	vmul.f32 v1, v1  }
0x19f: {  	s1 =	sadd.s32 $0x80, s1  }
0x1a0: {  	[tilespmem:s1+$0x0] =	vst v1  }
0x1a1: {  	[hbm4b:s20+s2] =	stream.linear.scatter [tilespmem:s30], [sflag:$0x1], $0x140, $0x38;
	[tilespmem:$0xF580] =	vst v63  }
0x1a2: {  	s0 =	sadd.s32 $0x1, s0;
	_ =	swait.ge [sflag:s25], $0x140  }
0x1a3: {  	p0 =	sne.s32 s0, s22;
	[sflag:s25] =	ssyncset.done $0x0  }
.Ltmp20:
0x1a4: {  	s31 =	simm.s32 $0x2D80;
	[sflag:s25] =	ssyncadd.s32 $0xFFFFFEC0;
	(pc) =	sbr.rel @p0 .LBB2_1-.Ltmp20, $4  }
0x1a5: {  	[hbm4b:s21+s2] =	stream.linear.scatter [tilespmem:s31], [sflag:$0x1], $0xA000, $0x38;
	[tilespmem:$0xF580] =	vst v63  }
0x1a6: {  	_ =	swait.ge [sflag:s25], $0xA000  }
0x1a7: {  	[sflag:s25] =	ssyncset.done $0x0  }
0x1a8: {  	[sflag:s25] =	ssyncadd.s32 $0xFFFF6000  }
0x1a9: {  	_ =	sfence.sel $0x180000  }
0x1aa: {  	[bflag:$0x0] =	sbarrier.arrive $0xFFFF  }
0x1ab: {  	_ =	strace $0x90000047  }
0x1ac: {  	s0 =	stileid.u32;
	[bflag:$0x2] =	sbarrier.arrive $0xFFFF  }
0x1ad: {  	p0 =	sne.s32 s0, $0x0;
	s0 =	rddreg [dreg:$0x2]  }
0x1ae: {  	s0 =	sadd.s32 @!p0 $0x100000, s0  }
0x1af: {  	[sflag:s0] =	ssyncadd.tile.s32 @!p0 $0x1;
	_ =	shalt  }
.Lfunc_end2:
_tile_overlayer_lowered:
.L_overlay_start_2:
0x1b0: {  	(tag) =	ssettag $0x2  }
0x1b1: {  	s0 =	rddreg [dreg:$0x0];
	s2 =	stileid.u32  }
0x1b2: {  	s1 =	rddreg [dreg:$0x1];
	p0 =	sne.s32 s2, $0x0  }
0x1b3: {  	s3 =	rddreg [dreg:$0x2];
	[bflag:$0x3] =	sbarrier.arrive $0xFFFF;
	s2 =	simm.s32 @!p0 $0x1C01  }
0x1b4: {  	[timem:s3], [sflag:s2] =	dma.local @!p0 [hbm:s0], s1  }
0x1b5: {  	s0 =	simm.s32 @!p0 $0x1  }
0x1b6: {  	_ =	swait.ge @!p0 [sflag:s0], s1  }
0x1b7: {  	s1 =	ssub.s32 @!p0 $0x0, s1;
	[sflag:s0] =	ssyncset.done @!p0 $0x0  }
0x1b8: {  	[sflag:s0] =	ssyncadd.s32 @!p0 s1  }
0x1b9: {  	[bflag:$0x3] =	sbarrier.arrive $0xFFFF  }
0x1ba: {  	_ =	shalt  }

</sc_bundles>
